<compile_context>
chip_gen: v7x
topology: tpu7x:2x2x1
jax: 0.10.2.dev20260603
libtpu: 0.0.44.dev20260713+nightly
codegen_flags: <defaults>
</compile_context>

<pallas_src>
import jax
import jax.numpy as jnp
from jax import lax
from jax.experimental import pallas as pl
from jax.experimental.pallas import tpu as pltpu
from jax.experimental.pallas import tpu_sc as plsc

B, C, H, W = 8, 150, 224, 224
NCH = 12
NW = 32
WPB = NW // B
H_SC = 16
H_TC = H - H_SC
NROWS = 8
SPB = H_SC // NROWS
SC_WORKERS = B * SPB
LANES = 16
DEPTH = 4


def _tree_max(vals):
    while len(vals) > 1:
        nxt = [jnp.maximum(vals[i], vals[i + 1])
               for i in range(0, len(vals) - 1, 2)]
        if len(vals) % 2:
            nxt.append(vals[-1])
        vals = nxt
    return vals[0]


def _sc_body(a_hbm, idx_hbm, out_hbm, idx_v, buf_v, out_v, sem_in, sem_out):
    cid = lax.axis_index("c")
    sid = lax.axis_index("s")
    wid = sid * 2 + cid

    @pl.when(wid < SC_WORKERS)
    def _():
        b = wid // SPB
        pr0 = H_TC + (wid % SPB) * NROWS

        pltpu.sync_copy(idx_hbm, idx_v.at[pl.ds(0, NCH)])
        pvec = idx_v[...]
        base = b * C
        for j in range(NCH):
            pltpu.async_copy(
                a_hbm.at[pvec[j] + base, pl.ds(pr0, NROWS), :],
                buf_v.at[j], sem_in)
        pltpu.make_async_copy(
            a_hbm.at[pl.ds(0, NCH), pl.ds(0, NROWS), :], buf_v, sem_in).wait()

        def rbody(r, _):
            for c in range(W // LANES):
                sl = pl.ds(c * LANES, LANES)
                acc = _tree_max([buf_v[j, r, sl] for j in range(NCH)])
                out_v[r, sl] = acc * 5.0
            return 0

        lax.fori_loop(0, NROWS, rbody, 0)
        r_out = b * H_SC + (wid % SPB) * NROWS
        pltpu.async_copy(
            out_v, out_hbm.at[pl.ds(r_out, NROWS), :], sem_out).wait()


def _tc_body(idx_ref, a_any, o_any, bufs, acc, sem, osem):
    def mk(j):
        return pltpu.make_async_copy(
            a_any.at[:, idx_ref[j], pl.ds(0, H_TC), :],
            bufs.at[j % DEPTH], sem)

    for j in range(DEPTH):
        mk(j).start()
    for j in range(NCH):
        mk(j).wait()
        if j == 0:
            acc[...] = bufs[0]
        elif j == NCH - 1:
            acc[...] = jnp.maximum(acc[...], bufs[j % DEPTH]) * 5.0
        else:
            acc[...] = jnp.maximum(acc[...], bufs[j % DEPTH])
        if j + DEPTH < NCH:
            mk(j + DEPTH).start()
    out_cp = pltpu.make_async_copy(
        acc, o_any.at[:, pl.ds(0, H_TC), :], osem)
    out_cp.start()
    out_cp.wait()


@jax.jit
def kernel(ade_objects, ade_children_mapped):
    idx = ade_children_mapped.astype(jnp.int32)
    a3 = ade_objects.reshape(B * C, H, W)

    sc_run = pl.kernel(
        _sc_body,
        jax.ShapeDtypeStruct((B * H_SC, W), jnp.float32),
        mesh=plsc.VectorSubcoreMesh(core_axis_name="c", subcore_axis_name="s"),
        scratch_types=[
            pltpu.VMEM((LANES,), jnp.int32),
            pltpu.VMEM((NCH, NROWS, W), jnp.float32),
            pltpu.VMEM((NROWS, W), jnp.float32),
            pltpu.SemaphoreType.DMA,
            pltpu.SemaphoreType.DMA,
        ],
    )
    out_sc = sc_run(a3, idx)

    out_tc = pl.pallas_call(
        _tc_body,
        grid_spec=pltpu.PrefetchScalarGridSpec(
            num_scalar_prefetch=1,
            grid=(),
            in_specs=[pl.BlockSpec(memory_space=pl.ANY)],
            out_specs=pl.BlockSpec(memory_space=pl.ANY),
            scratch_shapes=[
                pltpu.VMEM((DEPTH, B, H_TC, W), jnp.float32),
                pltpu.VMEM((B, H_TC, W), jnp.float32),
                pltpu.SemaphoreType.DMA,
                pltpu.SemaphoreType.DMA,
            ],
        ),
        out_shape=jax.ShapeDtypeStruct((B, H, W), jnp.float32),
    )(idx, ade_objects)

    return lax.dynamic_update_slice(
        out_tc, out_sc.reshape(B, H_SC, W), (0, H_TC, 0))

# --- scband reference (transcript-rebuilt; emitter-appended) ---
"""Pipeline reference for scband-synset-from-adepredictor-25683904430563 (READ-ONLY COPY).

The authoritative reference and input builder live on the scoring server;
editing this copy changes nothing except your own understanding.
"""

import jax, jax.numpy as jnp
import numpy as np

LOGIT_STRENGTH = 5.0

def setup_inputs(seed: int = 0) -> dict:
    key = jax.random.key(seed)
    ade_objects = jax.random.uniform(key, (8, 150, 224, 224), dtype=jnp.float32)
    ade_children_mapped = jnp.array([8, 14, 23, 37, 42, 55, 68, 77, 91, 104, 118, 133], dtype=jnp.int32)
    return {"ade_objects": ade_objects, "ade_children_mapped": ade_children_mapped}

def reference(ade_objects, ade_children_mapped):
    # gather child-class logit maps along channel dim (index_select dim=1)
    selected = jnp.take(ade_objects, ade_children_mapped, axis=1)  # [B, n_children, H, W]
    pred = jnp.max(selected, axis=1)  # [B, H, W]
    return pred * LOGIT_STRENGTH

if __name__ == "__main__":
    import jax
    _d = setup_inputs()
    print(jax.jit(kernel)(*tuple(_d.values())))

</pallas_src>

<mosaic_0001>
#map = affine_map<(d0, d1) -> (0, 0, 0)>
#map1 = affine_map<(d0, d1) -> (0)>
#map2 = affine_map<(d0, d1) -> (0, 0)>
module attributes {stable_mosaic.version = 14 : i64} {
  func.func @_sc_body(%arg0: i32, %arg1: i32, %arg2: memref<1200x224x224xf32, #tpu.memory_space<hbm>>, %arg3: memref<12xi32, #tpu.memory_space<hbm>>, %arg4: memref<128x224xf32, #tpu.memory_space<hbm>>, %arg5: memref<16xi32, #tpu.memory_space<vmem>>, %arg6: memref<12x8x224xf32, #tpu.memory_space<vmem>>, %arg7: memref<8x224xf32, #tpu.memory_space<vmem>>, %arg8: memref<!tpu.dma_semaphore, #tpu.memory_space<semaphore_mem>>, %arg9: memref<!tpu.dma_semaphore, #tpu.memory_space<semaphore_mem>>) attributes {dimension_semantics = [#tpu.dimension_semantics<core_parallel>, #tpu.dimension_semantics<subcore_parallel>], iteration_bounds = array<i64: 2, 16>, scalar_prefetch = 0 : i64, scratch_operands = 5 : i64, tpu.core_type = #tpu.core_type<sc_vector_subcore>, window_params = [{transform_indices = #map}, {transform_indices = #map1}, {transform_indices = #map2}]} {
    %mul3A = arith.constant 2 : i32
    %mul3A_0 = arith.muli %arg1, %mul3A : i32
    %add3A = arith.addi %mul3A_0, %arg0 : i32
    %lt3A = arith.constant 16 : i32
    %lt3A_1 = arith.cmpi slt, %add3A, %lt3A : i32
    %convert_element_type3A = arith.extui %lt3A_1 : i1 to i32
    %cond3A = arith.constant 0 : i32
    %cond3A_2 = arith.cmpi ne, %convert_element_type3A, %cond3A : i32
    scf.if %cond3A_2 {
      %jit3A = arith.constant 2 : i32
      %div3A = arith.divsi %add3A, %jit3A : i32
      %sign3A = arith.constant 0 : i32
      %sign3A_3 = arith.cmpi sgt, %add3A, %sign3A : i32
      %sign3A_4 = arith.extui %sign3A_3 : i1 to i32
      %sign3A_5 = arith.constant 0 : i32
      %sign3A_6 = arith.cmpi slt, %add3A, %sign3A_5 : i32
      %sign3A_7 = arith.extui %sign3A_6 : i1 to i32
      %sign3A_8 = arith.subi %sign3A_4, %sign3A_7 : i32
      %sign3A_9 = arith.constant 0 : i32
      %sign3A_10 = arith.cmpi sgt, %jit3A, %sign3A_9 : i32
      %sign3A_11 = arith.extui %sign3A_10 : i1 to i32
      %sign3A_12 = arith.constant 0 : i32
      %sign3A_13 = arith.cmpi slt, %jit3A, %sign3A_12 : i32
      %sign3A_14 = arith.extui %sign3A_13 : i1 to i32
      %sign3A_15 = arith.subi %sign3A_11, %sign3A_14 : i32
      %ne3A = arith.cmpi ne, %sign3A_8, %sign3A_15 : i32
      %rem3A = arith.remsi %add3A, %jit3A : i32
      %ne3A_16 = arith.constant 0 : i32
      %ne3A_17 = arith.cmpi ne, %rem3A, %ne3A_16 : i32
      %and3A = arith.andi %ne3A, %ne3A_17 : i1
      %sub3A = arith.constant 1 : i32
      %sub3A_18 = arith.subi %div3A, %sub3A : i32
      %select_n3A = arith.select %and3A, %sub3A_18, %div3A : i32
      %jit3A_19 = arith.constant 2 : i32
      %eq3A = arith.constant 0 : i32
      %eq3A_20 = arith.cmpi eq, %jit3A_19, %eq3A : i32
      %jit3A_21 = arith.constant 1 : i32
      %select_n3A_22 = arith.select %eq3A_20, %jit3A_21, %jit3A_19 : i32
      %rem3A_23 = arith.remsi %add3A, %select_n3A_22 : i32
      %ne3A_24 = arith.constant 0 : i32
      %ne3A_25 = arith.cmpi ne, %rem3A_23, %ne3A_24 : i32
      %lt3A_26 = arith.constant 0 : i32
      %lt3A_27 = arith.cmpi slt, %rem3A_23, %lt3A_26 : i32
      %lt3A_28 = arith.constant 0 : i32
      %lt3A_29 = arith.cmpi slt, %select_n3A_22, %lt3A_28 : i32
      %ne3A_30 = arith.xori %lt3A_27, %lt3A_29 : i1
      %and3A_31 = arith.andi %ne3A_30, %ne3A_25 : i1
      %add3A_32 = arith.addi %rem3A_23, %select_n3A_22 : i32
      %select_n3A_33 = arith.select %and3A_31, %add3A_32, %rem3A_23 : i32
      %mul3A_34 = arith.constant 8 : i32
      %mul3A_35 = arith.muli %select_n3A_33, %mul3A_34 : i32
      %add3A_36 = arith.constant 208 : i32
      %add3A_37 = arith.addi %add3A_36, %mul3A_35 : i32
      "tpu.region"() ({
        %run_scoped3A = tpu.sem_alloc : memref<!tpu.dma_semaphore, #tpu.memory_space<semaphore_mem>>
        %dma_start3A_297 = arith.constant 0 : i32
        %dma_start3A_298 = tpu.memref_slice %arg5[%dma_start3A_297] : memref<16xi32, #tpu.memory_space<vmem>> -> memref<12xi32, #tpu.memory_space<vmem>>
        %dma_start3A_299 = arith.constant 0 : i32
        %dma_start3A_300 = tpu.memref_slice %arg5[%dma_start3A_299] : memref<16xi32, #tpu.memory_space<vmem>> -> memref<12xi32, #tpu.memory_space<vmem>>
        tpu.enqueue_dma source(%arg3 : memref<12xi32, #tpu.memory_space<hbm>>) target(%dma_start3A_300 : memref<12xi32, #tpu.memory_space<vmem>>) target_semaphore(%run_scoped3A : memref<!tpu.dma_semaphore, #tpu.memory_space<semaphore_mem>>)
        %dma_wait3A_301 = arith.constant 0 : i32
        %dma_wait3A_302 = tpu.memref_slice %arg5[%dma_wait3A_301] : memref<16xi32, #tpu.memory_space<vmem>> -> memref<12xi32, #tpu.memory_space<vmem>>
        %dma_wait3A_303 = arith.constant 0 : i32
        %dma_wait3A_304 = tpu.memref_slice %arg5[%dma_wait3A_303] : memref<16xi32, #tpu.memory_space<vmem>> -> memref<12xi32, #tpu.memory_space<vmem>>
        tpu.wait_dma2 semaphore(%run_scoped3A : memref<!tpu.dma_semaphore, #tpu.memory_space<semaphore_mem>>) src(%arg3 : memref<12xi32, #tpu.memory_space<hbm>>) dst(%dma_wait3A_304 : memref<12xi32, #tpu.memory_space<vmem>>)
        tpu.yield
      }) : () -> ()
      %get3A = arith.constant 0 : index
      %get3A_38 = tpu.vector_load %arg5[%get3A] {strides = array<i32>} : memref<16xi32, #tpu.memory_space<vmem>>, vector<16xi32>,
      %get3A_39 = vector.shape_cast %get3A_38 : vector<16xi32> to vector<16xi32>
      %mul3A_40 = arith.constant 150 : i32
      %mul3A_41 = arith.muli %select_n3A, %mul3A_40 : i32
      %slice3A = vector.extract_strided_slice %get3A_39 {offsets = [0], sizes = [1], strides = [1]} : vector<16xi32> to vector<1xi32>
      %squeeze3A = vector.extract %slice3A[0] : i32 from vector<1xi32>
      %add3A_42 = arith.addi %squeeze3A, %mul3A_41 : i32
      %dma_start3A = arith.constant 0 : i32
      %dma_start3A_43 = arith.constant 0 : i32
      %dma_start3A_44 = arith.constant 0 : i32
      %dma_start3A_45 = tpu.memref_slice %arg6[%dma_start3A, %dma_start3A_43, %dma_start3A_44] : memref<12x8x224xf32, #tpu.memory_space<vmem>> -> memref<1x8x224xf32, #tpu.memory_space<vmem>>
      %dma_start3A_46 = tpu.memref_squeeze %dma_start3A_45 : memref<1x8x224xf32, #tpu.memory_space<vmem>> -> memref<8x224xf32, #tpu.memory_space<vmem>>
      %dma_start3A_47 = arith.constant 0 : i32
      %dma_start3A_48 = tpu.memref_slice %arg2[%add3A_42, %add3A_37, %dma_start3A_47] : memref<1200x224x224xf32, #tpu.memory_space<hbm>> -> memref<1x8x224xf32, #tpu.memory_space<hbm>>
      %dma_start3A_49 = tpu.memref_squeeze %dma_start3A_48 : memref<1x8x224xf32, #tpu.memory_space<hbm>> -> memref<8x224xf32, #tpu.memory_space<hbm>>
      %dma_start3A_50 = arith.constant 0 : i32
      %dma_start3A_51 = arith.constant 0 : i32
      %dma_start3A_52 = tpu.memref_slice %arg6[%dma_start3A, %dma_start3A_50, %dma_start3A_51] : memref<12x8x224xf32, #tpu.memory_space<vmem>> -> memref<1x8x224xf32, #tpu.memory_space<vmem>>
      %dma_start3A_53 = tpu.memref_squeeze %dma_start3A_52 : memref<1x8x224xf32, #tpu.memory_space<vmem>> -> memref<8x224xf32, #tpu.memory_space<vmem>>
      %dma_start3A_54 = arith.constant 0 : i32
      %dma_start3A_55 = tpu.memref_slice %arg2[%add3A_42, %add3A_37, %dma_start3A_54] : memref<1200x224x224xf32, #tpu.memory_space<hbm>> -> memref<1x8x224xf32, #tpu.memory_space<hbm>>
      %dma_start3A_56 = tpu.memref_squeeze %dma_start3A_55 : memref<1x8x224xf32, #tpu.memory_space<hbm>> -> memref<8x224xf32, #tpu.memory_space<hbm>>
      tpu.enqueue_dma source(%dma_start3A_56 : memref<8x224xf32, #tpu.memory_space<hbm>>) target(%dma_start3A_53 : memref<8x224xf32, #tpu.memory_space<vmem>>) target_semaphore(%arg8 : memref<!tpu.dma_semaphore, #tpu.memory_space<semaphore_mem>>)
      %slice3A_57 = vector.extract_strided_slice %get3A_39 {offsets = [1], sizes = [1], strides = [1]} : vector<16xi32> to vector<1xi32>
      %squeeze3A_58 = vector.extract %slice3A_57[0] : i32 from vector<1xi32>
      %add3A_59 = arith.addi %squeeze3A_58, %mul3A_41 : i32
      %dma_start3A_60 = arith.constant 1 : i32
      %dma_start3A_61 = arith.constant 0 : i32
      %dma_start3A_62 = arith.constant 0 : i32
      %dma_start3A_63 = tpu.memref_slice %arg6[%dma_start3A_60, %dma_start3A_61, %dma_start3A_62] : memref<12x8x224xf32, #tpu.memory_space<vmem>> -> memref<1x8x224xf32, #tpu.memory_space<vmem>>
      %dma_start3A_64 = tpu.memref_squeeze %dma_start3A_63 : memref<1x8x224xf32, #tpu.memory_space<vmem>> -> memref<8x224xf32, #tpu.memory_space<vmem>>
      %dma_start3A_65 = arith.constant 0 : i32
      %dma_start3A_66 = tpu.memref_slice %arg2[%add3A_59, %add3A_37, %dma_start3A_65] : memref<1200x224x224xf32, #tpu.memory_space<hbm>> -> memref<1x8x224xf32, #tpu.memory_space<hbm>>
      %dma_start3A_67 = tpu.memref_squeeze %dma_start3A_66 : memref<1x8x224xf32, #tpu.memory_space<hbm>> -> memref<8x224xf32, #tpu.memory_space<hbm>>
      %dma_start3A_68 = arith.constant 0 : i32
      %dma_start3A_69 = arith.constant 0 : i32
      %dma_start3A_70 = tpu.memref_slice %arg6[%dma_start3A_60, %dma_start3A_68, %dma_start3A_69] : memref<12x8x224xf32, #tpu.memory_space<vmem>> -> memref<1x8x224xf32, #tpu.memory_space<vmem>>
      %dma_start3A_71 = tpu.memref_squeeze %dma_start3A_70 : memref<1x8x224xf32, #tpu.memory_space<vmem>> -> memref<8x224xf32, #tpu.memory_space<vmem>>
      %dma_start3A_72 = arith.constant 0 : i32
      %dma_start3A_73 = tpu.memref_slice %arg2[%add3A_59, %add3A_37, %dma_start3A_72] : memref<1200x224x224xf32, #tpu.memory_space<hbm>> -> memref<1x8x224xf32, #tpu.memory_space<hbm>>
      %dma_start3A_74 = tpu.memref_squeeze %dma_start3A_73 : memref<1x8x224xf32, #tpu.memory_space<hbm>> -> memref<8x224xf32, #tpu.memory_space<hbm>>
      tpu.enqueue_dma source(%dma_start3A_74 : memref<8x224xf32, #tpu.memory_space<hbm>>) target(%dma_start3A_71 : memref<8x224xf32, #tpu.memory_space<vmem>>) target_semaphore(%arg8 : memref<!tpu.dma_semaphore, #tpu.memory_space<semaphore_mem>>)
      %slice3A_75 = vector.extract_strided_slice %get3A_39 {offsets = [2], sizes = [1], strides = [1]} : vector<16xi32> to vector<1xi32>
      %squeeze3A_76 = vector.extract %slice3A_75[0] : i32 from vector<1xi32>
      %add3A_77 = arith.addi %squeeze3A_76, %mul3A_41 : i32
      %dma_start3A_78 = arith.constant 2 : i32
      %dma_start3A_79 = arith.constant 0 : i32
      %dma_start3A_80 = arith.constant 0 : i32
      %dma_start3A_81 = tpu.memref_slice %arg6[%dma_start3A_78, %dma_start3A_79, %dma_start3A_80] : memref<12x8x224xf32, #tpu.memory_space<vmem>> -> memref<1x8x224xf32, #tpu.memory_space<vmem>>
      %dma_start3A_82 = tpu.memref_squeeze %dma_start3A_81 : memref<1x8x224xf32, #tpu.memory_space<vmem>> -> memref<8x224xf32, #tpu.memory_space<vmem>>
      %dma_start3A_83 = arith.constant 0 : i32
      %dma_start3A_84 = tpu.memref_slice %arg2[%add3A_77, %add3A_37, %dma_start3A_83] : memref<1200x224x224xf32, #tpu.memory_space<hbm>> -> memref<1x8x224xf32, #tpu.memory_space<hbm>>
      %dma_start3A_85 = tpu.memref_squeeze %dma_start3A_84 : memref<1x8x224xf32, #tpu.memory_space<hbm>> -> memref<8x224xf32, #tpu.memory_space<hbm>>
      %dma_start3A_86 = arith.constant 0 : i32
      %dma_start3A_87 = arith.constant 0 : i32
      %dma_start3A_88 = tpu.memref_slice %arg6[%dma_start3A_78, %dma_start3A_86, %dma_start3A_87] : memref<12x8x224xf32, #tpu.memory_space<vmem>> -> memref<1x8x224xf32, #tpu.memory_space<vmem>>
      %dma_start3A_89 = tpu.memref_squeeze %dma_start3A_88 : memref<1x8x224xf32, #tpu.memory_space<vmem>> -> memref<8x224xf32, #tpu.memory_space<vmem>>
      %dma_start3A_90 = arith.constant 0 : i32
      %dma_start3A_91 = tpu.memref_slice %arg2[%add3A_77, %add3A_37, %dma_start3A_90] : memref<1200x224x224xf32, #tpu.memory_space<hbm>> -> memref<1x8x224xf32, #tpu.memory_space<hbm>>
      %dma_start3A_92 = tpu.memref_squeeze %dma_start3A_91 : memref<1x8x224xf32, #tpu.memory_space<hbm>> -> memref<8x224xf32, #tpu.memory_space<hbm>>
      tpu.enqueue_dma source(%dma_start3A_92 : memref<8x224xf32, #tpu.memory_space<hbm>>) target(%dma_start3A_89 : memref<8x224xf32, #tpu.memory_space<vmem>>) target_semaphore(%arg8 : memref<!tpu.dma_semaphore, #tpu.memory_space<semaphore_mem>>)
      %slice3A_93 = vector.extract_strided_slice %get3A_39 {offsets = [3], sizes = [1], strides = [1]} : vector<16xi32> to vector<1xi32>
      %squeeze3A_94 = vector.extract %slice3A_93[0] : i32 from vector<1xi32>
      %add3A_95 = arith.addi %squeeze3A_94, %mul3A_41 : i32
      %dma_start3A_96 = arith.constant 3 : i32
      %dma_start3A_97 = arith.constant 0 : i32
      %dma_start3A_98 = arith.constant 0 : i32
      %dma_start3A_99 = tpu.memref_slice %arg6[%dma_start3A_96, %dma_start3A_97, %dma_start3A_98] : memref<12x8x224xf32, #tpu.memory_space<vmem>> -> memref<1x8x224xf32, #tpu.memory_space<vmem>>
      %dma_start3A_100 = tpu.memref_squeeze %dma_start3A_99 : memref<1x8x224xf32, #tpu.memory_space<vmem>> -> memref<8x224xf32, #tpu.memory_space<vmem>>
      %dma_start3A_101 = arith.constant 0 : i32
      %dma_start3A_102 = tpu.memref_slice %arg2[%add3A_95, %add3A_37, %dma_start3A_101] : memref<1200x224x224xf32, #tpu.memory_space<hbm>> -> memref<1x8x224xf32, #tpu.memory_space<hbm>>
      %dma_start3A_103 = tpu.memref_squeeze %dma_start3A_102 : memref<1x8x224xf32, #tpu.memory_space<hbm>> -> memref<8x224xf32, #tpu.memory_space<hbm>>
      %dma_start3A_104 = arith.constant 0 : i32
      %dma_start3A_105 = arith.constant 0 : i32
      %dma_start3A_106 = tpu.memref_slice %arg6[%dma_start3A_96, %dma_start3A_104, %dma_start3A_105] : memref<12x8x224xf32, #tpu.memory_space<vmem>> -> memref<1x8x224xf32, #tpu.memory_space<vmem>>
      %dma_start3A_107 = tpu.memref_squeeze %dma_start3A_106 : memref<1x8x224xf32, #tpu.memory_space<vmem>> -> memref<8x224xf32, #tpu.memory_space<vmem>>
      %dma_start3A_108 = arith.constant 0 : i32
      %dma_start3A_109 = tpu.memref_slice %arg2[%add3A_95, %add3A_37, %dma_start3A_108] : memref<1200x224x224xf32, #tpu.memory_space<hbm>> -> memref<1x8x224xf32, #tpu.memory_space<hbm>>
      %dma_start3A_110 = tpu.memref_squeeze %dma_start3A_109 : memref<1x8x224xf32, #tpu.memory_space<hbm>> -> memref<8x224xf32, #tpu.memory_space<hbm>>
      tpu.enqueue_dma source(%dma_start3A_110 : memref<8x224xf32, #tpu.memory_space<hbm>>) target(%dma_start3A_107 : memref<8x224xf32, #tpu.memory_space<vmem>>) target_semaphore(%arg8 : memref<!tpu.dma_semaphore, #tpu.memory_space<semaphore_mem>>)
      %slice3A_111 = vector.extract_strided_slice %get3A_39 {offsets = [4], sizes = [1], strides = [1]} : vector<16xi32> to vector<1xi32>
      %squeeze3A_112 = vector.extract %slice3A_111[0] : i32 from vector<1xi32>
      %add3A_113 = arith.addi %squeeze3A_112, %mul3A_41 : i32
      %dma_start3A_114 = arith.constant 4 : i32
      %dma_start3A_115 = arith.constant 0 : i32
      %dma_start3A_116 = arith.constant 0 : i32
      %dma_start3A_117 = tpu.memref_slice %arg6[%dma_start3A_114, %dma_start3A_115, %dma_start3A_116] : memref<12x8x224xf32, #tpu.memory_space<vmem>> -> memref<1x8x224xf32, #tpu.memory_space<vmem>>
      %dma_start3A_118 = tpu.memref_squeeze %dma_start3A_117 : memref<1x8x224xf32, #tpu.memory_space<vmem>> -> memref<8x224xf32, #tpu.memory_space<vmem>>
      %dma_start3A_119 = arith.constant 0 : i32
      %dma_start3A_120 = tpu.memref_slice %arg2[%add3A_113, %add3A_37, %dma_start3A_119] : memref<1200x224x224xf32, #tpu.memory_space<hbm>> -> memref<1x8x224xf32, #tpu.memory_space<hbm>>
      %dma_start3A_121 = tpu.memref_squeeze %dma_start3A_120 : memref<1x8x224xf32, #tpu.memory_space<hbm>> -> memref<8x224xf32, #tpu.memory_space<hbm>>
      %dma_start3A_122 = arith.constant 0 : i32
      %dma_start3A_123 = arith.constant 0 : i32
      %dma_start3A_124 = tpu.memref_slice %arg6[%dma_start3A_114, %dma_start3A_122, %dma_start3A_123] : memref<12x8x224xf32, #tpu.memory_space<vmem>> -> memref<1x8x224xf32, #tpu.memory_space<vmem>>
      %dma_start3A_125 = tpu.memref_squeeze %dma_start3A_124 : memref<1x8x224xf32, #tpu.memory_space<vmem>> -> memref<8x224xf32, #tpu.memory_space<vmem>>
      %dma_start3A_126 = arith.constant 0 : i32
      %dma_start3A_127 = tpu.memref_slice %arg2[%add3A_113, %add3A_37, %dma_start3A_126] : memref<1200x224x224xf32, #tpu.memory_space<hbm>> -> memref<1x8x224xf32, #tpu.memory_space<hbm>>
      %dma_start3A_128 = tpu.memref_squeeze %dma_start3A_127 : memref<1x8x224xf32, #tpu.memory_space<hbm>> -> memref<8x224xf32, #tpu.memory_space<hbm>>
      tpu.enqueue_dma source(%dma_start3A_128 : memref<8x224xf32, #tpu.memory_space<hbm>>) target(%dma_start3A_125 : memref<8x224xf32, #tpu.memory_space<vmem>>) target_semaphore(%arg8 : memref<!tpu.dma_semaphore, #tpu.memory_space<semaphore_mem>>)
      %slice3A_129 = vector.extract_strided_slice %get3A_39 {offsets = [5], sizes = [1], strides = [1]} : vector<16xi32> to vector<1xi32>
      %squeeze3A_130 = vector.extract %slice3A_129[0] : i32 from vector<1xi32>
      %add3A_131 = arith.addi %squeeze3A_130, %mul3A_41 : i32
      %dma_start3A_132 = arith.constant 5 : i32
      %dma_start3A_133 = arith.constant 0 : i32
      %dma_start3A_134 = arith.constant 0 : i32
      %dma_start3A_135 = tpu.memref_slice %arg6[%dma_start3A_132, %dma_start3A_133, %dma_start3A_134] : memref<12x8x224xf32, #tpu.memory_space<vmem>> -> memref<1x8x224xf32, #tpu.memory_space<vmem>>
      %dma_start3A_136 = tpu.memref_squeeze %dma_start3A_135 : memref<1x8x224xf32, #tpu.memory_space<vmem>> -> memref<8x224xf32, #tpu.memory_space<vmem>>
      %dma_start3A_137 = arith.constant 0 : i32
      %dma_start3A_138 = tpu.memref_slice %arg2[%add3A_131, %add3A_37, %dma_start3A_137] : memref<1200x224x224xf32, #tpu.memory_space<hbm>> -> memref<1x8x224xf32, #tpu.memory_space<hbm>>
      %dma_start3A_139 = tpu.memref_squeeze %dma_start3A_138 : memref<1x8x224xf32, #tpu.memory_space<hbm>> -> memref<8x224xf32, #tpu.memory_space<hbm>>
      %dma_start3A_140 = arith.constant 0 : i32
      %dma_start3A_141 = arith.constant 0 : i32
      %dma_start3A_142 = tpu.memref_slice %arg6[%dma_start3A_132, %dma_start3A_140, %dma_start3A_141] : memref<12x8x224xf32, #tpu.memory_space<vmem>> -> memref<1x8x224xf32, #tpu.memory_space<vmem>>
      %dma_start3A_143 = tpu.memref_squeeze %dma_start3A_142 : memref<1x8x224xf32, #tpu.memory_space<vmem>> -> memref<8x224xf32, #tpu.memory_space<vmem>>
      %dma_start3A_144 = arith.constant 0 : i32
      %dma_start3A_145 = tpu.memref_slice %arg2[%add3A_131, %add3A_37, %dma_start3A_144] : memref<1200x224x224xf32, #tpu.memory_space<hbm>> -> memref<1x8x224xf32, #tpu.memory_space<hbm>>
      %dma_start3A_146 = tpu.memref_squeeze %dma_start3A_145 : memref<1x8x224xf32, #tpu.memory_space<hbm>> -> memref<8x224xf32, #tpu.memory_space<hbm>>
      tpu.enqueue_dma source(%dma_start3A_146 : memref<8x224xf32, #tpu.memory_space<hbm>>) target(%dma_start3A_143 : memref<8x224xf32, #tpu.memory_space<vmem>>) target_semaphore(%arg8 : memref<!tpu.dma_semaphore, #tpu.memory_space<semaphore_mem>>)
      %slice3A_147 = vector.extract_strided_slice %get3A_39 {offsets = [6], sizes = [1], strides = [1]} : vector<16xi32> to vector<1xi32>
      %squeeze3A_148 = vector.extract %slice3A_147[0] : i32 from vector<1xi32>
      %add3A_149 = arith.addi %squeeze3A_148, %mul3A_41 : i32
      %dma_start3A_150 = arith.constant 6 : i32
      %dma_start3A_151 = arith.constant 0 : i32
      %dma_start3A_152 = arith.constant 0 : i32
      %dma_start3A_153 = tpu.memref_slice %arg6[%dma_start3A_150, %dma_start3A_151, %dma_start3A_152] : memref<12x8x224xf32, #tpu.memory_space<vmem>> -> memref<1x8x224xf32, #tpu.memory_space<vmem>>
      %dma_start3A_154 = tpu.memref_squeeze %dma_start3A_153 : memref<1x8x224xf32, #tpu.memory_space<vmem>> -> memref<8x224xf32, #tpu.memory_space<vmem>>
      %dma_start3A_155 = arith.constant 0 : i32
      %dma_start3A_156 = tpu.memref_slice %arg2[%add3A_149, %add3A_37, %dma_start3A_155] : memref<1200x224x224xf32, #tpu.memory_space<hbm>> -> memref<1x8x224xf32, #tpu.memory_space<hbm>>
      %dma_start3A_157 = tpu.memref_squeeze %dma_start3A_156 : memref<1x8x224xf32, #tpu.memory_space<hbm>> -> memref<8x224xf32, #tpu.memory_space<hbm>>
      %dma_start3A_158 = arith.constant 0 : i32
      %dma_start3A_159 = arith.constant 0 : i32
      %dma_start3A_160 = tpu.memref_slice %arg6[%dma_start3A_150, %dma_start3A_158, %dma_start3A_159] : memref<12x8x224xf32, #tpu.memory_space<vmem>> -> memref<1x8x224xf32, #tpu.memory_space<vmem>>
      %dma_start3A_161 = tpu.memref_squeeze %dma_start3A_160 : memref<1x8x224xf32, #tpu.memory_space<vmem>> -> memref<8x224xf32, #tpu.memory_space<vmem>>
      %dma_start3A_162 = arith.constant 0 : i32
      %dma_start3A_163 = tpu.memref_slice %arg2[%add3A_149, %add3A_37, %dma_start3A_162] : memref<1200x224x224xf32, #tpu.memory_space<hbm>> -> memref<1x8x224xf32, #tpu.memory_space<hbm>>
      %dma_start3A_164 = tpu.memref_squeeze %dma_start3A_163 : memref<1x8x224xf32, #tpu.memory_space<hbm>> -> memref<8x224xf32, #tpu.memory_space<hbm>>
      tpu.enqueue_dma source(%dma_start3A_164 : memref<8x224xf32, #tpu.memory_space<hbm>>) target(%dma_start3A_161 : memref<8x224xf32, #tpu.memory_space<vmem>>) target_semaphore(%arg8 : memref<!tpu.dma_semaphore, #tpu.memory_space<semaphore_mem>>)
      %slice3A_165 = vector.extract_strided_slice %get3A_39 {offsets = [7], sizes = [1], strides = [1]} : vector<16xi32> to vector<1xi32>
      %squeeze3A_166 = vector.extract %slice3A_165[0] : i32 from vector<1xi32>
      %add3A_167 = arith.addi %squeeze3A_166, %mul3A_41 : i32
      %dma_start3A_168 = arith.constant 7 : i32
      %dma_start3A_169 = arith.constant 0 : i32
      %dma_start3A_170 = arith.constant 0 : i32
      %dma_start3A_171 = tpu.memref_slice %arg6[%dma_start3A_168, %dma_start3A_169, %dma_start3A_170] : memref<12x8x224xf32, #tpu.memory_space<vmem>> -> memref<1x8x224xf32, #tpu.memory_space<vmem>>
      %dma_start3A_172 = tpu.memref_squeeze %dma_start3A_171 : memref<1x8x224xf32, #tpu.memory_space<vmem>> -> memref<8x224xf32, #tpu.memory_space<vmem>>
      %dma_start3A_173 = arith.constant 0 : i32
      %dma_start3A_174 = tpu.memref_slice %arg2[%add3A_167, %add3A_37, %dma_start3A_173] : memref<1200x224x224xf32, #tpu.memory_space<hbm>> -> memref<1x8x224xf32, #tpu.memory_space<hbm>>
      %dma_start3A_175 = tpu.memref_squeeze %dma_start3A_174 : memref<1x8x224xf32, #tpu.memory_space<hbm>> -> memref<8x224xf32, #tpu.memory_space<hbm>>
      %dma_start3A_176 = arith.constant 0 : i32
      %dma_start3A_177 = arith.constant 0 : i32
      %dma_start3A_178 = tpu.memref_slice %arg6[%dma_start3A_168, %dma_start3A_176, %dma_start3A_177] : memref<12x8x224xf32, #tpu.memory_space<vmem>> -> memref<1x8x224xf32, #tpu.memory_space<vmem>>
      %dma_start3A_179 = tpu.memref_squeeze %dma_start3A_178 : memref<1x8x224xf32, #tpu.memory_space<vmem>> -> memref<8x224xf32, #tpu.memory_space<vmem>>
      %dma_start3A_180 = arith.constant 0 : i32
      %dma_start3A_181 = tpu.memref_slice %arg2[%add3A_167, %add3A_37, %dma_start3A_180] : memref<1200x224x224xf32, #tpu.memory_space<hbm>> -> memref<1x8x224xf32, #tpu.memory_space<hbm>>
      %dma_start3A_182 = tpu.memref_squeeze %dma_start3A_181 : memref<1x8x224xf32, #tpu.memory_space<hbm>> -> memref<8x224xf32, #tpu.memory_space<hbm>>
      tpu.enqueue_dma source(%dma_start3A_182 : memref<8x224xf32, #tpu.memory_space<hbm>>) target(%dma_start3A_179 : memref<8x224xf32, #tpu.memory_space<vmem>>) target_semaphore(%arg8 : memref<!tpu.dma_semaphore, #tpu.memory_space<semaphore_mem>>)
      %slice3A_183 = vector.extract_strided_slice %get3A_39 {offsets = [8], sizes = [1], strides = [1]} : vector<16xi32> to vector<1xi32>
      %squeeze3A_184 = vector.extract %slice3A_183[0] : i32 from vector<1xi32>
      %add3A_185 = arith.addi %squeeze3A_184, %mul3A_41 : i32
      %dma_start3A_186 = arith.constant 8 : i32
      %dma_start3A_187 = arith.constant 0 : i32
      %dma_start3A_188 = arith.constant 0 : i32
      %dma_start3A_189 = tpu.memref_slice %arg6[%dma_start3A_186, %dma_start3A_187, %dma_start3A_188] : memref<12x8x224xf32, #tpu.memory_space<vmem>> -> memref<1x8x224xf32, #tpu.memory_space<vmem>>
      %dma_start3A_190 = tpu.memref_squeeze %dma_start3A_189 : memref<1x8x224xf32, #tpu.memory_space<vmem>> -> memref<8x224xf32, #tpu.memory_space<vmem>>
      %dma_start3A_191 = arith.constant 0 : i32
      %dma_start3A_192 = tpu.memref_slice %arg2[%add3A_185, %add3A_37, %dma_start3A_191] : memref<1200x224x224xf32, #tpu.memory_space<hbm>> -> memref<1x8x224xf32, #tpu.memory_space<hbm>>
      %dma_start3A_193 = tpu.memref_squeeze %dma_start3A_192 : memref<1x8x224xf32, #tpu.memory_space<hbm>> -> memref<8x224xf32, #tpu.memory_space<hbm>>
      %dma_start3A_194 = arith.constant 0 : i32
      %dma_start3A_195 = arith.constant 0 : i32
      %dma_start3A_196 = tpu.memref_slice %arg6[%dma_start3A_186, %dma_start3A_194, %dma_start3A_195] : memref<12x8x224xf32, #tpu.memory_space<vmem>> -> memref<1x8x224xf32, #tpu.memory_space<vmem>>
      %dma_start3A_197 = tpu.memref_squeeze %dma_start3A_196 : memref<1x8x224xf32, #tpu.memory_space<vmem>> -> memref<8x224xf32, #tpu.memory_space<vmem>>
      %dma_start3A_198 = arith.constant 0 : i32
      %dma_start3A_199 = tpu.memref_slice %arg2[%add3A_185, %add3A_37, %dma_start3A_198] : memref<1200x224x224xf32, #tpu.memory_space<hbm>> -> memref<1x8x224xf32, #tpu.memory_space<hbm>>
      %dma_start3A_200 = tpu.memref_squeeze %dma_start3A_199 : memref<1x8x224xf32, #tpu.memory_space<hbm>> -> memref<8x224xf32, #tpu.memory_space<hbm>>
      tpu.enqueue_dma source(%dma_start3A_200 : memref<8x224xf32, #tpu.memory_space<hbm>>) target(%dma_start3A_197 : memref<8x224xf32, #tpu.memory_space<vmem>>) target_semaphore(%arg8 : memref<!tpu.dma_semaphore, #tpu.memory_space<semaphore_mem>>)
      %slice3A_201 = vector.extract_strided_slice %get3A_39 {offsets = [9], sizes = [1], strides = [1]} : vector<16xi32> to vector<1xi32>
      %squeeze3A_202 = vector.extract %slice3A_201[0] : i32 from vector<1xi32>
      %add3A_203 = arith.addi %squeeze3A_202, %mul3A_41 : i32
      %dma_start3A_204 = arith.constant 9 : i32
      %dma_start3A_205 = arith.constant 0 : i32
      %dma_start3A_206 = arith.constant 0 : i32
      %dma_start3A_207 = tpu.memref_slice %arg6[%dma_start3A_204, %dma_start3A_205, %dma_start3A_206] : memref<12x8x224xf32, #tpu.memory_space<vmem>> -> memref<1x8x224xf32, #tpu.memory_space<vmem>>
      %dma_start3A_208 = tpu.memref_squeeze %dma_start3A_207 : memref<1x8x224xf32, #tpu.memory_space<vmem>> -> memref<8x224xf32, #tpu.memory_space<vmem>>
      %dma_start3A_209 = arith.constant 0 : i32
      %dma_start3A_210 = tpu.memref_slice %arg2[%add3A_203, %add3A_37, %dma_start3A_209] : memref<1200x224x224xf32, #tpu.memory_space<hbm>> -> memref<1x8x224xf32, #tpu.memory_space<hbm>>
      %dma_start3A_211 = tpu.memref_squeeze %dma_start3A_210 : memref<1x8x224xf32, #tpu.memory_space<hbm>> -> memref<8x224xf32, #tpu.memory_space<hbm>>
      %dma_start3A_212 = arith.constant 0 : i32
      %dma_start3A_213 = arith.constant 0 : i32
      %dma_start3A_214 = tpu.memref_slice %arg6[%dma_start3A_204, %dma_start3A_212, %dma_start3A_213] : memref<12x8x224xf32, #tpu.memory_space<vmem>> -> memref<1x8x224xf32, #tpu.memory_space<vmem>>
      %dma_start3A_215 = tpu.memref_squeeze %dma_start3A_214 : memref<1x8x224xf32, #tpu.memory_space<vmem>> -> memref<8x224xf32, #tpu.memory_space<vmem>>
      %dma_start3A_216 = arith.constant 0 : i32
      %dma_start3A_217 = tpu.memref_slice %arg2[%add3A_203, %add3A_37, %dma_start3A_216] : memref<1200x224x224xf32, #tpu.memory_space<hbm>> -> memref<1x8x224xf32, #tpu.memory_space<hbm>>
      %dma_start3A_218 = tpu.memref_squeeze %dma_start3A_217 : memref<1x8x224xf32, #tpu.memory_space<hbm>> -> memref<8x224xf32, #tpu.memory_space<hbm>>
      tpu.enqueue_dma source(%dma_start3A_218 : memref<8x224xf32, #tpu.memory_space<hbm>>) target(%dma_start3A_215 : memref<8x224xf32, #tpu.memory_space<vmem>>) target_semaphore(%arg8 : memref<!tpu.dma_semaphore, #tpu.memory_space<semaphore_mem>>)
      %slice3A_219 = vector.extract_strided_slice %get3A_39 {offsets = [10], sizes = [1], strides = [1]} : vector<16xi32> to vector<1xi32>
      %squeeze3A_220 = vector.extract %slice3A_219[0] : i32 from vector<1xi32>
      %add3A_221 = arith.addi %squeeze3A_220, %mul3A_41 : i32
      %dma_start3A_222 = arith.constant 10 : i32
      %dma_start3A_223 = arith.constant 0 : i32
      %dma_start3A_224 = arith.constant 0 : i32
      %dma_start3A_225 = tpu.memref_slice %arg6[%dma_start3A_222, %dma_start3A_223, %dma_start3A_224] : memref<12x8x224xf32, #tpu.memory_space<vmem>> -> memref<1x8x224xf32, #tpu.memory_space<vmem>>
      %dma_start3A_226 = tpu.memref_squeeze %dma_start3A_225 : memref<1x8x224xf32, #tpu.memory_space<vmem>> -> memref<8x224xf32, #tpu.memory_space<vmem>>
      %dma_start3A_227 = arith.constant 0 : i32
      %dma_start3A_228 = tpu.memref_slice %arg2[%add3A_221, %add3A_37, %dma_start3A_227] : memref<1200x224x224xf32, #tpu.memory_space<hbm>> -> memref<1x8x224xf32, #tpu.memory_space<hbm>>
      %dma_start3A_229 = tpu.memref_squeeze %dma_start3A_228 : memref<1x8x224xf32, #tpu.memory_space<hbm>> -> memref<8x224xf32, #tpu.memory_space<hbm>>
      %dma_start3A_230 = arith.constant 0 : i32
      %dma_start3A_231 = arith.constant 0 : i32
      %dma_start3A_232 = tpu.memref_slice %arg6[%dma_start3A_222, %dma_start3A_230, %dma_start3A_231] : memref<12x8x224xf32, #tpu.memory_space<vmem>> -> memref<1x8x224xf32, #tpu.memory_space<vmem>>
      %dma_start3A_233 = tpu.memref_squeeze %dma_start3A_232 : memref<1x8x224xf32, #tpu.memory_space<vmem>> -> memref<8x224xf32, #tpu.memory_space<vmem>>
      %dma_start3A_234 = arith.constant 0 : i32
      %dma_start3A_235 = tpu.memref_slice %arg2[%add3A_221, %add3A_37, %dma_start3A_234] : memref<1200x224x224xf32, #tpu.memory_space<hbm>> -> memref<1x8x224xf32, #tpu.memory_space<hbm>>
      %dma_start3A_236 = tpu.memref_squeeze %dma_start3A_235 : memref<1x8x224xf32, #tpu.memory_space<hbm>> -> memref<8x224xf32, #tpu.memory_space<hbm>>
      tpu.enqueue_dma source(%dma_start3A_236 : memref<8x224xf32, #tpu.memory_space<hbm>>) target(%dma_start3A_233 : memref<8x224xf32, #tpu.memory_space<vmem>>) target_semaphore(%arg8 : memref<!tpu.dma_semaphore, #tpu.memory_space<semaphore_mem>>)
      %slice3A_237 = vector.extract_strided_slice %get3A_39 {offsets = [11], sizes = [1], strides = [1]} : vector<16xi32> to vector<1xi32>
      %squeeze3A_238 = vector.extract %slice3A_237[0] : i32 from vector<1xi32>
      %add3A_239 = arith.addi %squeeze3A_238, %mul3A_41 : i32
      %dma_start3A_240 = arith.constant 11 : i32
      %dma_start3A_241 = arith.constant 0 : i32
      %dma_start3A_242 = arith.constant 0 : i32
      %dma_start3A_243 = tpu.memref_slice %arg6[%dma_start3A_240, %dma_start3A_241, %dma_start3A_242] : memref<12x8x224xf32, #tpu.memory_space<vmem>> -> memref<1x8x224xf32, #tpu.memory_space<vmem>>
      %dma_start3A_244 = tpu.memref_squeeze %dma_start3A_243 : memref<1x8x224xf32, #tpu.memory_space<vmem>> -> memref<8x224xf32, #tpu.memory_space<vmem>>
      %dma_start3A_245 = arith.constant 0 : i32
      %dma_start3A_246 = tpu.memref_slice %arg2[%add3A_239, %add3A_37, %dma_start3A_245] : memref<1200x224x224xf32, #tpu.memory_space<hbm>> -> memref<1x8x224xf32, #tpu.memory_space<hbm>>
      %dma_start3A_247 = tpu.memref_squeeze %dma_start3A_246 : memref<1x8x224xf32, #tpu.memory_space<hbm>> -> memref<8x224xf32, #tpu.memory_space<hbm>>
      %dma_start3A_248 = arith.constant 0 : i32
      %dma_start3A_249 = arith.constant 0 : i32
      %dma_start3A_250 = tpu.memref_slice %arg6[%dma_start3A_240, %dma_start3A_248, %dma_start3A_249] : memref<12x8x224xf32, #tpu.memory_space<vmem>> -> memref<1x8x224xf32, #tpu.memory_space<vmem>>
      %dma_start3A_251 = tpu.memref_squeeze %dma_start3A_250 : memref<1x8x224xf32, #tpu.memory_space<vmem>> -> memref<8x224xf32, #tpu.memory_space<vmem>>
      %dma_start3A_252 = arith.constant 0 : i32
      %dma_start3A_253 = tpu.memref_slice %arg2[%add3A_239, %add3A_37, %dma_start3A_252] : memref<1200x224x224xf32, #tpu.memory_space<hbm>> -> memref<1x8x224xf32, #tpu.memory_space<hbm>>
      %dma_start3A_254 = tpu.memref_squeeze %dma_start3A_253 : memref<1x8x224xf32, #tpu.memory_space<hbm>> -> memref<8x224xf32, #tpu.memory_space<hbm>>
      tpu.enqueue_dma source(%dma_start3A_254 : memref<8x224xf32, #tpu.memory_space<hbm>>) target(%dma_start3A_251 : memref<8x224xf32, #tpu.memory_space<vmem>>) target_semaphore(%arg8 : memref<!tpu.dma_semaphore, #tpu.memory_space<semaphore_mem>>)
      %dma_wait3A = arith.constant 0 : i32
      %dma_wait3A_255 = arith.constant 0 : i32
      %dma_wait3A_256 = arith.constant 0 : i32
      %dma_wait3A_257 = tpu.memref_slice %arg2[%dma_wait3A, %dma_wait3A_255, %dma_wait3A_256] : memref<1200x224x224xf32, #tpu.memory_space<hbm>> -> memref<12x8x224xf32, #tpu.memory_space<hbm>>
      %dma_wait3A_258 = arith.constant 0 : i32
      %dma_wait3A_259 = arith.constant 0 : i32
      %dma_wait3A_260 = arith.constant 0 : i32
      %dma_wait3A_261 = tpu.memref_slice %arg2[%dma_wait3A_258, %dma_wait3A_259, %dma_wait3A_260] : memref<1200x224x224xf32, #tpu.memory_space<hbm>> -> memref<12x8x224xf32, #tpu.memory_space<hbm>>
      tpu.wait_dma2 semaphore(%arg8 : memref<!tpu.dma_semaphore, #tpu.memory_space<semaphore_mem>>) src(%dma_wait3A_261 : memref<12x8x224xf32, #tpu.memory_space<hbm>>) dst(%arg6 : memref<12x8x224xf32, #tpu.memory_space<vmem>>)
      %scan3A = arith.constant 0 : i32
      %scan3A_262 = arith.constant 0 : i32
      %scan3A_263 = arith.constant 8 : i32
      %scan3A_264 = arith.addi %scan3A_262, %scan3A_263 : i32
      %scan3A_265 = arith.constant 1 : i32
      %scan3A_266 = scf.for %scan3A_297 = %scan3A_262 to %scan3A_264 step %scan3A_265 iter_args(%scan3A_298 = %scan3A) -> (i32)  : i32 {
        %get3A_299 = arith.constant 0 : i32
        %get3A_300 = arith.index_cast %get3A_299 : i32 to index
        %get3A_301 = arith.index_cast %scan3A_297 : i32 to index
        %get3A_302 = arith.constant 0 : index
        %get3A_303 = tpu.vector_load %arg6[%get3A_300, %get3A_301, %get3A_302] {strides = array<i32>} : memref<12x8x224xf32, #tpu.memory_space<vmem>>, vector<1x1x16xf32>,
        %get3A_304 = vector.shape_cast %get3A_303 : vector<1x1x16xf32> to vector<16xf32>
        %get3A_305 = arith.constant 1 : i32
        %get3A_306 = arith.index_cast %get3A_305 : i32 to index
        %get3A_307 = arith.index_cast %scan3A_297 : i32 to index
        %get3A_308 = arith.constant 0 : index
        %get3A_309 = tpu.vector_load %arg6[%get3A_306, %get3A_307, %get3A_308] {strides = array<i32>} : memref<12x8x224xf32, #tpu.memory_space<vmem>>, vector<1x1x16xf32>,
        %get3A_310 = vector.shape_cast %get3A_309 : vector<1x1x16xf32> to vector<16xf32>
        %get3A_311 = arith.constant 2 : i32
        %get3A_312 = arith.index_cast %get3A_311 : i32 to index
        %get3A_313 = arith.index_cast %scan3A_297 : i32 to index
        %get3A_314 = arith.constant 0 : index
        %get3A_315 = tpu.vector_load %arg6[%get3A_312, %get3A_313, %get3A_314] {strides = array<i32>} : memref<12x8x224xf32, #tpu.memory_space<vmem>>, vector<1x1x16xf32>,
        %get3A_316 = vector.shape_cast %get3A_315 : vector<1x1x16xf32> to vector<16xf32>
        %get3A_317 = arith.constant 3 : i32
        %get3A_318 = arith.index_cast %get3A_317 : i32 to index
        %get3A_319 = arith.index_cast %scan3A_297 : i32 to index
        %get3A_320 = arith.constant 0 : index
        %get3A_321 = tpu.vector_load %arg6[%get3A_318, %get3A_319, %get3A_320] {strides = array<i32>} : memref<12x8x224xf32, #tpu.memory_space<vmem>>, vector<1x1x16xf32>,
        %get3A_322 = vector.shape_cast %get3A_321 : vector<1x1x16xf32> to vector<16xf32>
        %get3A_323 = arith.constant 4 : i32
        %get3A_324 = arith.index_cast %get3A_323 : i32 to index
        %get3A_325 = arith.index_cast %scan3A_297 : i32 to index
        %get3A_326 = arith.constant 0 : index
        %get3A_327 = tpu.vector_load %arg6[%get3A_324, %get3A_325, %get3A_326] {strides = array<i32>} : memref<12x8x224xf32, #tpu.memory_space<vmem>>, vector<1x1x16xf32>,
        %get3A_328 = vector.shape_cast %get3A_327 : vector<1x1x16xf32> to vector<16xf32>
        %get3A_329 = arith.constant 5 : i32
        %get3A_330 = arith.index_cast %get3A_329 : i32 to index
        %get3A_331 = arith.index_cast %scan3A_297 : i32 to index
        %get3A_332 = arith.constant 0 : index
        %get3A_333 = tpu.vector_load %arg6[%get3A_330, %get3A_331, %get3A_332] {strides = array<i32>} : memref<12x8x224xf32, #tpu.memory_space<vmem>>, vector<1x1x16xf32>,
        %get3A_334 = vector.shape_cast %get3A_333 : vector<1x1x16xf32> to vector<16xf32>
        %get3A_335 = arith.constant 6 : i32
        %get3A_336 = arith.index_cast %get3A_335 : i32 to index
        %get3A_337 = arith.index_cast %scan3A_297 : i32 to index
        %get3A_338 = arith.constant 0 : index
        %get3A_339 = tpu.vector_load %arg6[%get3A_336, %get3A_337, %get3A_338] {strides = array<i32>} : memref<12x8x224xf32, #tpu.memory_space<vmem>>, vector<1x1x16xf32>,
        %get3A_340 = vector.shape_cast %get3A_339 : vector<1x1x16xf32> to vector<16xf32>
        %get3A_341 = arith.constant 7 : i32
        %get3A_342 = arith.index_cast %get3A_341 : i32 to index
        %get3A_343 = arith.index_cast %scan3A_297 : i32 to index
        %get3A_344 = arith.constant 0 : index
        %get3A_345 = tpu.vector_load %arg6[%get3A_342, %get3A_343, %get3A_344] {strides = array<i32>} : memref<12x8x224xf32, #tpu.memory_space<vmem>>, vector<1x1x16xf32>,
        %get3A_346 = vector.shape_cast %get3A_345 : vector<1x1x16xf32> to vector<16xf32>
        %get3A_347 = arith.constant 8 : i32
        %get3A_348 = arith.index_cast %get3A_347 : i32 to index
        %get3A_349 = arith.index_cast %scan3A_297 : i32 to index
        %get3A_350 = arith.constant 0 : index
        %get3A_351 = tpu.vector_load %arg6[%get3A_348, %get3A_349, %get3A_350] {strides = array<i32>} : memref<12x8x224xf32, #tpu.memory_space<vmem>>, vector<1x1x16xf32>,
        %get3A_352 = vector.shape_cast %get3A_351 : vector<1x1x16xf32> to vector<16xf32>
        %get3A_353 = arith.constant 9 : i32
        %get3A_354 = arith.index_cast %get3A_353 : i32 to index
        %get3A_355 = arith.index_cast %scan3A_297 : i32 to index
        %get3A_356 = arith.constant 0 : index
        %get3A_357 = tpu.vector_load %arg6[%get3A_354, %get3A_355, %get3A_356] {strides = array<i32>} : memref<12x8x224xf32, #tpu.memory_space<vmem>>, vector<1x1x16xf32>,
        %get3A_358 = vector.shape_cast %get3A_357 : vector<1x1x16xf32> to vector<16xf32>
        %get3A_359 = arith.constant 10 : i32
        %get3A_360 = arith.index_cast %get3A_359 : i32 to index
        %get3A_361 = arith.index_cast %scan3A_297 : i32 to index
        %get3A_362 = arith.constant 0 : index
        %get3A_363 = tpu.vector_load %arg6[%get3A_360, %get3A_361, %get3A_362] {strides = array<i32>} : memref<12x8x224xf32, #tpu.memory_space<vmem>>, vector<1x1x16xf32>,
        %get3A_364 = vector.shape_cast %get3A_363 : vector<1x1x16xf32> to vector<16xf32>
        %get3A_365 = arith.constant 11 : i32
        %get3A_366 = arith.index_cast %get3A_365 : i32 to index
        %get3A_367 = arith.index_cast %scan3A_297 : i32 to index
        %get3A_368 = arith.constant 0 : index
        %get3A_369 = tpu.vector_load %arg6[%get3A_366, %get3A_367, %get3A_368] {strides = array<i32>} : memref<12x8x224xf32, #tpu.memory_space<vmem>>, vector<1x1x16xf32>,
        %get3A_370 = vector.shape_cast %get3A_369 : vector<1x1x16xf32> to vector<16xf32>
        %max3A = arith.maximumf %get3A_304, %get3A_310 : vector<16xf32>
        %max3A_371 = arith.maximumf %get3A_316, %get3A_322 : vector<16xf32>
        %max3A_372 = arith.maximumf %get3A_328, %get3A_334 : vector<16xf32>
        %max3A_373 = arith.maximumf %get3A_340, %get3A_346 : vector<16xf32>
        %max3A_374 = arith.maximumf %get3A_352, %get3A_358 : vector<16xf32>
        %max3A_375 = arith.maximumf %get3A_364, %get3A_370 : vector<16xf32>
        %max3A_376 = arith.maximumf %max3A, %max3A_371 : vector<16xf32>
        %max3A_377 = arith.maximumf %max3A_372, %max3A_373 : vector<16xf32>
        %max3A_378 = arith.maximumf %max3A_374, %max3A_375 : vector<16xf32>
        %max3A_379 = arith.maximumf %max3A_376, %max3A_377 : vector<16xf32>
        %max3A_380 = arith.maximumf %max3A_379, %max3A_378 : vector<16xf32>
        %mul3A_381 = arith.constant 5.000000e+00 : f32
        %mul3A_382 = vector.broadcast %mul3A_381 : f32 to vector<16xf32>
        %mul3A_383 = arith.mulf %max3A_380, %mul3A_382 : vector<16xf32>
        %swap3A = arith.index_cast %scan3A_297 : i32 to index
        %swap3A_384 = arith.constant 0 : index
        %swap3A_385 = tpu.vector_load %arg7[%swap3A, %swap3A_384] {strides = array<i32>} : memref<8x224xf32, #tpu.memory_space<vmem>>, vector<1x16xf32>,
        %swap3A_386 = vector.shape_cast %swap3A_385 : vector<1x16xf32> to vector<16xf32>
        %swap3A_387 = vector.shape_cast %mul3A_383 : vector<16xf32> to vector<1x16xf32>
        tpu.vector_store %arg7[%swap3A, %swap3A_384], %swap3A_387 {strides = array<i32>} : memref<8x224xf32, #tpu.memory_space<vmem>>, vector<1x16xf32>,
        %get3A_388 = arith.constant 0 : i32
        %get3A_389 = arith.index_cast %get3A_388 : i32 to index
        %get3A_390 = arith.index_cast %scan3A_297 : i32 to index
        %get3A_391 = arith.constant 16 : index
        %get3A_392 = tpu.vector_load %arg6[%get3A_389, %get3A_390, %get3A_391] {strides = array<i32>} : memref<12x8x224xf32, #tpu.memory_space<vmem>>, vector<1x1x16xf32>,
        %get3A_393 = vector.shape_cast %get3A_392 : vector<1x1x16xf32> to vector<16xf32>
        %get3A_394 = arith.constant 1 : i32
        %get3A_395 = arith.index_cast %get3A_394 : i32 to index
        %get3A_396 = arith.index_cast %scan3A_297 : i32 to index
        %get3A_397 = arith.constant 16 : index
        %get3A_398 = tpu.vector_load %arg6[%get3A_395, %get3A_396, %get3A_397] {strides = array<i32>} : memref<12x8x224xf32, #tpu.memory_space<vmem>>, vector<1x1x16xf32>,
        %get3A_399 = vector.shape_cast %get3A_398 : vector<1x1x16xf32> to vector<16xf32>
        %get3A_400 = arith.constant 2 : i32
        %get3A_401 = arith.index_cast %get3A_400 : i32 to index
        %get3A_402 = arith.index_cast %scan3A_297 : i32 to index
        %get3A_403 = arith.constant 16 : index
        %get3A_404 = tpu.vector_load %arg6[%get3A_401, %get3A_402, %get3A_403] {strides = array<i32>} : memref<12x8x224xf32, #tpu.memory_space<vmem>>, vector<1x1x16xf32>,
        %get3A_405 = vector.shape_cast %get3A_404 : vector<1x1x16xf32> to vector<16xf32>
        %get3A_406 = arith.constant 3 : i32
        %get3A_407 = arith.index_cast %get3A_406 : i32 to index
        %get3A_408 = arith.index_cast %scan3A_297 : i32 to index
        %get3A_409 = arith.constant 16 : index
        %get3A_410 = tpu.vector_load %arg6[%get3A_407, %get3A_408, %get3A_409] {strides = array<i32>} : memref<12x8x224xf32, #tpu.memory_space<vmem>>, vector<1x1x16xf32>,
        %get3A_411 = vector.shape_cast %get3A_410 : vector<1x1x16xf32> to vector<16xf32>
        %get3A_412 = arith.constant 4 : i32
        %get3A_413 = arith.index_cast %get3A_412 : i32 to index
        %get3A_414 = arith.index_cast %scan3A_297 : i32 to index
        %get3A_415 = arith.constant 16 : index
        %get3A_416 = tpu.vector_load %arg6[%get3A_413, %get3A_414, %get3A_415] {strides = array<i32>} : memref<12x8x224xf32, #tpu.memory_space<vmem>>, vector<1x1x16xf32>,
        %get3A_417 = vector.shape_cast %get3A_416 : vector<1x1x16xf32> to vector<16xf32>
        %get3A_418 = arith.constant 5 : i32
        %get3A_419 = arith.index_cast %get3A_418 : i32 to index
        %get3A_420 = arith.index_cast %scan3A_297 : i32 to index
        %get3A_421 = arith.constant 16 : index
        %get3A_422 = tpu.vector_load %arg6[%get3A_419, %get3A_420, %get3A_421] {strides = array<i32>} : memref<12x8x224xf32, #tpu.memory_space<vmem>>, vector<1x1x16xf32>,
        %get3A_423 = vector.shape_cast %get3A_422 : vector<1x1x16xf32> to vector<16xf32>
        %get3A_424 = arith.constant 6 : i32
        %get3A_425 = arith.index_cast %get3A_424 : i32 to index
        %get3A_426 = arith.index_cast %scan3A_297 : i32 to index
        %get3A_427 = arith.constant 16 : index
        %get3A_428 = tpu.vector_load %arg6[%get3A_425, %get3A_426, %get3A_427] {strides = array<i32>} : memref<12x8x224xf32, #tpu.memory_space<vmem>>, vector<1x1x16xf32>,
        %get3A_429 = vector.shape_cast %get3A_428 : vector<1x1x16xf32> to vector<16xf32>
        %get3A_430 = arith.constant 7 : i32
        %get3A_431 = arith.index_cast %get3A_430 : i32 to index
        %get3A_432 = arith.index_cast %scan3A_297 : i32 to index
        %get3A_433 = arith.constant 16 : index
        %get3A_434 = tpu.vector_load %arg6[%get3A_431, %get3A_432, %get3A_433] {strides = array<i32>} : memref<12x8x224xf32, #tpu.memory_space<vmem>>, vector<1x1x16xf32>,
        %get3A_435 = vector.shape_cast %get3A_434 : vector<1x1x16xf32> to vector<16xf32>
        %get3A_436 = arith.constant 8 : i32
        %get3A_437 = arith.index_cast %get3A_436 : i32 to index
        %get3A_438 = arith.index_cast %scan3A_297 : i32 to index
        %get3A_439 = arith.constant 16 : index
        %get3A_440 = tpu.vector_load %arg6[%get3A_437, %get3A_438, %get3A_439] {strides = array<i32>} : memref<12x8x224xf32, #tpu.memory_space<vmem>>, vector<1x1x16xf32>,
        %get3A_441 = vector.shape_cast %get3A_440 : vector<1x1x16xf32> to vector<16xf32>
        %get3A_442 = arith.constant 9 : i32
        %get3A_443 = arith.index_cast %get3A_442 : i32 to index
        %get3A_444 = arith.index_cast %scan3A_297 : i32 to index
        %get3A_445 = arith.constant 16 : index
        %get3A_446 = tpu.vector_load %arg6[%get3A_443, %get3A_444, %get3A_445] {strides = array<i32>} : memref<12x8x224xf32, #tpu.memory_space<vmem>>, vector<1x1x16xf32>,
        %get3A_447 = vector.shape_cast %get3A_446 : vector<1x1x16xf32> to vector<16xf32>
        %get3A_448 = arith.constant 10 : i32
        %get3A_449 = arith.index_cast %get3A_448 : i32 to index
        %get3A_450 = arith.index_cast %scan3A_297 : i32 to index
        %get3A_451 = arith.constant 16 : index
        %get3A_452 = tpu.vector_load %arg6[%get3A_449, %get3A_450, %get3A_451] {strides = array<i32>} : memref<12x8x224xf32, #tpu.memory_space<vmem>>, vector<1x1x16xf32>,
        %get3A_453 = vector.shape_cast %get3A_452 : vector<1x1x16xf32> to vector<16xf32>
        %get3A_454 = arith.constant 11 : i32
        %get3A_455 = arith.index_cast %get3A_454 : i32 to index
        %get3A_456 = arith.index_cast %scan3A_297 : i32 to index
        %get3A_457 = arith.constant 16 : index
        %get3A_458 = tpu.vector_load %arg6[%get3A_455, %get3A_456, %get3A_457] {strides = array<i32>} : memref<12x8x224xf32, #tpu.memory_space<vmem>>, vector<1x1x16xf32>,
        %get3A_459 = vector.shape_cast %get3A_458 : vector<1x1x16xf32> to vector<16xf32>
        %max3A_460 = arith.maximumf %get3A_393, %get3A_399 : vector<16xf32>
        %max3A_461 = arith.maximumf %get3A_405, %get3A_411 : vector<16xf32>
        %max3A_462 = arith.maximumf %get3A_417, %get3A_423 : vector<16xf32>
        %max3A_463 = arith.maximumf %get3A_429, %get3A_435 : vector<16xf32>
        %max3A_464 = arith.maximumf %get3A_441, %get3A_447 : vector<16xf32>
        %max3A_465 = arith.maximumf %get3A_453, %get3A_459 : vector<16xf32>
        %max3A_466 = arith.maximumf %max3A_460, %max3A_461 : vector<16xf32>
        %max3A_467 = arith.maximumf %max3A_462, %max3A_463 : vector<16xf32>
        %max3A_468 = arith.maximumf %max3A_464, %max3A_465 : vector<16xf32>
        %max3A_469 = arith.maximumf %max3A_466, %max3A_467 : vector<16xf32>
        %max3A_470 = arith.maximumf %max3A_469, %max3A_468 : vector<16xf32>
        %mul3A_471 = arith.constant 5.000000e+00 : f32
        %mul3A_472 = vector.broadcast %mul3A_471 : f32 to vector<16xf32>
        %mul3A_473 = arith.mulf %max3A_470, %mul3A_472 : vector<16xf32>
        %swap3A_474 = arith.index_cast %scan3A_297 : i32 to index
        %swap3A_475 = arith.constant 16 : index
        %swap3A_476 = tpu.vector_load %arg7[%swap3A_474, %swap3A_475] {strides = array<i32>} : memref<8x224xf32, #tpu.memory_space<vmem>>, vector<1x16xf32>,
        %swap3A_477 = vector.shape_cast %swap3A_476 : vector<1x16xf32> to vector<16xf32>
        %swap3A_478 = vector.shape_cast %mul3A_473 : vector<16xf32> to vector<1x16xf32>
        tpu.vector_store %arg7[%swap3A_474, %swap3A_475], %swap3A_478 {strides = array<i32>} : memref<8x224xf32, #tpu.memory_space<vmem>>, vector<1x16xf32>,
        %get3A_479 = arith.constant 0 : i32
        %get3A_480 = arith.index_cast %get3A_479 : i32 to index
        %get3A_481 = arith.index_cast %scan3A_297 : i32 to index
        %get3A_482 = arith.constant 32 : index
        %get3A_483 = tpu.vector_load %arg6[%get3A_480, %get3A_481, %get3A_482] {strides = array<i32>} : memref<12x8x224xf32, #tpu.memory_space<vmem>>, vector<1x1x16xf32>,
        %get3A_484 = vector.shape_cast %get3A_483 : vector<1x1x16xf32> to vector<16xf32>
        %get3A_485 = arith.constant 1 : i32
        %get3A_486 = arith.index_cast %get3A_485 : i32 to index
        %get3A_487 = arith.index_cast %scan3A_297 : i32 to index
        %get3A_488 = arith.constant 32 : index
        %get3A_489 = tpu.vector_load %arg6[%get3A_486, %get3A_487, %get3A_488] {strides = array<i32>} : memref<12x8x224xf32, #tpu.memory_space<vmem>>, vector<1x1x16xf32>,
        %get3A_490 = vector.shape_cast %get3A_489 : vector<1x1x16xf32> to vector<16xf32>
        %get3A_491 = arith.constant 2 : i32
        %get3A_492 = arith.index_cast %get3A_491 : i32 to index
        %get3A_493 = arith.index_cast %scan3A_297 : i32 to index
        %get3A_494 = arith.constant 32 : index
        %get3A_495 = tpu.vector_load %arg6[%get3A_492, %get3A_493, %get3A_494] {strides = array<i32>} : memref<12x8x224xf32, #tpu.memory_space<vmem>>, vector<1x1x16xf32>,
        %get3A_496 = vector.shape_cast %get3A_495 : vector<1x1x16xf32> to vector<16xf32>
        %get3A_497 = arith.constant 3 : i32
        %get3A_498 = arith.index_cast %get3A_497 : i32 to index
        %get3A_499 = arith.index_cast %scan3A_297 : i32 to index
        %get3A_500 = arith.constant 32 : index
        %get3A_501 = tpu.vector_load %arg6[%get3A_498, %get3A_499, %get3A_500] {strides = array<i32>} : memref<12x8x224xf32, #tpu.memory_space<vmem>>, vector<1x1x16xf32>,
        %get3A_502 = vector.shape_cast %get3A_501 : vector<1x1x16xf32> to vector<16xf32>
        %get3A_503 = arith.constant 4 : i32
        %get3A_504 = arith.index_cast %get3A_503 : i32 to index
        %get3A_505 = arith.index_cast %scan3A_297 : i32 to index
        %get3A_506 = arith.constant 32 : index
        %get3A_507 = tpu.vector_load %arg6[%get3A_504, %get3A_505, %get3A_506] {strides = array<i32>} : memref<12x8x224xf32, #tpu.memory_space<vmem>>, vector<1x1x16xf32>,
        %get3A_508 = vector.shape_cast %get3A_507 : vector<1x1x16xf32> to vector<16xf32>
        %get3A_509 = arith.constant 5 : i32
        %get3A_510 = arith.index_cast %get3A_509 : i32 to index
        %get3A_511 = arith.index_cast %scan3A_297 : i32 to index
        %get3A_512 = arith.constant 32 : index
        %get3A_513 = tpu.vector_load %arg6[%get3A_510, %get3A_511, %get3A_512] {strides = array<i32>} : memref<12x8x224xf32, #tpu.memory_space<vmem>>, vector<1x1x16xf32>,
        %get3A_514 = vector.shape_cast %get3A_513 : vector<1x1x16xf32> to vector<16xf32>
        %get3A_515 = arith.constant 6 : i32
        %get3A_516 = arith.index_cast %get3A_515 : i32 to index
        %get3A_517 = arith.index_cast %scan3A_297 : i32 to index
        %get3A_518 = arith.constant 32 : index
        %get3A_519 = tpu.vector_load %arg6[%get3A_516, %get3A_517, %get3A_518] {strides = array<i32>} : memref<12x8x224xf32, #tpu.memory_space<vmem>>, vector<1x1x16xf32>,
        %get3A_520 = vector.shape_cast %get3A_519 : vector<1x1x16xf32> to vector<16xf32>
        %get3A_521 = arith.constant 7 : i32
        %get3A_522 = arith.index_cast %get3A_521 : i32 to index
        %get3A_523 = arith.index_cast %scan3A_297 : i32 to index
        %get3A_524 = arith.constant 32 : index
        %get3A_525 = tpu.vector_load %arg6[%get3A_522, %get3A_523, %get3A_524] {strides = array<i32>} : memref<12x8x224xf32, #tpu.memory_space<vmem>>, vector<1x1x16xf32>,
        %get3A_526 = vector.shape_cast %get3A_525 : vector<1x1x16xf32> to vector<16xf32>
        %get3A_527 = arith.constant 8 : i32
        %get3A_528 = arith.index_cast %get3A_527 : i32 to index
        %get3A_529 = arith.index_cast %scan3A_297 : i32 to index
        %get3A_530 = arith.constant 32 : index
        %get3A_531 = tpu.vector_load %arg6[%get3A_528, %get3A_529, %get3A_530] {strides = array<i32>} : memref<12x8x224xf32, #tpu.memory_space<vmem>>, vector<1x1x16xf32>,
        %get3A_532 = vector.shape_cast %get3A_531 : vector<1x1x16xf32> to vector<16xf32>
        %get3A_533 = arith.constant 9 : i32
        %get3A_534 = arith.index_cast %get3A_533 : i32 to index
        %get3A_535 = arith.index_cast %scan3A_297 : i32 to index
        %get3A_536 = arith.constant 32 : index
        %get3A_537 = tpu.vector_load %arg6[%get3A_534, %get3A_535, %get3A_536] {strides = array<i32>} : memref<12x8x224xf32, #tpu.memory_space<vmem>>, vector<1x1x16xf32>,
        %get3A_538 = vector.shape_cast %get3A_537 : vector<1x1x16xf32> to vector<16xf32>
        %get3A_539 = arith.constant 10 : i32
        %get3A_540 = arith.index_cast %get3A_539 : i32 to index
        %get3A_541 = arith.index_cast %scan3A_297 : i32 to index
        %get3A_542 = arith.constant 32 : index
        %get3A_543 = tpu.vector_load %arg6[%get3A_540, %get3A_541, %get3A_542] {strides = array<i32>} : memref<12x8x224xf32, #tpu.memory_space<vmem>>, vector<1x1x16xf32>,
        %get3A_544 = vector.shape_cast %get3A_543 : vector<1x1x16xf32> to vector<16xf32>
        %get3A_545 = arith.constant 11 : i32
        %get3A_546 = arith.index_cast %get3A_545 : i32 to index
        %get3A_547 = arith.index_cast %scan3A_297 : i32 to index
        %get3A_548 = arith.constant 32 : index
        %get3A_549 = tpu.vector_load %arg6[%get3A_546, %get3A_547, %get3A_548] {strides = array<i32>} : memref<12x8x224xf32, #tpu.memory_space<vmem>>, vector<1x1x16xf32>,
        %get3A_550 = vector.shape_cast %get3A_549 : vector<1x1x16xf32> to vector<16xf32>
        %max3A_551 = arith.maximumf %get3A_484, %get3A_490 : vector<16xf32>
        %max3A_552 = arith.maximumf %get3A_496, %get3A_502 : vector<16xf32>
        %max3A_553 = arith.maximumf %get3A_508, %get3A_514 : vector<16xf32>
        %max3A_554 = arith.maximumf %get3A_520, %get3A_526 : vector<16xf32>
        %max3A_555 = arith.maximumf %get3A_532, %get3A_538 : vector<16xf32>
        %max3A_556 = arith.maximumf %get3A_544, %get3A_550 : vector<16xf32>
        %max3A_557 = arith.maximumf %max3A_551, %max3A_552 : vector<16xf32>
        %max3A_558 = arith.maximumf %max3A_553, %max3A_554 : vector<16xf32>
        %max3A_559 = arith.maximumf %max3A_555, %max3A_556 : vector<16xf32>
        %max3A_560 = arith.maximumf %max3A_557, %max3A_558 : vector<16xf32>
        %max3A_561 = arith.maximumf %max3A_560, %max3A_559 : vector<16xf32>
        %mul3A_562 = arith.constant 5.000000e+00 : f32
        %mul3A_563 = vector.broadcast %mul3A_562 : f32 to vector<16xf32>
        %mul3A_564 = arith.mulf %max3A_561, %mul3A_563 : vector<16xf32>
        %swap3A_565 = arith.index_cast %scan3A_297 : i32 to index
        %swap3A_566 = arith.constant 32 : index
        %swap3A_567 = tpu.vector_load %arg7[%swap3A_565, %swap3A_566] {strides = array<i32>} : memref<8x224xf32, #tpu.memory_space<vmem>>, vector<1x16xf32>,
        %swap3A_568 = vector.shape_cast %swap3A_567 : vector<1x16xf32> to vector<16xf32>
        %swap3A_569 = vector.shape_cast %mul3A_564 : vector<16xf32> to vector<1x16xf32>
        tpu.vector_store %arg7[%swap3A_565, %swap3A_566], %swap3A_569 {strides = array<i32>} : memref<8x224xf32, #tpu.memory_space<vmem>>, vector<1x16xf32>,
        %get3A_570 = arith.constant 0 : i32
        %get3A_571 = arith.index_cast %get3A_570 : i32 to index
        %get3A_572 = arith.index_cast %scan3A_297 : i32 to index
        %get3A_573 = arith.constant 48 : index
        %get3A_574 = tpu.vector_load %arg6[%get3A_571, %get3A_572, %get3A_573] {strides = array<i32>} : memref<12x8x224xf32, #tpu.memory_space<vmem>>, vector<1x1x16xf32>,
        %get3A_575 = vector.shape_cast %get3A_574 : vector<1x1x16xf32> to vector<16xf32>
        %get3A_576 = arith.constant 1 : i32
        %get3A_577 = arith.index_cast %get3A_576 : i32 to index
        %get3A_578 = arith.index_cast %scan3A_297 : i32 to index
        %get3A_579 = arith.constant 48 : index
        %get3A_580 = tpu.vector_load %arg6[%get3A_577, %get3A_578, %get3A_579] {strides = array<i32>} : memref<12x8x224xf32, #tpu.memory_space<vmem>>, vector<1x1x16xf32>,
        %get3A_581 = vector.shape_cast %get3A_580 : vector<1x1x16xf32> to vector<16xf32>
        %get3A_582 = arith.constant 2 : i32
        %get3A_583 = arith.index_cast %get3A_582 : i32 to index
        %get3A_584 = arith.index_cast %scan3A_297 : i32 to index
        %get3A_585 = arith.constant 48 : index
        %get3A_586 = tpu.vector_load %arg6[%get3A_583, %get3A_584, %get3A_585] {strides = array<i32>} : memref<12x8x224xf32, #tpu.memory_space<vmem>>, vector<1x1x16xf32>,
        %get3A_587 = vector.shape_cast %get3A_586 : vector<1x1x16xf32> to vector<16xf32>
        %get3A_588 = arith.constant 3 : i32
        %get3A_589 = arith.index_cast %get3A_588 : i32 to index
        %get3A_590 = arith.index_cast %scan3A_297 : i32 to index
        %get3A_591 = arith.constant 48 : index
        %get3A_592 = tpu.vector_load %arg6[%get3A_589, %get3A_590, %get3A_591] {strides = array<i32>} : memref<12x8x224xf32, #tpu.memory_space<vmem>>, vector<1x1x16xf32>,
        %get3A_593 = vector.shape_cast %get3A_592 : vector<1x1x16xf32> to vector<16xf32>
        %get3A_594 = arith.constant 4 : i32
        %get3A_595 = arith.index_cast %get3A_594 : i32 to index
        %get3A_596 = arith.index_cast %scan3A_297 : i32 to index
        %get3A_597 = arith.constant 48 : index
        %get3A_598 = tpu.vector_load %arg6[%get3A_595, %get3A_596, %get3A_597] {strides = array<i32>} : memref<12x8x224xf32, #tpu.memory_space<vmem>>, vector<1x1x16xf32>,
        %get3A_599 = vector.shape_cast %get3A_598 : vector<1x1x16xf32> to vector<16xf32>
        %get3A_600 = arith.constant 5 : i32
        %get3A_601 = arith.index_cast %get3A_600 : i32 to index
        %get3A_602 = arith.index_cast %scan3A_297 : i32 to index
        %get3A_603 = arith.constant 48 : index
        %get3A_604 = tpu.vector_load %arg6[%get3A_601, %get3A_602, %get3A_603] {strides = array<i32>} : memref<12x8x224xf32, #tpu.memory_space<vmem>>, vector<1x1x16xf32>,
        %get3A_605 = vector.shape_cast %get3A_604 : vector<1x1x16xf32> to vector<16xf32>
        %get3A_606 = arith.constant 6 : i32
        %get3A_607 = arith.index_cast %get3A_606 : i32 to index
        %get3A_608 = arith.index_cast %scan3A_297 : i32 to index
        %get3A_609 = arith.constant 48 : index
        %get3A_610 = tpu.vector_load %arg6[%get3A_607, %get3A_608, %get3A_609] {strides = array<i32>} : memref<12x8x224xf32, #tpu.memory_space<vmem>>, vector<1x1x16xf32>,
        %get3A_611 = vector.shape_cast %get3A_610 : vector<1x1x16xf32> to vector<16xf32>
        %get3A_612 = arith.constant 7 : i32
        %get3A_613 = arith.index_cast %get3A_612 : i32 to index
        %get3A_614 = arith.index_cast %scan3A_297 : i32 to index
        %get3A_615 = arith.constant 48 : index
        %get3A_616 = tpu.vector_load %arg6[%get3A_613, %get3A_614, %get3A_615] {strides = array<i32>} : memref<12x8x224xf32, #tpu.memory_space<vmem>>, vector<1x1x16xf32>,
        %get3A_617 = vector.shape_cast %get3A_616 : vector<1x1x16xf32> to vector<16xf32>
        %get3A_618 = arith.constant 8 : i32
        %get3A_619 = arith.index_cast %get3A_618 : i32 to index
        %get3A_620 = arith.index_cast %scan3A_297 : i32 to index
        %get3A_621 = arith.constant 48 : index
        %get3A_622 = tpu.vector_load %arg6[%get3A_619, %get3A_620, %get3A_621] {strides = array<i32>} : memref<12x8x224xf32, #tpu.memory_space<vmem>>, vector<1x1x16xf32>,
        %get3A_623 = vector.shape_cast %get3A_622 : vector<1x1x16xf32> to vector<16xf32>
        %get3A_624 = arith.constant 9 : i32
        %get3A_625 = arith.index_cast %get3A_624 : i32 to index
        %get3A_626 = arith.index_cast %scan3A_297 : i32 to index
        %get3A_627 = arith.constant 48 : index
        %get3A_628 = tpu.vector_load %arg6[%get3A_625, %get3A_626, %get3A_627] {strides = array<i32>} : memref<12x8x224xf32, #tpu.memory_space<vmem>>, vector<1x1x16xf32>,
        %get3A_629 = vector.shape_cast %get3A_628 : vector<1x1x16xf32> to vector<16xf32>
        %get3A_630 = arith.constant 10 : i32
        %get3A_631 = arith.index_cast %get3A_630 : i32 to index
        %get3A_632 = arith.index_cast %scan3A_297 : i32 to index
        %get3A_633 = arith.constant 48 : index
        %get3A_634 = tpu.vector_load %arg6[%get3A_631, %get3A_632, %get3A_633] {strides = array<i32>} : memref<12x8x224xf32, #tpu.memory_space<vmem>>, vector<1x1x16xf32>,
        %get3A_635 = vector.shape_cast %get3A_634 : vector<1x1x16xf32> to vector<16xf32>
        %get3A_636 = arith.constant 11 : i32
        %get3A_637 = arith.index_cast %get3A_636 : i32 to index
        %get3A_638 = arith.index_cast %scan3A_297 : i32 to index
        %get3A_639 = arith.constant 48 : index
        %get3A_640 = tpu.vector_load %arg6[%get3A_637, %get3A_638, %get3A_639] {strides = array<i32>} : memref<12x8x224xf32, #tpu.memory_space<vmem>>, vector<1x1x16xf32>,
        %get3A_641 = vector.shape_cast %get3A_640 : vector<1x1x16xf32> to vector<16xf32>
        %max3A_642 = arith.maximumf %get3A_575, %get3A_581 : vector<16xf32>
        %max3A_643 = arith.maximumf %get3A_587, %get3A_593 : vector<16xf32>
        %max3A_644 = arith.maximumf %get3A_599, %get3A_605 : vector<16xf32>
        %max3A_645 = arith.maximumf %get3A_611, %get3A_617 : vector<16xf32>
        %max3A_646 = arith.maximumf %get3A_623, %get3A_629 : vector<16xf32>
        %max3A_647 = arith.maximumf %get3A_635, %get3A_641 : vector<16xf32>
        %max3A_648 = arith.maximumf %max3A_642, %max3A_643 : vector<16xf32>
        %max3A_649 = arith.maximumf %max3A_644, %max3A_645 : vector<16xf32>
        %max3A_650 = arith.maximumf %max3A_646, %max3A_647 : vector<16xf32>
        %max3A_651 = arith.maximumf %max3A_648, %max3A_649 : vector<16xf32>
        %max3A_652 = arith.maximumf %max3A_651, %max3A_650 : vector<16xf32>
        %mul3A_653 = arith.constant 5.000000e+00 : f32
        %mul3A_654 = vector.broadcast %mul3A_653 : f32 to vector<16xf32>
        %mul3A_655 = arith.mulf %max3A_652, %mul3A_654 : vector<16xf32>
        %swap3A_656 = arith.index_cast %scan3A_297 : i32 to index
        %swap3A_657 = arith.constant 48 : index
        %swap3A_658 = tpu.vector_load %arg7[%swap3A_656, %swap3A_657] {strides = array<i32>} : memref<8x224xf32, #tpu.memory_space<vmem>>, vector<1x16xf32>,
        %swap3A_659 = vector.shape_cast %swap3A_658 : vector<1x16xf32> to vector<16xf32>
        %swap3A_660 = vector.shape_cast %mul3A_655 : vector<16xf32> to vector<1x16xf32>
        tpu.vector_store %arg7[%swap3A_656, %swap3A_657], %swap3A_660 {strides = array<i32>} : memref<8x224xf32, #tpu.memory_space<vmem>>, vector<1x16xf32>,
        %get3A_661 = arith.constant 0 : i32
        %get3A_662 = arith.index_cast %get3A_661 : i32 to index
        %get3A_663 = arith.index_cast %scan3A_297 : i32 to index
        %get3A_664 = arith.constant 64 : index
        %get3A_665 = tpu.vector_load %arg6[%get3A_662, %get3A_663, %get3A_664] {strides = array<i32>} : memref<12x8x224xf32, #tpu.memory_space<vmem>>, vector<1x1x16xf32>,
        %get3A_666 = vector.shape_cast %get3A_665 : vector<1x1x16xf32> to vector<16xf32>
        %get3A_667 = arith.constant 1 : i32
        %get3A_668 = arith.index_cast %get3A_667 : i32 to index
        %get3A_669 = arith.index_cast %scan3A_297 : i32 to index
        %get3A_670 = arith.constant 64 : index
        %get3A_671 = tpu.vector_load %arg6[%get3A_668, %get3A_669, %get3A_670] {strides = array<i32>} : memref<12x8x224xf32, #tpu.memory_space<vmem>>, vector<1x1x16xf32>,
        %get3A_672 = vector.shape_cast %get3A_671 : vector<1x1x16xf32> to vector<16xf32>
        %get3A_673 = arith.constant 2 : i32
        %get3A_674 = arith.index_cast %get3A_673 : i32 to index
        %get3A_675 = arith.index_cast %scan3A_297 : i32 to index
        %get3A_676 = arith.constant 64 : index
        %get3A_677 = tpu.vector_load %arg6[%get3A_674, %get3A_675, %get3A_676] {strides = array<i32>} : memref<12x8x224xf32, #tpu.memory_space<vmem>>, vector<1x1x16xf32>,
        %get3A_678 = vector.shape_cast %get3A_677 : vector<1x1x16xf32> to vector<16xf32>
        %get3A_679 = arith.constant 3 : i32
        %get3A_680 = arith.index_cast %get3A_679 : i32 to index
        %get3A_681 = arith.index_cast %scan3A_297 : i32 to index
        %get3A_682 = arith.constant 64 : index
        %get3A_683 = tpu.vector_load %arg6[%get3A_680, %get3A_681, %get3A_682] {strides = array<i32>} : memref<12x8x224xf32, #tpu.memory_space<vmem>>, vector<1x1x16xf32>,
        %get3A_684 = vector.shape_cast %get3A_683 : vector<1x1x16xf32> to vector<16xf32>
        %get3A_685 = arith.constant 4 : i32
        %get3A_686 = arith.index_cast %get3A_685 : i32 to index
        %get3A_687 = arith.index_cast %scan3A_297 : i32 to index
        %get3A_688 = arith.constant 64 : index
        %get3A_689 = tpu.vector_load %arg6[%get3A_686, %get3A_687, %get3A_688] {strides = array<i32>} : memref<12x8x224xf32, #tpu.memory_space<vmem>>, vector<1x1x16xf32>,
        %get3A_690 = vector.shape_cast %get3A_689 : vector<1x1x16xf32> to vector<16xf32>
        %get3A_691 = arith.constant 5 : i32
        %get3A_692 = arith.index_cast %get3A_691 : i32 to index
        %get3A_693 = arith.index_cast %scan3A_297 : i32 to index
        %get3A_694 = arith.constant 64 : index
        %get3A_695 = tpu.vector_load %arg6[%get3A_692, %get3A_693, %get3A_694] {strides = array<i32>} : memref<12x8x224xf32, #tpu.memory_space<vmem>>, vector<1x1x16xf32>,
        %get3A_696 = vector.shape_cast %get3A_695 : vector<1x1x16xf32> to vector<16xf32>
        %get3A_697 = arith.constant 6 : i32
        %get3A_698 = arith.index_cast %get3A_697 : i32 to index
        %get3A_699 = arith.index_cast %scan3A_297 : i32 to index
        %get3A_700 = arith.constant 64 : index
        %get3A_701 = tpu.vector_load %arg6[%get3A_698, %get3A_699, %get3A_700] {strides = array<i32>} : memref<12x8x224xf32, #tpu.memory_space<vmem>>, vector<1x1x16xf32>,
        %get3A_702 = vector.shape_cast %get3A_701 : vector<1x1x16xf32> to vector<16xf32>
        %get3A_703 = arith.constant 7 : i32
        %get3A_704 = arith.index_cast %get3A_703 : i32 to index
        %get3A_705 = arith.index_cast %scan3A_297 : i32 to index
        %get3A_706 = arith.constant 64 : index
        %get3A_707 = tpu.vector_load %arg6[%get3A_704, %get3A_705, %get3A_706] {strides = array<i32>} : memref<12x8x224xf32, #tpu.memory_space<vmem>>, vector<1x1x16xf32>,
        %get3A_708 = vector.shape_cast %get3A_707 : vector<1x1x16xf32> to vector<16xf32>
        %get3A_709 = arith.constant 8 : i32
        %get3A_710 = arith.index_cast %get3A_709 : i32 to index
        %get3A_711 = arith.index_cast %scan3A_297 : i32 to index
        %get3A_712 = arith.constant 64 : index
        %get3A_713 = tpu.vector_load %arg6[%get3A_710, %get3A_711, %get3A_712] {strides = array<i32>} : memref<12x8x224xf32, #tpu.memory_space<vmem>>, vector<1x1x16xf32>,
        %get3A_714 = vector.shape_cast %get3A_713 : vector<1x1x16xf32> to vector<16xf32>
        %get3A_715 = arith.constant 9 : i32
        %get3A_716 = arith.index_cast %get3A_715 : i32 to index
        %get3A_717 = arith.index_cast %scan3A_297 : i32 to index
        %get3A_718 = arith.constant 64 : index
        %get3A_719 = tpu.vector_load %arg6[%get3A_716, %get3A_717, %get3A_718] {strides = array<i32>} : memref<12x8x224xf32, #tpu.memory_space<vmem>>, vector<1x1x16xf32>,
        %get3A_720 = vector.shape_cast %get3A_719 : vector<1x1x16xf32> to vector<16xf32>
        %get3A_721 = arith.constant 10 : i32
        %get3A_722 = arith.index_cast %get3A_721 : i32 to index
        %get3A_723 = arith.index_cast %scan3A_297 : i32 to index
        %get3A_724 = arith.constant 64 : index
        %get3A_725 = tpu.vector_load %arg6[%get3A_722, %get3A_723, %get3A_724] {strides = array<i32>} : memref<12x8x224xf32, #tpu.memory_space<vmem>>, vector<1x1x16xf32>,
        %get3A_726 = vector.shape_cast %get3A_725 : vector<1x1x16xf32> to vector<16xf32>
        %get3A_727 = arith.constant 11 : i32
        %get3A_728 = arith.index_cast %get3A_727 : i32 to index
        %get3A_729 = arith.index_cast %scan3A_297 : i32 to index
        %get3A_730 = arith.constant 64 : index
        %get3A_731 = tpu.vector_load %arg6[%get3A_728, %get3A_729, %get3A_730] {strides = array<i32>} : memref<12x8x224xf32, #tpu.memory_space<vmem>>, vector<1x1x16xf32>,
        %get3A_732 = vector.shape_cast %get3A_731 : vector<1x1x16xf32> to vector<16xf32>
        %max3A_733 = arith.maximumf %get3A_666, %get3A_672 : vector<16xf32>
        %max3A_734 = arith.maximumf %get3A_678, %get3A_684 : vector<16xf32>
        %max3A_735 = arith.maximumf %get3A_690, %get3A_696 : vector<16xf32>
        %max3A_736 = arith.maximumf %get3A_702, %get3A_708 : vector<16xf32>
        %max3A_737 = arith.maximumf %get3A_714, %get3A_720 : vector<16xf32>
        %max3A_738 = arith.maximumf %get3A_726, %get3A_732 : vector<16xf32>
        %max3A_739 = arith.maximumf %max3A_733, %max3A_734 : vector<16xf32>
        %max3A_740 = arith.maximumf %max3A_735, %max3A_736 : vector<16xf32>
        %max3A_741 = arith.maximumf %max3A_737, %max3A_738 : vector<16xf32>
        %max3A_742 = arith.maximumf %max3A_739, %max3A_740 : vector<16xf32>
        %max3A_743 = arith.maximumf %max3A_742, %max3A_741 : vector<16xf32>
        %mul3A_744 = arith.constant 5.000000e+00 : f32
        %mul3A_745 = vector.broadcast %mul3A_744 : f32 to vector<16xf32>
        %mul3A_746 = arith.mulf %max3A_743, %mul3A_745 : vector<16xf32>
        %swap3A_747 = arith.index_cast %scan3A_297 : i32 to index
        %swap3A_748 = arith.constant 64 : index
        %swap3A_749 = tpu.vector_load %arg7[%swap3A_747, %swap3A_748] {strides = array<i32>} : memref<8x224xf32, #tpu.memory_space<vmem>>, vector<1x16xf32>,
        %swap3A_750 = vector.shape_cast %swap3A_749 : vector<1x16xf32> to vector<16xf32>
        %swap3A_751 = vector.shape_cast %mul3A_746 : vector<16xf32> to vector<1x16xf32>
        tpu.vector_store %arg7[%swap3A_747, %swap3A_748], %swap3A_751 {strides = array<i32>} : memref<8x224xf32, #tpu.memory_space<vmem>>, vector<1x16xf32>,
        %get3A_752 = arith.constant 0 : i32
        %get3A_753 = arith.index_cast %get3A_752 : i32 to index
        %get3A_754 = arith.index_cast %scan3A_297 : i32 to index
        %get3A_755 = arith.constant 80 : index
        %get3A_756 = tpu.vector_load %arg6[%get3A_753, %get3A_754, %get3A_755] {strides = array<i32>} : memref<12x8x224xf32, #tpu.memory_space<vmem>>, vector<1x1x16xf32>,
        %get3A_757 = vector.shape_cast %get3A_756 : vector<1x1x16xf32> to vector<16xf32>
        %get3A_758 = arith.constant 1 : i32
        %get3A_759 = arith.index_cast %get3A_758 : i32 to index
        %get3A_760 = arith.index_cast %scan3A_297 : i32 to index
        %get3A_761 = arith.constant 80 : index
        %get3A_762 = tpu.vector_load %arg6[%get3A_759, %get3A_760, %get3A_761] {strides = array<i32>} : memref<12x8x224xf32, #tpu.memory_space<vmem>>, vector<1x1x16xf32>,
        %get3A_763 = vector.shape_cast %get3A_762 : vector<1x1x16xf32> to vector<16xf32>
        %get3A_764 = arith.constant 2 : i32
        %get3A_765 = arith.index_cast %get3A_764 : i32 to index
        %get3A_766 = arith.index_cast %scan3A_297 : i32 to index
        %get3A_767 = arith.constant 80 : index
        %get3A_768 = tpu.vector_load %arg6[%get3A_765, %get3A_766, %get3A_767] {strides = array<i32>} : memref<12x8x224xf32, #tpu.memory_space<vmem>>, vector<1x1x16xf32>,
        %get3A_769 = vector.shape_cast %get3A_768 : vector<1x1x16xf32> to vector<16xf32>
        %get3A_770 = arith.constant 3 : i32
        %get3A_771 = arith.index_cast %get3A_770 : i32 to index
        %get3A_772 = arith.index_cast %scan3A_297 : i32 to index
        %get3A_773 = arith.constant 80 : index
        %get3A_774 = tpu.vector_load %arg6[%get3A_771, %get3A_772, %get3A_773] {strides = array<i32>} : memref<12x8x224xf32, #tpu.memory_space<vmem>>, vector<1x1x16xf32>,
        %get3A_775 = vector.shape_cast %get3A_774 : vector<1x1x16xf32> to vector<16xf32>
        %get3A_776 = arith.constant 4 : i32
        %get3A_777 = arith.index_cast %get3A_776 : i32 to index
        %get3A_778 = arith.index_cast %scan3A_297 : i32 to index
        %get3A_779 = arith.constant 80 : index
        %get3A_780 = tpu.vector_load %arg6[%get3A_777, %get3A_778, %get3A_779] {strides = array<i32>} : memref<12x8x224xf32, #tpu.memory_space<vmem>>, vector<1x1x16xf32>,
        %get3A_781 = vector.shape_cast %get3A_780 : vector<1x1x16xf32> to vector<16xf32>
        %get3A_782 = arith.constant 5 : i32
        %get3A_783 = arith.index_cast %get3A_782 : i32 to index
        %get3A_784 = arith.index_cast %scan3A_297 : i32 to index
        %get3A_785 = arith.constant 80 : index
        %get3A_786 = tpu.vector_load %arg6[%get3A_783, %get3A_784, %get3A_785] {strides = array<i32>} : memref<12x8x224xf32, #tpu.memory_space<vmem>>, vector<1x1x16xf32>,
        %get3A_787 = vector.shape_cast %get3A_786 : vector<1x1x16xf32> to vector<16xf32>
        %get3A_788 = arith.constant 6 : i32
        %get3A_789 = arith.index_cast %get3A_788 : i32 to index
        %get3A_790 = arith.index_cast %scan3A_297 : i32 to index
        %get3A_791 = arith.constant 80 : index
        %get3A_792 = tpu.vector_load %arg6[%get3A_789, %get3A_790, %get3A_791] {strides = array<i32>} : memref<12x8x224xf32, #tpu.memory_space<vmem>>, vector<1x1x16xf32>,
        %get3A_793 = vector.shape_cast %get3A_792 : vector<1x1x16xf32> to vector<16xf32>
        %get3A_794 = arith.constant 7 : i32
        %get3A_795 = arith.index_cast %get3A_794 : i32 to index
        %get3A_796 = arith.index_cast %scan3A_297 : i32 to index
        %get3A_797 = arith.constant 80 : index
        %get3A_798 = tpu.vector_load %arg6[%get3A_795, %get3A_796, %get3A_797] {strides = array<i32>} : memref<12x8x224xf32, #tpu.memory_space<vmem>>, vector<1x1x16xf32>,
        %get3A_799 = vector.shape_cast %get3A_798 : vector<1x1x16xf32> to vector<16xf32>
        %get3A_800 = arith.constant 8 : i32
        %get3A_801 = arith.index_cast %get3A_800 : i32 to index
        %get3A_802 = arith.index_cast %scan3A_297 : i32 to index
        %get3A_803 = arith.constant 80 : index
        %get3A_804 = tpu.vector_load %arg6[%get3A_801, %get3A_802, %get3A_803] {strides = array<i32>} : memref<12x8x224xf32, #tpu.memory_space<vmem>>, vector<1x1x16xf32>,
        %get3A_805 = vector.shape_cast %get3A_804 : vector<1x1x16xf32> to vector<16xf32>
        %get3A_806 = arith.constant 9 : i32
        %get3A_807 = arith.index_cast %get3A_806 : i32 to index
        %get3A_808 = arith.index_cast %scan3A_297 : i32 to index
        %get3A_809 = arith.constant 80 : index
        %get3A_810 = tpu.vector_load %arg6[%get3A_807, %get3A_808, %get3A_809] {strides = array<i32>} : memref<12x8x224xf32, #tpu.memory_space<vmem>>, vector<1x1x16xf32>,
        %get3A_811 = vector.shape_cast %get3A_810 : vector<1x1x16xf32> to vector<16xf32>
        %get3A_812 = arith.constant 10 : i32
        %get3A_813 = arith.index_cast %get3A_812 : i32 to index
        %get3A_814 = arith.index_cast %scan3A_297 : i32 to index
        %get3A_815 = arith.constant 80 : index
        %get3A_816 = tpu.vector_load %arg6[%get3A_813, %get3A_814, %get3A_815] {strides = array<i32>} : memref<12x8x224xf32, #tpu.memory_space<vmem>>, vector<1x1x16xf32>,
        %get3A_817 = vector.shape_cast %get3A_816 : vector<1x1x16xf32> to vector<16xf32>
        %get3A_818 = arith.constant 11 : i32
        %get3A_819 = arith.index_cast %get3A_818 : i32 to index
        %get3A_820 = arith.index_cast %scan3A_297 : i32 to index
        %get3A_821 = arith.constant 80 : index
        %get3A_822 = tpu.vector_load %arg6[%get3A_819, %get3A_820, %get3A_821] {strides = array<i32>} : memref<12x8x224xf32, #tpu.memory_space<vmem>>, vector<1x1x16xf32>,
        %get3A_823 = vector.shape_cast %get3A_822 : vector<1x1x16xf32> to vector<16xf32>
        %max3A_824 = arith.maximumf %get3A_757, %get3A_763 : vector<16xf32>
        %max3A_825 = arith.maximumf %get3A_769, %get3A_775 : vector<16xf32>
        %max3A_826 = arith.maximumf %get3A_781, %get3A_787 : vector<16xf32>
        %max3A_827 = arith.maximumf %get3A_793, %get3A_799 : vector<16xf32>
        %max3A_828 = arith.maximumf %get3A_805, %get3A_811 : vector<16xf32>
        %max3A_829 = arith.maximumf %get3A_817, %get3A_823 : vector<16xf32>
        %max3A_830 = arith.maximumf %max3A_824, %max3A_825 : vector<16xf32>
        %max3A_831 = arith.maximumf %max3A_826, %max3A_827 : vector<16xf32>
        %max3A_832 = arith.maximumf %max3A_828, %max3A_829 : vector<16xf32>
        %max3A_833 = arith.maximumf %max3A_830, %max3A_831 : vector<16xf32>
        %max3A_834 = arith.maximumf %max3A_833, %max3A_832 : vector<16xf32>
        %mul3A_835 = arith.constant 5.000000e+00 : f32
        %mul3A_836 = vector.broadcast %mul3A_835 : f32 to vector<16xf32>
        %mul3A_837 = arith.mulf %max3A_834, %mul3A_836 : vector<16xf32>
        %swap3A_838 = arith.index_cast %scan3A_297 : i32 to index
        %swap3A_839 = arith.constant 80 : index
        %swap3A_840 = tpu.vector_load %arg7[%swap3A_838, %swap3A_839] {strides = array<i32>} : memref<8x224xf32, #tpu.memory_space<vmem>>, vector<1x16xf32>,
        %swap3A_841 = vector.shape_cast %swap3A_840 : vector<1x16xf32> to vector<16xf32>
        %swap3A_842 = vector.shape_cast %mul3A_837 : vector<16xf32> to vector<1x16xf32>
        tpu.vector_store %arg7[%swap3A_838, %swap3A_839], %swap3A_842 {strides = array<i32>} : memref<8x224xf32, #tpu.memory_space<vmem>>, vector<1x16xf32>,
        %get3A_843 = arith.constant 0 : i32
        %get3A_844 = arith.index_cast %get3A_843 : i32 to index
        %get3A_845 = arith.index_cast %scan3A_297 : i32 to index
        %get3A_846 = arith.constant 96 : index
        %get3A_847 = tpu.vector_load %arg6[%get3A_844, %get3A_845, %get3A_846] {strides = array<i32>} : memref<12x8x224xf32, #tpu.memory_space<vmem>>, vector<1x1x16xf32>,
        %get3A_848 = vector.shape_cast %get3A_847 : vector<1x1x16xf32> to vector<16xf32>
        %get3A_849 = arith.constant 1 : i32
        %get3A_850 = arith.index_cast %get3A_849 : i32 to index
        %get3A_851 = arith.index_cast %scan3A_297 : i32 to index
        %get3A_852 = arith.constant 96 : index
        %get3A_853 = tpu.vector_load %arg6[%get3A_850, %get3A_851, %get3A_852] {strides = array<i32>} : memref<12x8x224xf32, #tpu.memory_space<vmem>>, vector<1x1x16xf32>,
        %get3A_854 = vector.shape_cast %get3A_853 : vector<1x1x16xf32> to vector<16xf32>
        %get3A_855 = arith.constant 2 : i32
        %get3A_856 = arith.index_cast %get3A_855 : i32 to index
        %get3A_857 = arith.index_cast %scan3A_297 : i32 to index
        %get3A_858 = arith.constant 96 : index
        %get3A_859 = tpu.vector_load %arg6[%get3A_856, %get3A_857, %get3A_858] {strides = array<i32>} : memref<12x8x224xf32, #tpu.memory_space<vmem>>, vector<1x1x16xf32>,
        %get3A_860 = vector.shape_cast %get3A_859 : vector<1x1x16xf32> to vector<16xf32>
        %get3A_861 = arith.constant 3 : i32
        %get3A_862 = arith.index_cast %get3A_861 : i32 to index
        %get3A_863 = arith.index_cast %scan3A_297 : i32 to index
        %get3A_864 = arith.constant 96 : index
        %get3A_865 = tpu.vector_load %arg6[%get3A_862, %get3A_863, %get3A_864] {strides = array<i32>} : memref<12x8x224xf32, #tpu.memory_space<vmem>>, vector<1x1x16xf32>,
        %get3A_866 = vector.shape_cast %get3A_865 : vector<1x1x16xf32> to vector<16xf32>
        %get3A_867 = arith.constant 4 : i32
        %get3A_868 = arith.index_cast %get3A_867 : i32 to index
        %get3A_869 = arith.index_cast %scan3A_297 : i32 to index
        %get3A_870 = arith.constant 96 : index
        %get3A_871 = tpu.vector_load %arg6[%get3A_868, %get3A_869, %get3A_870] {strides = array<i32>} : memref<12x8x224xf32, #tpu.memory_space<vmem>>, vector<1x1x16xf32>,
        %get3A_872 = vector.shape_cast %get3A_871 : vector<1x1x16xf32> to vector<16xf32>
        %get3A_873 = arith.constant 5 : i32
        %get3A_874 = arith.index_cast %get3A_873 : i32 to index
        %get3A_875 = arith.index_cast %scan3A_297 : i32 to index
        %get3A_876 = arith.constant 96 : index
        %get3A_877 = tpu.vector_load %arg6[%get3A_874, %get3A_875, %get3A_876] {strides = array<i32>} : memref<12x8x224xf32, #tpu.memory_space<vmem>>, vector<1x1x16xf32>,
        %get3A_878 = vector.shape_cast %get3A_877 : vector<1x1x16xf32> to vector<16xf32>
        %get3A_879 = arith.constant 6 : i32
        %get3A_880 = arith.index_cast %get3A_879 : i32 to index
        %get3A_881 = arith.index_cast %scan3A_297 : i32 to index
        %get3A_882 = arith.constant 96 : index
        %get3A_883 = tpu.vector_load %arg6[%get3A_880, %get3A_881, %get3A_882] {strides = array<i32>} : memref<12x8x224xf32, #tpu.memory_space<vmem>>, vector<1x1x16xf32>,
        %get3A_884 = vector.shape_cast %get3A_883 : vector<1x1x16xf32> to vector<16xf32>
        %get3A_885 = arith.constant 7 : i32
        %get3A_886 = arith.index_cast %get3A_885 : i32 to index
        %get3A_887 = arith.index_cast %scan3A_297 : i32 to index
        %get3A_888 = arith.constant 96 : index
        %get3A_889 = tpu.vector_load %arg6[%get3A_886, %get3A_887, %get3A_888] {strides = array<i32>} : memref<12x8x224xf32, #tpu.memory_space<vmem>>, vector<1x1x16xf32>,
        %get3A_890 = vector.shape_cast %get3A_889 : vector<1x1x16xf32> to vector<16xf32>
        %get3A_891 = arith.constant 8 : i32
        %get3A_892 = arith.index_cast %get3A_891 : i32 to index
        %get3A_893 = arith.index_cast %scan3A_297 : i32 to index
        %get3A_894 = arith.constant 96 : index
        %get3A_895 = tpu.vector_load %arg6[%get3A_892, %get3A_893, %get3A_894] {strides = array<i32>} : memref<12x8x224xf32, #tpu.memory_space<vmem>>, vector<1x1x16xf32>,
        %get3A_896 = vector.shape_cast %get3A_895 : vector<1x1x16xf32> to vector<16xf32>
        %get3A_897 = arith.constant 9 : i32
        %get3A_898 = arith.index_cast %get3A_897 : i32 to index
        %get3A_899 = arith.index_cast %scan3A_297 : i32 to index
        %get3A_900 = arith.constant 96 : index
        %get3A_901 = tpu.vector_load %arg6[%get3A_898, %get3A_899, %get3A_900] {strides = array<i32>} : memref<12x8x224xf32, #tpu.memory_space<vmem>>, vector<1x1x16xf32>,
        %get3A_902 = vector.shape_cast %get3A_901 : vector<1x1x16xf32> to vector<16xf32>
        %get3A_903 = arith.constant 10 : i32
        %get3A_904 = arith.index_cast %get3A_903 : i32 to index
        %get3A_905 = arith.index_cast %scan3A_297 : i32 to index
        %get3A_906 = arith.constant 96 : index
        %get3A_907 = tpu.vector_load %arg6[%get3A_904, %get3A_905, %get3A_906] {strides = array<i32>} : memref<12x8x224xf32, #tpu.memory_space<vmem>>, vector<1x1x16xf32>,
        %get3A_908 = vector.shape_cast %get3A_907 : vector<1x1x16xf32> to vector<16xf32>
        %get3A_909 = arith.constant 11 : i32
        %get3A_910 = arith.index_cast %get3A_909 : i32 to index
        %get3A_911 = arith.index_cast %scan3A_297 : i32 to index
        %get3A_912 = arith.constant 96 : index
        %get3A_913 = tpu.vector_load %arg6[%get3A_910, %get3A_911, %get3A_912] {strides = array<i32>} : memref<12x8x224xf32, #tpu.memory_space<vmem>>, vector<1x1x16xf32>,
        %get3A_914 = vector.shape_cast %get3A_913 : vector<1x1x16xf32> to vector<16xf32>
        %max3A_915 = arith.maximumf %get3A_848, %get3A_854 : vector<16xf32>
        %max3A_916 = arith.maximumf %get3A_860, %get3A_866 : vector<16xf32>
        %max3A_917 = arith.maximumf %get3A_872, %get3A_878 : vector<16xf32>
        %max3A_918 = arith.maximumf %get3A_884, %get3A_890 : vector<16xf32>
        %max3A_919 = arith.maximumf %get3A_896, %get3A_902 : vector<16xf32>
        %max3A_920 = arith.maximumf %get3A_908, %get3A_914 : vector<16xf32>
        %max3A_921 = arith.maximumf %max3A_915, %max3A_916 : vector<16xf32>
        %max3A_922 = arith.maximumf %max3A_917, %max3A_918 : vector<16xf32>
        %max3A_923 = arith.maximumf %max3A_919, %max3A_920 : vector<16xf32>
        %max3A_924 = arith.maximumf %max3A_921, %max3A_922 : vector<16xf32>
        %max3A_925 = arith.maximumf %max3A_924, %max3A_923 : vector<16xf32>
        %mul3A_926 = arith.constant 5.000000e+00 : f32
        %mul3A_927 = vector.broadcast %mul3A_926 : f32 to vector<16xf32>
        %mul3A_928 = arith.mulf %max3A_925, %mul3A_927 : vector<16xf32>
        %swap3A_929 = arith.index_cast %scan3A_297 : i32 to index
        %swap3A_930 = arith.constant 96 : index
        %swap3A_931 = tpu.vector_load %arg7[%swap3A_929, %swap3A_930] {strides = array<i32>} : memref<8x224xf32, #tpu.memory_space<vmem>>, vector<1x16xf32>,
        %swap3A_932 = vector.shape_cast %swap3A_931 : vector<1x16xf32> to vector<16xf32>
        %swap3A_933 = vector.shape_cast %mul3A_928 : vector<16xf32> to vector<1x16xf32>
        tpu.vector_store %arg7[%swap3A_929, %swap3A_930], %swap3A_933 {strides = array<i32>} : memref<8x224xf32, #tpu.memory_space<vmem>>, vector<1x16xf32>,
        %get3A_934 = arith.constant 0 : i32
        %get3A_935 = arith.index_cast %get3A_934 : i32 to index
        %get3A_936 = arith.index_cast %scan3A_297 : i32 to index
        %get3A_937 = arith.constant 112 : index
        %get3A_938 = tpu.vector_load %arg6[%get3A_935, %get3A_936, %get3A_937] {strides = array<i32>} : memref<12x8x224xf32, #tpu.memory_space<vmem>>, vector<1x1x16xf32>,
        %get3A_939 = vector.shape_cast %get3A_938 : vector<1x1x16xf32> to vector<16xf32>
        %get3A_940 = arith.constant 1 : i32
        %get3A_941 = arith.index_cast %get3A_940 : i32 to index
        %get3A_942 = arith.index_cast %scan3A_297 : i32 to index
        %get3A_943 = arith.constant 112 : index
        %get3A_944 = tpu.vector_load %arg6[%get3A_941, %get3A_942, %get3A_943] {strides = array<i32>} : memref<12x8x224xf32, #tpu.memory_space<vmem>>, vector<1x1x16xf32>,
        %get3A_945 = vector.shape_cast %get3A_944 : vector<1x1x16xf32> to vector<16xf32>
        %get3A_946 = arith.constant 2 : i32
        %get3A_947 = arith.index_cast %get3A_946 : i32 to index
        %get3A_948 = arith.index_cast %scan3A_297 : i32 to index
        %get3A_949 = arith.constant 112 : index
        %get3A_950 = tpu.vector_load %arg6[%get3A_947, %get3A_948, %get3A_949] {strides = array<i32>} : memref<12x8x224xf32, #tpu.memory_space<vmem>>, vector<1x1x16xf32>,
        %get3A_951 = vector.shape_cast %get3A_950 : vector<1x1x16xf32> to vector<16xf32>
        %get3A_952 = arith.constant 3 : i32
        %get3A_953 = arith.index_cast %get3A_952 : i32 to index
        %get3A_954 = arith.index_cast %scan3A_297 : i32 to index
        %get3A_955 = arith.constant 112 : index
        %get3A_956 = tpu.vector_load %arg6[%get3A_953, %get3A_954, %get3A_955] {strides = array<i32>} : memref<12x8x224xf32, #tpu.memory_space<vmem>>, vector<1x1x16xf32>,
        %get3A_957 = vector.shape_cast %get3A_956 : vector<1x1x16xf32> to vector<16xf32>
        %get3A_958 = arith.constant 4 : i32
        %get3A_959 = arith.index_cast %get3A_958 : i32 to index
        %get3A_960 = arith.index_cast %scan3A_297 : i32 to index
        %get3A_961 = arith.constant 112 : index
        %get3A_962 = tpu.vector_load %arg6[%get3A_959, %get3A_960, %get3A_961] {strides = array<i32>} : memref<12x8x224xf32, #tpu.memory_space<vmem>>, vector<1x1x16xf32>,
        %get3A_963 = vector.shape_cast %get3A_962 : vector<1x1x16xf32> to vector<16xf32>
        %get3A_964 = arith.constant 5 : i32
        %get3A_965 = arith.index_cast %get3A_964 : i32 to index
        %get3A_966 = arith.index_cast %scan3A_297 : i32 to index
        %get3A_967 = arith.constant 112 : index
        %get3A_968 = tpu.vector_load %arg6[%get3A_965, %get3A_966, %get3A_967] {strides = array<i32>} : memref<12x8x224xf32, #tpu.memory_space<vmem>>, vector<1x1x16xf32>,
        %get3A_969 = vector.shape_cast %get3A_968 : vector<1x1x16xf32> to vector<16xf32>
        %get3A_970 = arith.constant 6 : i32
        %get3A_971 = arith.index_cast %get3A_970 : i32 to index
        %get3A_972 = arith.index_cast %scan3A_297 : i32 to index
        %get3A_973 = arith.constant 112 : index
        %get3A_974 = tpu.vector_load %arg6[%get3A_971, %get3A_972, %get3A_973] {strides = array<i32>} : memref<12x8x224xf32, #tpu.memory_space<vmem>>, vector<1x1x16xf32>,
        %get3A_975 = vector.shape_cast %get3A_974 : vector<1x1x16xf32> to vector<16xf32>
        %get3A_976 = arith.constant 7 : i32
        %get3A_977 = arith.index_cast %get3A_976 : i32 to index
        %get3A_978 = arith.index_cast %scan3A_297 : i32 to index
        %get3A_979 = arith.constant 112 : index
        %get3A_980 = tpu.vector_load %arg6[%get3A_977, %get3A_978, %get3A_979] {strides = array<i32>} : memref<12x8x224xf32, #tpu.memory_space<vmem>>, vector<1x1x16xf32>,
        %get3A_981 = vector.shape_cast %get3A_980 : vector<1x1x16xf32> to vector<16xf32>
        %get3A_982 = arith.constant 8 : i32
        %get3A_983 = arith.index_cast %get3A_982 : i32 to index
        %get3A_984 = arith.index_cast %scan3A_297 : i32 to index
        %get3A_985 = arith.constant 112 : index
        %get3A_986 = tpu.vector_load %arg6[%get3A_983, %get3A_984, %get3A_985] {strides = array<i32>} : memref<12x8x224xf32, #tpu.memory_space<vmem>>, vector<1x1x16xf32>,
        %get3A_987 = vector.shape_cast %get3A_986 : vector<1x1x16xf32> to vector<16xf32>
        %get3A_988 = arith.constant 9 : i32
        %get3A_989 = arith.index_cast %get3A_988 : i32 to index
        %get3A_990 = arith.index_cast %scan3A_297 : i32 to index
        %get3A_991 = arith.constant 112 : index
        %get3A_992 = tpu.vector_load %arg6[%get3A_989, %get3A_990, %get3A_991] {strides = array<i32>} : memref<12x8x224xf32, #tpu.memory_space<vmem>>, vector<1x1x16xf32>,
        %get3A_993 = vector.shape_cast %get3A_992 : vector<1x1x16xf32> to vector<16xf32>
        %get3A_994 = arith.constant 10 : i32
        %get3A_995 = arith.index_cast %get3A_994 : i32 to index
        %get3A_996 = arith.index_cast %scan3A_297 : i32 to index
        %get3A_997 = arith.constant 112 : index
        %get3A_998 = tpu.vector_load %arg6[%get3A_995, %get3A_996, %get3A_997] {strides = array<i32>} : memref<12x8x224xf32, #tpu.memory_space<vmem>>, vector<1x1x16xf32>,
        %get3A_999 = vector.shape_cast %get3A_998 : vector<1x1x16xf32> to vector<16xf32>
        %get3A_1000 = arith.constant 11 : i32
        %get3A_1001 = arith.index_cast %get3A_1000 : i32 to index
        %get3A_1002 = arith.index_cast %scan3A_297 : i32 to index
        %get3A_1003 = arith.constant 112 : index
        %get3A_1004 = tpu.vector_load %arg6[%get3A_1001, %get3A_1002, %get3A_1003] {strides = array<i32>} : memref<12x8x224xf32, #tpu.memory_space<vmem>>, vector<1x1x16xf32>,
        %get3A_1005 = vector.shape_cast %get3A_1004 : vector<1x1x16xf32> to vector<16xf32>
        %max3A_1006 = arith.maximumf %get3A_939, %get3A_945 : vector<16xf32>
        %max3A_1007 = arith.maximumf %get3A_951, %get3A_957 : vector<16xf32>
        %max3A_1008 = arith.maximumf %get3A_963, %get3A_969 : vector<16xf32>
        %max3A_1009 = arith.maximumf %get3A_975, %get3A_981 : vector<16xf32>
        %max3A_1010 = arith.maximumf %get3A_987, %get3A_993 : vector<16xf32>
        %max3A_1011 = arith.maximumf %get3A_999, %get3A_1005 : vector<16xf32>
        %max3A_1012 = arith.maximumf %max3A_1006, %max3A_1007 : vector<16xf32>
        %max3A_1013 = arith.maximumf %max3A_1008, %max3A_1009 : vector<16xf32>
        %max3A_1014 = arith.maximumf %max3A_1010, %max3A_1011 : vector<16xf32>
        %max3A_1015 = arith.maximumf %max3A_1012, %max3A_1013 : vector<16xf32>
        %max3A_1016 = arith.maximumf %max3A_1015, %max3A_1014 : vector<16xf32>
        %mul3A_1017 = arith.constant 5.000000e+00 : f32
        %mul3A_1018 = vector.broadcast %mul3A_1017 : f32 to vector<16xf32>
        %mul3A_1019 = arith.mulf %max3A_1016, %mul3A_1018 : vector<16xf32>
        %swap3A_1020 = arith.index_cast %scan3A_297 : i32 to index
        %swap3A_1021 = arith.constant 112 : index
        %swap3A_1022 = tpu.vector_load %arg7[%swap3A_1020, %swap3A_1021] {strides = array<i32>} : memref<8x224xf32, #tpu.memory_space<vmem>>, vector<1x16xf32>,
        %swap3A_1023 = vector.shape_cast %swap3A_1022 : vector<1x16xf32> to vector<16xf32>
        %swap3A_1024 = vector.shape_cast %mul3A_1019 : vector<16xf32> to vector<1x16xf32>
        tpu.vector_store %arg7[%swap3A_1020, %swap3A_1021], %swap3A_1024 {strides = array<i32>} : memref<8x224xf32, #tpu.memory_space<vmem>>, vector<1x16xf32>,
        %get3A_1025 = arith.constant 0 : i32
        %get3A_1026 = arith.index_cast %get3A_1025 : i32 to index
        %get3A_1027 = arith.index_cast %scan3A_297 : i32 to index
        %get3A_1028 = arith.constant 128 : index
        %get3A_1029 = tpu.vector_load %arg6[%get3A_1026, %get3A_1027, %get3A_1028] {strides = array<i32>} : memref<12x8x224xf32, #tpu.memory_space<vmem>>, vector<1x1x16xf32>,
        %get3A_1030 = vector.shape_cast %get3A_1029 : vector<1x1x16xf32> to vector<16xf32>
        %get3A_1031 = arith.constant 1 : i32
        %get3A_1032 = arith.index_cast %get3A_1031 : i32 to index
        %get3A_1033 = arith.index_cast %scan3A_297 : i32 to index
        %get3A_1034 = arith.constant 128 : index
        %get3A_1035 = tpu.vector_load %arg6[%get3A_1032, %get3A_1033, %get3A_1034] {strides = array<i32>} : memref<12x8x224xf32, #tpu.memory_space<vmem>>, vector<1x1x16xf32>,
        %get3A_1036 = vector.shape_cast %get3A_1035 : vector<1x1x16xf32> to vector<16xf32>
        %get3A_1037 = arith.constant 2 : i32
        %get3A_1038 = arith.index_cast %get3A_1037 : i32 to index
        %get3A_1039 = arith.index_cast %scan3A_297 : i32 to index
        %get3A_1040 = arith.constant 128 : index
        %get3A_1041 = tpu.vector_load %arg6[%get3A_1038, %get3A_1039, %get3A_1040] {strides = array<i32>} : memref<12x8x224xf32, #tpu.memory_space<vmem>>, vector<1x1x16xf32>,
        %get3A_1042 = vector.shape_cast %get3A_1041 : vector<1x1x16xf32> to vector<16xf32>
        %get3A_1043 = arith.constant 3 : i32
        %get3A_1044 = arith.index_cast %get3A_1043 : i32 to index
        %get3A_1045 = arith.index_cast %scan3A_297 : i32 to index
        %get3A_1046 = arith.constant 128 : index
        %get3A_1047 = tpu.vector_load %arg6[%get3A_1044, %get3A_1045, %get3A_1046] {strides = array<i32>} : memref<12x8x224xf32, #tpu.memory_space<vmem>>, vector<1x1x16xf32>,
        %get3A_1048 = vector.shape_cast %get3A_1047 : vector<1x1x16xf32> to vector<16xf32>
        %get3A_1049 = arith.constant 4 : i32
        %get3A_1050 = arith.index_cast %get3A_1049 : i32 to index
        %get3A_1051 = arith.index_cast %scan3A_297 : i32 to index
        %get3A_1052 = arith.constant 128 : index
        %get3A_1053 = tpu.vector_load %arg6[%get3A_1050, %get3A_1051, %get3A_1052] {strides = array<i32>} : memref<12x8x224xf32, #tpu.memory_space<vmem>>, vector<1x1x16xf32>,
        %get3A_1054 = vector.shape_cast %get3A_1053 : vector<1x1x16xf32> to vector<16xf32>
        %get3A_1055 = arith.constant 5 : i32
        %get3A_1056 = arith.index_cast %get3A_1055 : i32 to index
        %get3A_1057 = arith.index_cast %scan3A_297 : i32 to index
        %get3A_1058 = arith.constant 128 : index
        %get3A_1059 = tpu.vector_load %arg6[%get3A_1056, %get3A_1057, %get3A_1058] {strides = array<i32>} : memref<12x8x224xf32, #tpu.memory_space<vmem>>, vector<1x1x16xf32>,
        %get3A_1060 = vector.shape_cast %get3A_1059 : vector<1x1x16xf32> to vector<16xf32>
        %get3A_1061 = arith.constant 6 : i32
        %get3A_1062 = arith.index_cast %get3A_1061 : i32 to index
        %get3A_1063 = arith.index_cast %scan3A_297 : i32 to index
        %get3A_1064 = arith.constant 128 : index
        %get3A_1065 = tpu.vector_load %arg6[%get3A_1062, %get3A_1063, %get3A_1064] {strides = array<i32>} : memref<12x8x224xf32, #tpu.memory_space<vmem>>, vector<1x1x16xf32>,
        %get3A_1066 = vector.shape_cast %get3A_1065 : vector<1x1x16xf32> to vector<16xf32>
        %get3A_1067 = arith.constant 7 : i32
        %get3A_1068 = arith.index_cast %get3A_1067 : i32 to index
        %get3A_1069 = arith.index_cast %scan3A_297 : i32 to index
        %get3A_1070 = arith.constant 128 : index
        %get3A_1071 = tpu.vector_load %arg6[%get3A_1068, %get3A_1069, %get3A_1070] {strides = array<i32>} : memref<12x8x224xf32, #tpu.memory_space<vmem>>, vector<1x1x16xf32>,
        %get3A_1072 = vector.shape_cast %get3A_1071 : vector<1x1x16xf32> to vector<16xf32>
        %get3A_1073 = arith.constant 8 : i32
        %get3A_1074 = arith.index_cast %get3A_1073 : i32 to index
        %get3A_1075 = arith.index_cast %scan3A_297 : i32 to index
        %get3A_1076 = arith.constant 128 : index
        %get3A_1077 = tpu.vector_load %arg6[%get3A_1074, %get3A_1075, %get3A_1076] {strides = array<i32>} : memref<12x8x224xf32, #tpu.memory_space<vmem>>, vector<1x1x16xf32>,
        %get3A_1078 = vector.shape_cast %get3A_1077 : vector<1x1x16xf32> to vector<16xf32>
        %get3A_1079 = arith.constant 9 : i32
        %get3A_1080 = arith.index_cast %get3A_1079 : i32 to index
        %get3A_1081 = arith.index_cast %scan3A_297 : i32 to index
        %get3A_1082 = arith.constant 128 : index
        %get3A_1083 = tpu.vector_load %arg6[%get3A_1080, %get3A_1081, %get3A_1082] {strides = array<i32>} : memref<12x8x224xf32, #tpu.memory_space<vmem>>, vector<1x1x16xf32>,
        %get3A_1084 = vector.shape_cast %get3A_1083 : vector<1x1x16xf32> to vector<16xf32>
        %get3A_1085 = arith.constant 10 : i32
        %get3A_1086 = arith.index_cast %get3A_1085 : i32 to index
        %get3A_1087 = arith.index_cast %scan3A_297 : i32 to index
        %get3A_1088 = arith.constant 128 : index
        %get3A_1089 = tpu.vector_load %arg6[%get3A_1086, %get3A_1087, %get3A_1088] {strides = array<i32>} : memref<12x8x224xf32, #tpu.memory_space<vmem>>, vector<1x1x16xf32>,
        %get3A_1090 = vector.shape_cast %get3A_1089 : vector<1x1x16xf32> to vector<16xf32>
        %get3A_1091 = arith.constant 11 : i32
        %get3A_1092 = arith.index_cast %get3A_1091 : i32 to index
        %get3A_1093 = arith.index_cast %scan3A_297 : i32 to index
        %get3A_1094 = arith.constant 128 : index
        %get3A_1095 = tpu.vector_load %arg6[%get3A_1092, %get3A_1093, %get3A_1094] {strides = array<i32>} : memref<12x8x224xf32, #tpu.memory_space<vmem>>, vector<1x1x16xf32>,
        %get3A_1096 = vector.shape_cast %get3A_1095 : vector<1x1x16xf32> to vector<16xf32>
        %max3A_1097 = arith.maximumf %get3A_1030, %get3A_1036 : vector<16xf32>
        %max3A_1098 = arith.maximumf %get3A_1042, %get3A_1048 : vector<16xf32>
        %max3A_1099 = arith.maximumf %get3A_1054, %get3A_1060 : vector<16xf32>
        %max3A_1100 = arith.maximumf %get3A_1066, %get3A_1072 : vector<16xf32>
        %max3A_1101 = arith.maximumf %get3A_1078, %get3A_1084 : vector<16xf32>
        %max3A_1102 = arith.maximumf %get3A_1090, %get3A_1096 : vector<16xf32>
        %max3A_1103 = arith.maximumf %max3A_1097, %max3A_1098 : vector<16xf32>
        %max3A_1104 = arith.maximumf %max3A_1099, %max3A_1100 : vector<16xf32>
        %max3A_1105 = arith.maximumf %max3A_1101, %max3A_1102 : vector<16xf32>
        %max3A_1106 = arith.maximumf %max3A_1103, %max3A_1104 : vector<16xf32>
        %max3A_1107 = arith.maximumf %max3A_1106, %max3A_1105 : vector<16xf32>
        %mul3A_1108 = arith.constant 5.000000e+00 : f32
        %mul3A_1109 = vector.broadcast %mul3A_1108 : f32 to vector<16xf32>
        %mul3A_1110 = arith.mulf %max3A_1107, %mul3A_1109 : vector<16xf32>
        %swap3A_1111 = arith.index_cast %scan3A_297 : i32 to index
        %swap3A_1112 = arith.constant 128 : index
        %swap3A_1113 = tpu.vector_load %arg7[%swap3A_1111, %swap3A_1112] {strides = array<i32>} : memref<8x224xf32, #tpu.memory_space<vmem>>, vector<1x16xf32>,
        %swap3A_1114 = vector.shape_cast %swap3A_1113 : vector<1x16xf32> to vector<16xf32>
        %swap3A_1115 = vector.shape_cast %mul3A_1110 : vector<16xf32> to vector<1x16xf32>
        tpu.vector_store %arg7[%swap3A_1111, %swap3A_1112], %swap3A_1115 {strides = array<i32>} : memref<8x224xf32, #tpu.memory_space<vmem>>, vector<1x16xf32>,
        %get3A_1116 = arith.constant 0 : i32
        %get3A_1117 = arith.index_cast %get3A_1116 : i32 to index
        %get3A_1118 = arith.index_cast %scan3A_297 : i32 to index
        %get3A_1119 = arith.constant 144 : index
        %get3A_1120 = tpu.vector_load %arg6[%get3A_1117, %get3A_1118, %get3A_1119] {strides = array<i32>} : memref<12x8x224xf32, #tpu.memory_space<vmem>>, vector<1x1x16xf32>,
        %get3A_1121 = vector.shape_cast %get3A_1120 : vector<1x1x16xf32> to vector<16xf32>
        %get3A_1122 = arith.constant 1 : i32
        %get3A_1123 = arith.index_cast %get3A_1122 : i32 to index
        %get3A_1124 = arith.index_cast %scan3A_297 : i32 to index
        %get3A_1125 = arith.constant 144 : index
        %get3A_1126 = tpu.vector_load %arg6[%get3A_1123, %get3A_1124, %get3A_1125] {strides = array<i32>} : memref<12x8x224xf32, #tpu.memory_space<vmem>>, vector<1x1x16xf32>,
        %get3A_1127 = vector.shape_cast %get3A_1126 : vector<1x1x16xf32> to vector<16xf32>
        %get3A_1128 = arith.constant 2 : i32
        %get3A_1129 = arith.index_cast %get3A_1128 : i32 to index
        %get3A_1130 = arith.index_cast %scan3A_297 : i32 to index
        %get3A_1131 = arith.constant 144 : index
        %get3A_1132 = tpu.vector_load %arg6[%get3A_1129, %get3A_1130, %get3A_1131] {strides = array<i32>} : memref<12x8x224xf32, #tpu.memory_space<vmem>>, vector<1x1x16xf32>,
        %get3A_1133 = vector.shape_cast %get3A_1132 : vector<1x1x16xf32> to vector<16xf32>
        %get3A_1134 = arith.constant 3 : i32
        %get3A_1135 = arith.index_cast %get3A_1134 : i32 to index
        %get3A_1136 = arith.index_cast %scan3A_297 : i32 to index
        %get3A_1137 = arith.constant 144 : index
        %get3A_1138 = tpu.vector_load %arg6[%get3A_1135, %get3A_1136, %get3A_1137] {strides = array<i32>} : memref<12x8x224xf32, #tpu.memory_space<vmem>>, vector<1x1x16xf32>,
        %get3A_1139 = vector.shape_cast %get3A_1138 : vector<1x1x16xf32> to vector<16xf32>
        %get3A_1140 = arith.constant 4 : i32
        %get3A_1141 = arith.index_cast %get3A_1140 : i32 to index
        %get3A_1142 = arith.index_cast %scan3A_297 : i32 to index
        %get3A_1143 = arith.constant 144 : index
        %get3A_1144 = tpu.vector_load %arg6[%get3A_1141, %get3A_1142, %get3A_1143] {strides = array<i32>} : memref<12x8x224xf32, #tpu.memory_space<vmem>>, vector<1x1x16xf32>,
        %get3A_1145 = vector.shape_cast %get3A_1144 : vector<1x1x16xf32> to vector<16xf32>
        %get3A_1146 = arith.constant 5 : i32
        %get3A_1147 = arith.index_cast %get3A_1146 : i32 to index
        %get3A_1148 = arith.index_cast %scan3A_297 : i32 to index
        %get3A_1149 = arith.constant 144 : index
        %get3A_1150 = tpu.vector_load %arg6[%get3A_1147, %get3A_1148, %get3A_1149] {strides = array<i32>} : memref<12x8x224xf32, #tpu.memory_space<vmem>>, vector<1x1x16xf32>,
        %get3A_1151 = vector.shape_cast %get3A_1150 : vector<1x1x16xf32> to vector<16xf32>
        %get3A_1152 = arith.constant 6 : i32
        %get3A_1153 = arith.index_cast %get3A_1152 : i32 to index
        %get3A_1154 = arith.index_cast %scan3A_297 : i32 to index
        %get3A_1155 = arith.constant 144 : index
        %get3A_1156 = tpu.vector_load %arg6[%get3A_1153, %get3A_1154, %get3A_1155] {strides = array<i32>} : memref<12x8x224xf32, #tpu.memory_space<vmem>>, vector<1x1x16xf32>,
        %get3A_1157 = vector.shape_cast %get3A_1156 : vector<1x1x16xf32> to vector<16xf32>
        %get3A_1158 = arith.constant 7 : i32
        %get3A_1159 = arith.index_cast %get3A_1158 : i32 to index
        %get3A_1160 = arith.index_cast %scan3A_297 : i32 to index
        %get3A_1161 = arith.constant 144 : index
        %get3A_1162 = tpu.vector_load %arg6[%get3A_1159, %get3A_1160, %get3A_1161] {strides = array<i32>} : memref<12x8x224xf32, #tpu.memory_space<vmem>>, vector<1x1x16xf32>,
        %get3A_1163 = vector.shape_cast %get3A_1162 : vector<1x1x16xf32> to vector<16xf32>
        %get3A_1164 = arith.constant 8 : i32
        %get3A_1165 = arith.index_cast %get3A_1164 : i32 to index
        %get3A_1166 = arith.index_cast %scan3A_297 : i32 to index
        %get3A_1167 = arith.constant 144 : index
        %get3A_1168 = tpu.vector_load %arg6[%get3A_1165, %get3A_1166, %get3A_1167] {strides = array<i32>} : memref<12x8x224xf32, #tpu.memory_space<vmem>>, vector<1x1x16xf32>,
        %get3A_1169 = vector.shape_cast %get3A_1168 : vector<1x1x16xf32> to vector<16xf32>
        %get3A_1170 = arith.constant 9 : i32
        %get3A_1171 = arith.index_cast %get3A_1170 : i32 to index
        %get3A_1172 = arith.index_cast %scan3A_297 : i32 to index
        %get3A_1173 = arith.constant 144 : index
        %get3A_1174 = tpu.vector_load %arg6[%get3A_1171, %get3A_1172, %get3A_1173] {strides = array<i32>} : memref<12x8x224xf32, #tpu.memory_space<vmem>>, vector<1x1x16xf32>,
        %get3A_1175 = vector.shape_cast %get3A_1174 : vector<1x1x16xf32> to vector<16xf32>
        %get3A_1176 = arith.constant 10 : i32
        %get3A_1177 = arith.index_cast %get3A_1176 : i32 to index
        %get3A_1178 = arith.index_cast %scan3A_297 : i32 to index
        %get3A_1179 = arith.constant 144 : index
        %get3A_1180 = tpu.vector_load %arg6[%get3A_1177, %get3A_1178, %get3A_1179] {strides = array<i32>} : memref<12x8x224xf32, #tpu.memory_space<vmem>>, vector<1x1x16xf32>,
        %get3A_1181 = vector.shape_cast %get3A_1180 : vector<1x1x16xf32> to vector<16xf32>
        %get3A_1182 = arith.constant 11 : i32
        %get3A_1183 = arith.index_cast %get3A_1182 : i32 to index
        %get3A_1184 = arith.index_cast %scan3A_297 : i32 to index
        %get3A_1185 = arith.constant 144 : index
        %get3A_1186 = tpu.vector_load %arg6[%get3A_1183, %get3A_1184, %get3A_1185] {strides = array<i32>} : memref<12x8x224xf32, #tpu.memory_space<vmem>>, vector<1x1x16xf32>,
        %get3A_1187 = vector.shape_cast %get3A_1186 : vector<1x1x16xf32> to vector<16xf32>
        %max3A_1188 = arith.maximumf %get3A_1121, %get3A_1127 : vector<16xf32>
        %max3A_1189 = arith.maximumf %get3A_1133, %get3A_1139 : vector<16xf32>
        %max3A_1190 = arith.maximumf %get3A_1145, %get3A_1151 : vector<16xf32>
        %max3A_1191 = arith.maximumf %get3A_1157, %get3A_1163 : vector<16xf32>
        %max3A_1192 = arith.maximumf %get3A_1169, %get3A_1175 : vector<16xf32>
        %max3A_1193 = arith.maximumf %get3A_1181, %get3A_1187 : vector<16xf32>
        %max3A_1194 = arith.maximumf %max3A_1188, %max3A_1189 : vector<16xf32>
        %max3A_1195 = arith.maximumf %max3A_1190, %max3A_1191 : vector<16xf32>
        %max3A_1196 = arith.maximumf %max3A_1192, %max3A_1193 : vector<16xf32>
        %max3A_1197 = arith.maximumf %max3A_1194, %max3A_1195 : vector<16xf32>
        %max3A_1198 = arith.maximumf %max3A_1197, %max3A_1196 : vector<16xf32>
        %mul3A_1199 = arith.constant 5.000000e+00 : f32
        %mul3A_1200 = vector.broadcast %mul3A_1199 : f32 to vector<16xf32>
        %mul3A_1201 = arith.mulf %max3A_1198, %mul3A_1200 : vector<16xf32>
        %swap3A_1202 = arith.index_cast %scan3A_297 : i32 to index
        %swap3A_1203 = arith.constant 144 : index
        %swap3A_1204 = tpu.vector_load %arg7[%swap3A_1202, %swap3A_1203] {strides = array<i32>} : memref<8x224xf32, #tpu.memory_space<vmem>>, vector<1x16xf32>,
        %swap3A_1205 = vector.shape_cast %swap3A_1204 : vector<1x16xf32> to vector<16xf32>
        %swap3A_1206 = vector.shape_cast %mul3A_1201 : vector<16xf32> to vector<1x16xf32>
        tpu.vector_store %arg7[%swap3A_1202, %swap3A_1203], %swap3A_1206 {strides = array<i32>} : memref<8x224xf32, #tpu.memory_space<vmem>>, vector<1x16xf32>,
        %get3A_1207 = arith.constant 0 : i32
        %get3A_1208 = arith.index_cast %get3A_1207 : i32 to index
        %get3A_1209 = arith.index_cast %scan3A_297 : i32 to index
        %get3A_1210 = arith.constant 160 : index
        %get3A_1211 = tpu.vector_load %arg6[%get3A_1208, %get3A_1209, %get3A_1210] {strides = array<i32>} : memref<12x8x224xf32, #tpu.memory_space<vmem>>, vector<1x1x16xf32>,
        %get3A_1212 = vector.shape_cast %get3A_1211 : vector<1x1x16xf32> to vector<16xf32>
        %get3A_1213 = arith.constant 1 : i32
        %get3A_1214 = arith.index_cast %get3A_1213 : i32 to index
        %get3A_1215 = arith.index_cast %scan3A_297 : i32 to index
        %get3A_1216 = arith.constant 160 : index
        %get3A_1217 = tpu.vector_load %arg6[%get3A_1214, %get3A_1215, %get3A_1216] {strides = array<i32>} : memref<12x8x224xf32, #tpu.memory_space<vmem>>, vector<1x1x16xf32>,
        %get3A_1218 = vector.shape_cast %get3A_1217 : vector<1x1x16xf32> to vector<16xf32>
        %get3A_1219 = arith.constant 2 : i32
        %get3A_1220 = arith.index_cast %get3A_1219 : i32 to index
        %get3A_1221 = arith.index_cast %scan3A_297 : i32 to index
        %get3A_1222 = arith.constant 160 : index
        %get3A_1223 = tpu.vector_load %arg6[%get3A_1220, %get3A_1221, %get3A_1222] {strides = array<i32>} : memref<12x8x224xf32, #tpu.memory_space<vmem>>, vector<1x1x16xf32>,
        %get3A_1224 = vector.shape_cast %get3A_1223 : vector<1x1x16xf32> to vector<16xf32>
        %get3A_1225 = arith.constant 3 : i32
        %get3A_1226 = arith.index_cast %get3A_1225 : i32 to index
        %get3A_1227 = arith.index_cast %scan3A_297 : i32 to index
        %get3A_1228 = arith.constant 160 : index
        %get3A_1229 = tpu.vector_load %arg6[%get3A_1226, %get3A_1227, %get3A_1228] {strides = array<i32>} : memref<12x8x224xf32, #tpu.memory_space<vmem>>, vector<1x1x16xf32>,
        %get3A_1230 = vector.shape_cast %get3A_1229 : vector<1x1x16xf32> to vector<16xf32>
        %get3A_1231 = arith.constant 4 : i32
        %get3A_1232 = arith.index_cast %get3A_1231 : i32 to index
        %get3A_1233 = arith.index_cast %scan3A_297 : i32 to index
        %get3A_1234 = arith.constant 160 : index
        %get3A_1235 = tpu.vector_load %arg6[%get3A_1232, %get3A_1233, %get3A_1234] {strides = array<i32>} : memref<12x8x224xf32, #tpu.memory_space<vmem>>, vector<1x1x16xf32>,
        %get3A_1236 = vector.shape_cast %get3A_1235 : vector<1x1x16xf32> to vector<16xf32>
        %get3A_1237 = arith.constant 5 : i32
        %get3A_1238 = arith.index_cast %get3A_1237 : i32 to index
        %get3A_1239 = arith.index_cast %scan3A_297 : i32 to index
        %get3A_1240 = arith.constant 160 : index
        %get3A_1241 = tpu.vector_load %arg6[%get3A_1238, %get3A_1239, %get3A_1240] {strides = array<i32>} : memref<12x8x224xf32, #tpu.memory_space<vmem>>, vector<1x1x16xf32>,
        %get3A_1242 = vector.shape_cast %get3A_1241 : vector<1x1x16xf32> to vector<16xf32>
        %get3A_1243 = arith.constant 6 : i32
        %get3A_1244 = arith.index_cast %get3A_1243 : i32 to index
        %get3A_1245 = arith.index_cast %scan3A_297 : i32 to index
        %get3A_1246 = arith.constant 160 : index
        %get3A_1247 = tpu.vector_load %arg6[%get3A_1244, %get3A_1245, %get3A_1246] {strides = array<i32>} : memref<12x8x224xf32, #tpu.memory_space<vmem>>, vector<1x1x16xf32>,
        %get3A_1248 = vector.shape_cast %get3A_1247 : vector<1x1x16xf32> to vector<16xf32>
        %get3A_1249 = arith.constant 7 : i32
        %get3A_1250 = arith.index_cast %get3A_1249 : i32 to index
        %get3A_1251 = arith.index_cast %scan3A_297 : i32 to index
        %get3A_1252 = arith.constant 160 : index
        %get3A_1253 = tpu.vector_load %arg6[%get3A_1250, %get3A_1251, %get3A_1252] {strides = array<i32>} : memref<12x8x224xf32, #tpu.memory_space<vmem>>, vector<1x1x16xf32>,
        %get3A_1254 = vector.shape_cast %get3A_1253 : vector<1x1x16xf32> to vector<16xf32>
        %get3A_1255 = arith.constant 8 : i32
        %get3A_1256 = arith.index_cast %get3A_1255 : i32 to index
        %get3A_1257 = arith.index_cast %scan3A_297 : i32 to index
        %get3A_1258 = arith.constant 160 : index
        %get3A_1259 = tpu.vector_load %arg6[%get3A_1256, %get3A_1257, %get3A_1258] {strides = array<i32>} : memref<12x8x224xf32, #tpu.memory_space<vmem>>, vector<1x1x16xf32>,
        %get3A_1260 = vector.shape_cast %get3A_1259 : vector<1x1x16xf32> to vector<16xf32>
        %get3A_1261 = arith.constant 9 : i32
        %get3A_1262 = arith.index_cast %get3A_1261 : i32 to index
        %get3A_1263 = arith.index_cast %scan3A_297 : i32 to index
        %get3A_1264 = arith.constant 160 : index
        %get3A_1265 = tpu.vector_load %arg6[%get3A_1262, %get3A_1263, %get3A_1264] {strides = array<i32>} : memref<12x8x224xf32, #tpu.memory_space<vmem>>, vector<1x1x16xf32>,
        %get3A_1266 = vector.shape_cast %get3A_1265 : vector<1x1x16xf32> to vector<16xf32>
        %get3A_1267 = arith.constant 10 : i32
        %get3A_1268 = arith.index_cast %get3A_1267 : i32 to index
        %get3A_1269 = arith.index_cast %scan3A_297 : i32 to index
        %get3A_1270 = arith.constant 160 : index
        %get3A_1271 = tpu.vector_load %arg6[%get3A_1268, %get3A_1269, %get3A_1270] {strides = array<i32>} : memref<12x8x224xf32, #tpu.memory_space<vmem>>, vector<1x1x16xf32>,
        %get3A_1272 = vector.shape_cast %get3A_1271 : vector<1x1x16xf32> to vector<16xf32>
        %get3A_1273 = arith.constant 11 : i32
        %get3A_1274 = arith.index_cast %get3A_1273 : i32 to index
        %get3A_1275 = arith.index_cast %scan3A_297 : i32 to index
        %get3A_1276 = arith.constant 160 : index
        %get3A_1277 = tpu.vector_load %arg6[%get3A_1274, %get3A_1275, %get3A_1276] {strides = array<i32>} : memref<12x8x224xf32, #tpu.memory_space<vmem>>, vector<1x1x16xf32>,
        %get3A_1278 = vector.shape_cast %get3A_1277 : vector<1x1x16xf32> to vector<16xf32>
        %max3A_1279 = arith.maximumf %get3A_1212, %get3A_1218 : vector<16xf32>
        %max3A_1280 = arith.maximumf %get3A_1224, %get3A_1230 : vector<16xf32>
        %max3A_1281 = arith.maximumf %get3A_1236, %get3A_1242 : vector<16xf32>
        %max3A_1282 = arith.maximumf %get3A_1248, %get3A_1254 : vector<16xf32>
        %max3A_1283 = arith.maximumf %get3A_1260, %get3A_1266 : vector<16xf32>
        %max3A_1284 = arith.maximumf %get3A_1272, %get3A_1278 : vector<16xf32>
        %max3A_1285 = arith.maximumf %max3A_1279, %max3A_1280 : vector<16xf32>
        %max3A_1286 = arith.maximumf %max3A_1281, %max3A_1282 : vector<16xf32>
        %max3A_1287 = arith.maximumf %max3A_1283, %max3A_1284 : vector<16xf32>
        %max3A_1288 = arith.maximumf %max3A_1285, %max3A_1286 : vector<16xf32>
        %max3A_1289 = arith.maximumf %max3A_1288, %max3A_1287 : vector<16xf32>
        %mul3A_1290 = arith.constant 5.000000e+00 : f32
        %mul3A_1291 = vector.broadcast %mul3A_1290 : f32 to vector<16xf32>
        %mul3A_1292 = arith.mulf %max3A_1289, %mul3A_1291 : vector<16xf32>
        %swap3A_1293 = arith.index_cast %scan3A_297 : i32 to index
        %swap3A_1294 = arith.constant 160 : index
        %swap3A_1295 = tpu.vector_load %arg7[%swap3A_1293, %swap3A_1294] {strides = array<i32>} : memref<8x224xf32, #tpu.memory_space<vmem>>, vector<1x16xf32>,
        %swap3A_1296 = vector.shape_cast %swap3A_1295 : vector<1x16xf32> to vector<16xf32>
        %swap3A_1297 = vector.shape_cast %mul3A_1292 : vector<16xf32> to vector<1x16xf32>
        tpu.vector_store %arg7[%swap3A_1293, %swap3A_1294], %swap3A_1297 {strides = array<i32>} : memref<8x224xf32, #tpu.memory_space<vmem>>, vector<1x16xf32>,
        %get3A_1298 = arith.constant 0 : i32
        %get3A_1299 = arith.index_cast %get3A_1298 : i32 to index
        %get3A_1300 = arith.index_cast %scan3A_297 : i32 to index
        %get3A_1301 = arith.constant 176 : index
        %get3A_1302 = tpu.vector_load %arg6[%get3A_1299, %get3A_1300, %get3A_1301] {strides = array<i32>} : memref<12x8x224xf32, #tpu.memory_space<vmem>>, vector<1x1x16xf32>,
        %get3A_1303 = vector.shape_cast %get3A_1302 : vector<1x1x16xf32> to vector<16xf32>
        %get3A_1304 = arith.constant 1 : i32
        %get3A_1305 = arith.index_cast %get3A_1304 : i32 to index
        %get3A_1306 = arith.index_cast %scan3A_297 : i32 to index
        %get3A_1307 = arith.constant 176 : index
        %get3A_1308 = tpu.vector_load %arg6[%get3A_1305, %get3A_1306, %get3A_1307] {strides = array<i32>} : memref<12x8x224xf32, #tpu.memory_space<vmem>>, vector<1x1x16xf32>,
        %get3A_1309 = vector.shape_cast %get3A_1308 : vector<1x1x16xf32> to vector<16xf32>
        %get3A_1310 = arith.constant 2 : i32
        %get3A_1311 = arith.index_cast %get3A_1310 : i32 to index
        %get3A_1312 = arith.index_cast %scan3A_297 : i32 to index
        %get3A_1313 = arith.constant 176 : index
        %get3A_1314 = tpu.vector_load %arg6[%get3A_1311, %get3A_1312, %get3A_1313] {strides = array<i32>} : memref<12x8x224xf32, #tpu.memory_space<vmem>>, vector<1x1x16xf32>,
        %get3A_1315 = vector.shape_cast %get3A_1314 : vector<1x1x16xf32> to vector<16xf32>
        %get3A_1316 = arith.constant 3 : i32
        %get3A_1317 = arith.index_cast %get3A_1316 : i32 to index
        %get3A_1318 = arith.index_cast %scan3A_297 : i32 to index
        %get3A_1319 = arith.constant 176 : index
        %get3A_1320 = tpu.vector_load %arg6[%get3A_1317, %get3A_1318, %get3A_1319] {strides = array<i32>} : memref<12x8x224xf32, #tpu.memory_space<vmem>>, vector<1x1x16xf32>,
        %get3A_1321 = vector.shape_cast %get3A_1320 : vector<1x1x16xf32> to vector<16xf32>
        %get3A_1322 = arith.constant 4 : i32
        %get3A_1323 = arith.index_cast %get3A_1322 : i32 to index
        %get3A_1324 = arith.index_cast %scan3A_297 : i32 to index
        %get3A_1325 = arith.constant 176 : index
        %get3A_1326 = tpu.vector_load %arg6[%get3A_1323, %get3A_1324, %get3A_1325] {strides = array<i32>} : memref<12x8x224xf32, #tpu.memory_space<vmem>>, vector<1x1x16xf32>,
        %get3A_1327 = vector.shape_cast %get3A_1326 : vector<1x1x16xf32> to vector<16xf32>
        %get3A_1328 = arith.constant 5 : i32
        %get3A_1329 = arith.index_cast %get3A_1328 : i32 to index
        %get3A_1330 = arith.index_cast %scan3A_297 : i32 to index
        %get3A_1331 = arith.constant 176 : index
        %get3A_1332 = tpu.vector_load %arg6[%get3A_1329, %get3A_1330, %get3A_1331] {strides = array<i32>} : memref<12x8x224xf32, #tpu.memory_space<vmem>>, vector<1x1x16xf32>,
        %get3A_1333 = vector.shape_cast %get3A_1332 : vector<1x1x16xf32> to vector<16xf32>
        %get3A_1334 = arith.constant 6 : i32
        %get3A_1335 = arith.index_cast %get3A_1334 : i32 to index
        %get3A_1336 = arith.index_cast %scan3A_297 : i32 to index
        %get3A_1337 = arith.constant 176 : index
        %get3A_1338 = tpu.vector_load %arg6[%get3A_1335, %get3A_1336, %get3A_1337] {strides = array<i32>} : memref<12x8x224xf32, #tpu.memory_space<vmem>>, vector<1x1x16xf32>,
        %get3A_1339 = vector.shape_cast %get3A_1338 : vector<1x1x16xf32> to vector<16xf32>
        %get3A_1340 = arith.constant 7 : i32
        %get3A_1341 = arith.index_cast %get3A_1340 : i32 to index
        %get3A_1342 = arith.index_cast %scan3A_297 : i32 to index
        %get3A_1343 = arith.constant 176 : index
        %get3A_1344 = tpu.vector_load %arg6[%get3A_1341, %get3A_1342, %get3A_1343] {strides = array<i32>} : memref<12x8x224xf32, #tpu.memory_space<vmem>>, vector<1x1x16xf32>,
        %get3A_1345 = vector.shape_cast %get3A_1344 : vector<1x1x16xf32> to vector<16xf32>
        %get3A_1346 = arith.constant 8 : i32
        %get3A_1347 = arith.index_cast %get3A_1346 : i32 to index
        %get3A_1348 = arith.index_cast %scan3A_297 : i32 to index
        %get3A_1349 = arith.constant 176 : index
        %get3A_1350 = tpu.vector_load %arg6[%get3A_1347, %get3A_1348, %get3A_1349] {strides = array<i32>} : memref<12x8x224xf32, #tpu.memory_space<vmem>>, vector<1x1x16xf32>,
        %get3A_1351 = vector.shape_cast %get3A_1350 : vector<1x1x16xf32> to vector<16xf32>
        %get3A_1352 = arith.constant 9 : i32
        %get3A_1353 = arith.index_cast %get3A_1352 : i32 to index
        %get3A_1354 = arith.index_cast %scan3A_297 : i32 to index
        %get3A_1355 = arith.constant 176 : index
        %get3A_1356 = tpu.vector_load %arg6[%get3A_1353, %get3A_1354, %get3A_1355] {strides = array<i32>} : memref<12x8x224xf32, #tpu.memory_space<vmem>>, vector<1x1x16xf32>,
        %get3A_1357 = vector.shape_cast %get3A_1356 : vector<1x1x16xf32> to vector<16xf32>
        %get3A_1358 = arith.constant 10 : i32
        %get3A_1359 = arith.index_cast %get3A_1358 : i32 to index
        %get3A_1360 = arith.index_cast %scan3A_297 : i32 to index
        %get3A_1361 = arith.constant 176 : index
        %get3A_1362 = tpu.vector_load %arg6[%get3A_1359, %get3A_1360, %get3A_1361] {strides = array<i32>} : memref<12x8x224xf32, #tpu.memory_space<vmem>>, vector<1x1x16xf32>,
        %get3A_1363 = vector.shape_cast %get3A_1362 : vector<1x1x16xf32> to vector<16xf32>
        %get3A_1364 = arith.constant 11 : i32
        %get3A_1365 = arith.index_cast %get3A_1364 : i32 to index
        %get3A_1366 = arith.index_cast %scan3A_297 : i32 to index
        %get3A_1367 = arith.constant 176 : index
        %get3A_1368 = tpu.vector_load %arg6[%get3A_1365, %get3A_1366, %get3A_1367] {strides = array<i32>} : memref<12x8x224xf32, #tpu.memory_space<vmem>>, vector<1x1x16xf32>,
        %get3A_1369 = vector.shape_cast %get3A_1368 : vector<1x1x16xf32> to vector<16xf32>
        %max3A_1370 = arith.maximumf %get3A_1303, %get3A_1309 : vector<16xf32>
        %max3A_1371 = arith.maximumf %get3A_1315, %get3A_1321 : vector<16xf32>
        %max3A_1372 = arith.maximumf %get3A_1327, %get3A_1333 : vector<16xf32>
        %max3A_1373 = arith.maximumf %get3A_1339, %get3A_1345 : vector<16xf32>
        %max3A_1374 = arith.maximumf %get3A_1351, %get3A_1357 : vector<16xf32>
        %max3A_1375 = arith.maximumf %get3A_1363, %get3A_1369 : vector<16xf32>
        %max3A_1376 = arith.maximumf %max3A_1370, %max3A_1371 : vector<16xf32>
        %max3A_1377 = arith.maximumf %max3A_1372, %max3A_1373 : vector<16xf32>
        %max3A_1378 = arith.maximumf %max3A_1374, %max3A_1375 : vector<16xf32>
        %max3A_1379 = arith.maximumf %max3A_1376, %max3A_1377 : vector<16xf32>
        %max3A_1380 = arith.maximumf %max3A_1379, %max3A_1378 : vector<16xf32>
        %mul3A_1381 = arith.constant 5.000000e+00 : f32
        %mul3A_1382 = vector.broadcast %mul3A_1381 : f32 to vector<16xf32>
        %mul3A_1383 = arith.mulf %max3A_1380, %mul3A_1382 : vector<16xf32>
        %swap3A_1384 = arith.index_cast %scan3A_297 : i32 to index
        %swap3A_1385 = arith.constant 176 : index
        %swap3A_1386 = tpu.vector_load %arg7[%swap3A_1384, %swap3A_1385] {strides = array<i32>} : memref<8x224xf32, #tpu.memory_space<vmem>>, vector<1x16xf32>,
        %swap3A_1387 = vector.shape_cast %swap3A_1386 : vector<1x16xf32> to vector<16xf32>
        %swap3A_1388 = vector.shape_cast %mul3A_1383 : vector<16xf32> to vector<1x16xf32>
        tpu.vector_store %arg7[%swap3A_1384, %swap3A_1385], %swap3A_1388 {strides = array<i32>} : memref<8x224xf32, #tpu.memory_space<vmem>>, vector<1x16xf32>,
        %get3A_1389 = arith.constant 0 : i32
        %get3A_1390 = arith.index_cast %get3A_1389 : i32 to index
        %get3A_1391 = arith.index_cast %scan3A_297 : i32 to index
        %get3A_1392 = arith.constant 192 : index
        %get3A_1393 = tpu.vector_load %arg6[%get3A_1390, %get3A_1391, %get3A_1392] {strides = array<i32>} : memref<12x8x224xf32, #tpu.memory_space<vmem>>, vector<1x1x16xf32>,
        %get3A_1394 = vector.shape_cast %get3A_1393 : vector<1x1x16xf32> to vector<16xf32>
        %get3A_1395 = arith.constant 1 : i32
        %get3A_1396 = arith.index_cast %get3A_1395 : i32 to index
        %get3A_1397 = arith.index_cast %scan3A_297 : i32 to index
        %get3A_1398 = arith.constant 192 : index
        %get3A_1399 = tpu.vector_load %arg6[%get3A_1396, %get3A_1397, %get3A_1398] {strides = array<i32>} : memref<12x8x224xf32, #tpu.memory_space<vmem>>, vector<1x1x16xf32>,
        %get3A_1400 = vector.shape_cast %get3A_1399 : vector<1x1x16xf32> to vector<16xf32>
        %get3A_1401 = arith.constant 2 : i32
        %get3A_1402 = arith.index_cast %get3A_1401 : i32 to index
        %get3A_1403 = arith.index_cast %scan3A_297 : i32 to index
        %get3A_1404 = arith.constant 192 : index
        %get3A_1405 = tpu.vector_load %arg6[%get3A_1402, %get3A_1403, %get3A_1404] {strides = array<i32>} : memref<12x8x224xf32, #tpu.memory_space<vmem>>, vector<1x1x16xf32>,
        %get3A_1406 = vector.shape_cast %get3A_1405 : vector<1x1x16xf32> to vector<16xf32>
        %get3A_1407 = arith.constant 3 : i32
        %get3A_1408 = arith.index_cast %get3A_1407 : i32 to index
        %get3A_1409 = arith.index_cast %scan3A_297 : i32 to index
        %get3A_1410 = arith.constant 192 : index
        %get3A_1411 = tpu.vector_load %arg6[%get3A_1408, %get3A_1409, %get3A_1410] {strides = array<i32>} : memref<12x8x224xf32, #tpu.memory_space<vmem>>, vector<1x1x16xf32>,
        %get3A_1412 = vector.shape_cast %get3A_1411 : vector<1x1x16xf32> to vector<16xf32>
        %get3A_1413 = arith.constant 4 : i32
        %get3A_1414 = arith.index_cast %get3A_1413 : i32 to index
        %get3A_1415 = arith.index_cast %scan3A_297 : i32 to index
        %get3A_1416 = arith.constant 192 : index
        %get3A_1417 = tpu.vector_load %arg6[%get3A_1414, %get3A_1415, %get3A_1416] {strides = array<i32>} : memref<12x8x224xf32, #tpu.memory_space<vmem>>, vector<1x1x16xf32>,
        %get3A_1418 = vector.shape_cast %get3A_1417 : vector<1x1x16xf32> to vector<16xf32>
        %get3A_1419 = arith.constant 5 : i32
        %get3A_1420 = arith.index_cast %get3A_1419 : i32 to index
        %get3A_1421 = arith.index_cast %scan3A_297 : i32 to index
        %get3A_1422 = arith.constant 192 : index
        %get3A_1423 = tpu.vector_load %arg6[%get3A_1420, %get3A_1421, %get3A_1422] {strides = array<i32>} : memref<12x8x224xf32, #tpu.memory_space<vmem>>, vector<1x1x16xf32>,
        %get3A_1424 = vector.shape_cast %get3A_1423 : vector<1x1x16xf32> to vector<16xf32>
        %get3A_1425 = arith.constant 6 : i32
        %get3A_1426 = arith.index_cast %get3A_1425 : i32 to index
        %get3A_1427 = arith.index_cast %scan3A_297 : i32 to index
        %get3A_1428 = arith.constant 192 : index
        %get3A_1429 = tpu.vector_load %arg6[%get3A_1426, %get3A_1427, %get3A_1428] {strides = array<i32>} : memref<12x8x224xf32, #tpu.memory_space<vmem>>, vector<1x1x16xf32>,
        %get3A_1430 = vector.shape_cast %get3A_1429 : vector<1x1x16xf32> to vector<16xf32>
        %get3A_1431 = arith.constant 7 : i32
        %get3A_1432 = arith.index_cast %get3A_1431 : i32 to index
        %get3A_1433 = arith.index_cast %scan3A_297 : i32 to index
        %get3A_1434 = arith.constant 192 : index
        %get3A_1435 = tpu.vector_load %arg6[%get3A_1432, %get3A_1433, %get3A_1434] {strides = array<i32>} : memref<12x8x224xf32, #tpu.memory_space<vmem>>, vector<1x1x16xf32>,
        %get3A_1436 = vector.shape_cast %get3A_1435 : vector<1x1x16xf32> to vector<16xf32>
        %get3A_1437 = arith.constant 8 : i32
        %get3A_1438 = arith.index_cast %get3A_1437 : i32 to index
        %get3A_1439 = arith.index_cast %scan3A_297 : i32 to index
        %get3A_1440 = arith.constant 192 : index
        %get3A_1441 = tpu.vector_load %arg6[%get3A_1438, %get3A_1439, %get3A_1440] {strides = array<i32>} : memref<12x8x224xf32, #tpu.memory_space<vmem>>, vector<1x1x16xf32>,
        %get3A_1442 = vector.shape_cast %get3A_1441 : vector<1x1x16xf32> to vector<16xf32>
        %get3A_1443 = arith.constant 9 : i32
        %get3A_1444 = arith.index_cast %get3A_1443 : i32 to index
        %get3A_1445 = arith.index_cast %scan3A_297 : i32 to index
        %get3A_1446 = arith.constant 192 : index
        %get3A_1447 = tpu.vector_load %arg6[%get3A_1444, %get3A_1445, %get3A_1446] {strides = array<i32>} : memref<12x8x224xf32, #tpu.memory_space<vmem>>, vector<1x1x16xf32>,
        %get3A_1448 = vector.shape_cast %get3A_1447 : vector<1x1x16xf32> to vector<16xf32>
        %get3A_1449 = arith.constant 10 : i32
        %get3A_1450 = arith.index_cast %get3A_1449 : i32 to index
        %get3A_1451 = arith.index_cast %scan3A_297 : i32 to index
        %get3A_1452 = arith.constant 192 : index
        %get3A_1453 = tpu.vector_load %arg6[%get3A_1450, %get3A_1451, %get3A_1452] {strides = array<i32>} : memref<12x8x224xf32, #tpu.memory_space<vmem>>, vector<1x1x16xf32>,
        %get3A_1454 = vector.shape_cast %get3A_1453 : vector<1x1x16xf32> to vector<16xf32>
        %get3A_1455 = arith.constant 11 : i32
        %get3A_1456 = arith.index_cast %get3A_1455 : i32 to index
        %get3A_1457 = arith.index_cast %scan3A_297 : i32 to index
        %get3A_1458 = arith.constant 192 : index
        %get3A_1459 = tpu.vector_load %arg6[%get3A_1456, %get3A_1457, %get3A_1458] {strides = array<i32>} : memref<12x8x224xf32, #tpu.memory_space<vmem>>, vector<1x1x16xf32>,
        %get3A_1460 = vector.shape_cast %get3A_1459 : vector<1x1x16xf32> to vector<16xf32>
        %max3A_1461 = arith.maximumf %get3A_1394, %get3A_1400 : vector<16xf32>
        %max3A_1462 = arith.maximumf %get3A_1406, %get3A_1412 : vector<16xf32>
        %max3A_1463 = arith.maximumf %get3A_1418, %get3A_1424 : vector<16xf32>
        %max3A_1464 = arith.maximumf %get3A_1430, %get3A_1436 : vector<16xf32>
        %max3A_1465 = arith.maximumf %get3A_1442, %get3A_1448 : vector<16xf32>
        %max3A_1466 = arith.maximumf %get3A_1454, %get3A_1460 : vector<16xf32>
        %max3A_1467 = arith.maximumf %max3A_1461, %max3A_1462 : vector<16xf32>
        %max3A_1468 = arith.maximumf %max3A_1463, %max3A_1464 : vector<16xf32>
        %max3A_1469 = arith.maximumf %max3A_1465, %max3A_1466 : vector<16xf32>
        %max3A_1470 = arith.maximumf %max3A_1467, %max3A_1468 : vector<16xf32>
        %max3A_1471 = arith.maximumf %max3A_1470, %max3A_1469 : vector<16xf32>
        %mul3A_1472 = arith.constant 5.000000e+00 : f32
        %mul3A_1473 = vector.broadcast %mul3A_1472 : f32 to vector<16xf32>
        %mul3A_1474 = arith.mulf %max3A_1471, %mul3A_1473 : vector<16xf32>
        %swap3A_1475 = arith.index_cast %scan3A_297 : i32 to index
        %swap3A_1476 = arith.constant 192 : index
        %swap3A_1477 = tpu.vector_load %arg7[%swap3A_1475, %swap3A_1476] {strides = array<i32>} : memref<8x224xf32, #tpu.memory_space<vmem>>, vector<1x16xf32>,
        %swap3A_1478 = vector.shape_cast %swap3A_1477 : vector<1x16xf32> to vector<16xf32>
        %swap3A_1479 = vector.shape_cast %mul3A_1474 : vector<16xf32> to vector<1x16xf32>
        tpu.vector_store %arg7[%swap3A_1475, %swap3A_1476], %swap3A_1479 {strides = array<i32>} : memref<8x224xf32, #tpu.memory_space<vmem>>, vector<1x16xf32>,
        %get3A_1480 = arith.constant 0 : i32
        %get3A_1481 = arith.index_cast %get3A_1480 : i32 to index
        %get3A_1482 = arith.index_cast %scan3A_297 : i32 to index
        %get3A_1483 = arith.constant 208 : index
        %get3A_1484 = tpu.vector_load %arg6[%get3A_1481, %get3A_1482, %get3A_1483] {strides = array<i32>} : memref<12x8x224xf32, #tpu.memory_space<vmem>>, vector<1x1x16xf32>,
        %get3A_1485 = vector.shape_cast %get3A_1484 : vector<1x1x16xf32> to vector<16xf32>
        %get3A_1486 = arith.constant 1 : i32
        %get3A_1487 = arith.index_cast %get3A_1486 : i32 to index
        %get3A_1488 = arith.index_cast %scan3A_297 : i32 to index
        %get3A_1489 = arith.constant 208 : index
        %get3A_1490 = tpu.vector_load %arg6[%get3A_1487, %get3A_1488, %get3A_1489] {strides = array<i32>} : memref<12x8x224xf32, #tpu.memory_space<vmem>>, vector<1x1x16xf32>,
        %get3A_1491 = vector.shape_cast %get3A_1490 : vector<1x1x16xf32> to vector<16xf32>
        %get3A_1492 = arith.constant 2 : i32
        %get3A_1493 = arith.index_cast %get3A_1492 : i32 to index
        %get3A_1494 = arith.index_cast %scan3A_297 : i32 to index
        %get3A_1495 = arith.constant 208 : index
        %get3A_1496 = tpu.vector_load %arg6[%get3A_1493, %get3A_1494, %get3A_1495] {strides = array<i32>} : memref<12x8x224xf32, #tpu.memory_space<vmem>>, vector<1x1x16xf32>,
        %get3A_1497 = vector.shape_cast %get3A_1496 : vector<1x1x16xf32> to vector<16xf32>
        %get3A_1498 = arith.constant 3 : i32
        %get3A_1499 = arith.index_cast %get3A_1498 : i32 to index
        %get3A_1500 = arith.index_cast %scan3A_297 : i32 to index
        %get3A_1501 = arith.constant 208 : index
        %get3A_1502 = tpu.vector_load %arg6[%get3A_1499, %get3A_1500, %get3A_1501] {strides = array<i32>} : memref<12x8x224xf32, #tpu.memory_space<vmem>>, vector<1x1x16xf32>,
        %get3A_1503 = vector.shape_cast %get3A_1502 : vector<1x1x16xf32> to vector<16xf32>
        %get3A_1504 = arith.constant 4 : i32
        %get3A_1505 = arith.index_cast %get3A_1504 : i32 to index
        %get3A_1506 = arith.index_cast %scan3A_297 : i32 to index
        %get3A_1507 = arith.constant 208 : index
        %get3A_1508 = tpu.vector_load %arg6[%get3A_1505, %get3A_1506, %get3A_1507] {strides = array<i32>} : memref<12x8x224xf32, #tpu.memory_space<vmem>>, vector<1x1x16xf32>,
        %get3A_1509 = vector.shape_cast %get3A_1508 : vector<1x1x16xf32> to vector<16xf32>
        %get3A_1510 = arith.constant 5 : i32
        %get3A_1511 = arith.index_cast %get3A_1510 : i32 to index
        %get3A_1512 = arith.index_cast %scan3A_297 : i32 to index
        %get3A_1513 = arith.constant 208 : index
        %get3A_1514 = tpu.vector_load %arg6[%get3A_1511, %get3A_1512, %get3A_1513] {strides = array<i32>} : memref<12x8x224xf32, #tpu.memory_space<vmem>>, vector<1x1x16xf32>,
        %get3A_1515 = vector.shape_cast %get3A_1514 : vector<1x1x16xf32> to vector<16xf32>
        %get3A_1516 = arith.constant 6 : i32
        %get3A_1517 = arith.index_cast %get3A_1516 : i32 to index
        %get3A_1518 = arith.index_cast %scan3A_297 : i32 to index
        %get3A_1519 = arith.constant 208 : index
        %get3A_1520 = tpu.vector_load %arg6[%get3A_1517, %get3A_1518, %get3A_1519] {strides = array<i32>} : memref<12x8x224xf32, #tpu.memory_space<vmem>>, vector<1x1x16xf32>,
        %get3A_1521 = vector.shape_cast %get3A_1520 : vector<1x1x16xf32> to vector<16xf32>
        %get3A_1522 = arith.constant 7 : i32
        %get3A_1523 = arith.index_cast %get3A_1522 : i32 to index
        %get3A_1524 = arith.index_cast %scan3A_297 : i32 to index
        %get3A_1525 = arith.constant 208 : index
        %get3A_1526 = tpu.vector_load %arg6[%get3A_1523, %get3A_1524, %get3A_1525] {strides = array<i32>} : memref<12x8x224xf32, #tpu.memory_space<vmem>>, vector<1x1x16xf32>,
        %get3A_1527 = vector.shape_cast %get3A_1526 : vector<1x1x16xf32> to vector<16xf32>
        %get3A_1528 = arith.constant 8 : i32
        %get3A_1529 = arith.index_cast %get3A_1528 : i32 to index
        %get3A_1530 = arith.index_cast %scan3A_297 : i32 to index
        %get3A_1531 = arith.constant 208 : index
        %get3A_1532 = tpu.vector_load %arg6[%get3A_1529, %get3A_1530, %get3A_1531] {strides = array<i32>} : memref<12x8x224xf32, #tpu.memory_space<vmem>>, vector<1x1x16xf32>,
        %get3A_1533 = vector.shape_cast %get3A_1532 : vector<1x1x16xf32> to vector<16xf32>
        %get3A_1534 = arith.constant 9 : i32
        %get3A_1535 = arith.index_cast %get3A_1534 : i32 to index
        %get3A_1536 = arith.index_cast %scan3A_297 : i32 to index
        %get3A_1537 = arith.constant 208 : index
        %get3A_1538 = tpu.vector_load %arg6[%get3A_1535, %get3A_1536, %get3A_1537] {strides = array<i32>} : memref<12x8x224xf32, #tpu.memory_space<vmem>>, vector<1x1x16xf32>,
        %get3A_1539 = vector.shape_cast %get3A_1538 : vector<1x1x16xf32> to vector<16xf32>
        %get3A_1540 = arith.constant 10 : i32
        %get3A_1541 = arith.index_cast %get3A_1540 : i32 to index
        %get3A_1542 = arith.index_cast %scan3A_297 : i32 to index
        %get3A_1543 = arith.constant 208 : index
        %get3A_1544 = tpu.vector_load %arg6[%get3A_1541, %get3A_1542, %get3A_1543] {strides = array<i32>} : memref<12x8x224xf32, #tpu.memory_space<vmem>>, vector<1x1x16xf32>,
        %get3A_1545 = vector.shape_cast %get3A_1544 : vector<1x1x16xf32> to vector<16xf32>
        %get3A_1546 = arith.constant 11 : i32
        %get3A_1547 = arith.index_cast %get3A_1546 : i32 to index
        %get3A_1548 = arith.index_cast %scan3A_297 : i32 to index
        %get3A_1549 = arith.constant 208 : index
        %get3A_1550 = tpu.vector_load %arg6[%get3A_1547, %get3A_1548, %get3A_1549] {strides = array<i32>} : memref<12x8x224xf32, #tpu.memory_space<vmem>>, vector<1x1x16xf32>,
        %get3A_1551 = vector.shape_cast %get3A_1550 : vector<1x1x16xf32> to vector<16xf32>
        %max3A_1552 = arith.maximumf %get3A_1485, %get3A_1491 : vector<16xf32>
        %max3A_1553 = arith.maximumf %get3A_1497, %get3A_1503 : vector<16xf32>
        %max3A_1554 = arith.maximumf %get3A_1509, %get3A_1515 : vector<16xf32>
        %max3A_1555 = arith.maximumf %get3A_1521, %get3A_1527 : vector<16xf32>
        %max3A_1556 = arith.maximumf %get3A_1533, %get3A_1539 : vector<16xf32>
        %max3A_1557 = arith.maximumf %get3A_1545, %get3A_1551 : vector<16xf32>
        %max3A_1558 = arith.maximumf %max3A_1552, %max3A_1553 : vector<16xf32>
        %max3A_1559 = arith.maximumf %max3A_1554, %max3A_1555 : vector<16xf32>
        %max3A_1560 = arith.maximumf %max3A_1556, %max3A_1557 : vector<16xf32>
        %max3A_1561 = arith.maximumf %max3A_1558, %max3A_1559 : vector<16xf32>
        %max3A_1562 = arith.maximumf %max3A_1561, %max3A_1560 : vector<16xf32>
        %mul3A_1563 = arith.constant 5.000000e+00 : f32
        %mul3A_1564 = vector.broadcast %mul3A_1563 : f32 to vector<16xf32>
        %mul3A_1565 = arith.mulf %max3A_1562, %mul3A_1564 : vector<16xf32>
        %swap3A_1566 = arith.index_cast %scan3A_297 : i32 to index
        %swap3A_1567 = arith.constant 208 : index
        %swap3A_1568 = tpu.vector_load %arg7[%swap3A_1566, %swap3A_1567] {strides = array<i32>} : memref<8x224xf32, #tpu.memory_space<vmem>>, vector<1x16xf32>,
        %swap3A_1569 = vector.shape_cast %swap3A_1568 : vector<1x16xf32> to vector<16xf32>
        %swap3A_1570 = vector.shape_cast %mul3A_1565 : vector<16xf32> to vector<1x16xf32>
        tpu.vector_store %arg7[%swap3A_1566, %swap3A_1567], %swap3A_1570 {strides = array<i32>} : memref<8x224xf32, #tpu.memory_space<vmem>>, vector<1x16xf32>,
        %scan3A_1571 = arith.constant 0 : i32
        scf.yield %scan3A_1571 : i32
      }
      %scan3A_267 = arith.constant 8 : i32
      %mul3A_268 = arith.constant 16 : i32
      %mul3A_269 = arith.muli %select_n3A, %mul3A_268 : i32
      %jit3A_270 = arith.constant 2 : i32
      %eq3A_271 = arith.constant 0 : i32
      %eq3A_272 = arith.cmpi eq, %jit3A_270, %eq3A_271 : i32
      %jit3A_273 = arith.constant 1 : i32
      %select_n3A_274 = arith.select %eq3A_272, %jit3A_273, %jit3A_270 : i32
      %rem3A_275 = arith.remsi %add3A, %select_n3A_274 : i32
      %ne3A_276 = arith.constant 0 : i32
      %ne3A_277 = arith.cmpi ne, %rem3A_275, %ne3A_276 : i32
      %lt3A_278 = arith.constant 0 : i32
      %lt3A_279 = arith.cmpi slt, %rem3A_275, %lt3A_278 : i32
      %lt3A_280 = arith.constant 0 : i32
      %lt3A_281 = arith.cmpi slt, %select_n3A_274, %lt3A_280 : i32
      %ne3A_282 = arith.xori %lt3A_279, %lt3A_281 : i1
      %and3A_283 = arith.andi %ne3A_282, %ne3A_277 : i1
      %add3A_284 = arith.addi %rem3A_275, %select_n3A_274 : i32
      %select_n3A_285 = arith.select %and3A_283, %add3A_284, %rem3A_275 : i32
      %mul3A_286 = arith.constant 8 : i32
      %mul3A_287 = arith.muli %select_n3A_285, %mul3A_286 : i32
      %add3A_288 = arith.addi %mul3A_269, %mul3A_287 : i32
      %dma_start3A_289 = arith.constant 0 : i32
      %dma_start3A_290 = tpu.memref_slice %arg4[%add3A_288, %dma_start3A_289] : memref<128x224xf32, #tpu.memory_space<hbm>> -> memref<8x224xf32, #tpu.memory_space<hbm>>
      %dma_start3A_291 = arith.constant 0 : i32
      %dma_start3A_292 = tpu.memref_slice %arg4[%add3A_288, %dma_start3A_291] : memref<128x224xf32, #tpu.memory_space<hbm>> -> memref<8x224xf32, #tpu.memory_space<hbm>>
      tpu.enqueue_dma source(%arg7 : memref<8x224xf32, #tpu.memory_space<vmem>>) target(%dma_start3A_292 : memref<8x224xf32, #tpu.memory_space<hbm>>) target_semaphore(%arg9 : memref<!tpu.dma_semaphore, #tpu.memory_space<semaphore_mem>>)
      %dma_wait3A_293 = arith.constant 0 : i32
      %dma_wait3A_294 = tpu.memref_slice %arg4[%add3A_288, %dma_wait3A_293] : memref<128x224xf32, #tpu.memory_space<hbm>> -> memref<8x224xf32, #tpu.memory_space<hbm>>
      %dma_wait3A_295 = arith.constant 0 : i32
      %dma_wait3A_296 = tpu.memref_slice %arg4[%add3A_288, %dma_wait3A_295] : memref<128x224xf32, #tpu.memory_space<hbm>> -> memref<8x224xf32, #tpu.memory_space<hbm>>
      tpu.wait_dma2 semaphore(%arg9 : memref<!tpu.dma_semaphore, #tpu.memory_space<semaphore_mem>>) src(%arg7 : memref<8x224xf32, #tpu.memory_space<vmem>>) dst(%dma_wait3A_296 : memref<8x224xf32, #tpu.memory_space<hbm>>)
    } else {
    }
    return
  }
}

module attributes {stable_mosaic.version = 14 : i64} {
  func.func @_tc_body(%arg0: memref<12xi32, #tpu.memory_space<smem>>, %arg1: memref<8x150x224x224xf32, #tpu.memory_space<any>>, %arg2: memref<8x224x224xf32, #tpu.memory_space<any>>, %arg3: memref<4x8x208x224xf32, #tpu.memory_space<vmem>>, %arg4: memref<8x208x224xf32, #tpu.memory_space<vmem>>, %arg5: memref<!tpu.dma_semaphore, #tpu.memory_space<semaphore_mem>>, %arg6: memref<!tpu.dma_semaphore, #tpu.memory_space<semaphore_mem>>) attributes {dimension_semantics = [], scalar_prefetch = 1 : i64, scratch_operands = 4 : i64, tpu.core_type = #tpu.core_type<tc>} {
    %get3A = arith.constant 0 : index
    %get3A_0 = memref.load %arg0[%get3A] : memref<12xi32, #tpu.memory_space<smem>>
    %dma_start3A = arith.constant 0 : i32
    %dma_start3A_1 = arith.constant 0 : i32
    %dma_start3A_2 = arith.constant 0 : i32
    %dma_start3A_3 = arith.constant 0 : i32
    %dma_start3A_4 = tpu.memref_slice %arg3[%dma_start3A, %dma_start3A_1, %dma_start3A_2, %dma_start3A_3] : memref<4x8x208x224xf32, #tpu.memory_space<vmem>> -> memref<1x8x208x224xf32, #tpu.memory_space<vmem>>
    %dma_start3A_5 = tpu.memref_squeeze %dma_start3A_4 : memref<1x8x208x224xf32, #tpu.memory_space<vmem>> -> memref<8x208x224xf32, #tpu.memory_space<vmem>>
    %dma_start3A_6 = arith.constant 0 : i32
    %dma_start3A_7 = arith.constant 0 : i32
    %dma_start3A_8 = arith.constant 0 : i32
    %dma_start3A_9 = tpu.memref_slice %arg1[%dma_start3A_6, %get3A_0, %dma_start3A_7, %dma_start3A_8] : memref<8x150x224x224xf32, #tpu.memory_space<any>> -> memref<8x1x208x224xf32, #tpu.memory_space<any>>
    %dma_start3A_10 = tpu.memref_squeeze %dma_start3A_9 : memref<8x1x208x224xf32, #tpu.memory_space<any>> -> memref<8x208x224xf32, #tpu.memory_space<any>>
    tpu.enqueue_dma source(%dma_start3A_10 : memref<8x208x224xf32, #tpu.memory_space<any>>) target(%dma_start3A_5 : memref<8x208x224xf32, #tpu.memory_space<vmem>>) target_semaphore(%arg5 : memref<!tpu.dma_semaphore, #tpu.memory_space<semaphore_mem>>)
    %get3A_11 = arith.constant 1 : index
    %get3A_12 = memref.load %arg0[%get3A_11] : memref<12xi32, #tpu.memory_space<smem>>
    %dma_start3A_13 = arith.constant 1 : i32
    %dma_start3A_14 = arith.constant 0 : i32
    %dma_start3A_15 = arith.constant 0 : i32
    %dma_start3A_16 = arith.constant 0 : i32
    %dma_start3A_17 = tpu.memref_slice %arg3[%dma_start3A_13, %dma_start3A_14, %dma_start3A_15, %dma_start3A_16] : memref<4x8x208x224xf32, #tpu.memory_space<vmem>> -> memref<1x8x208x224xf32, #tpu.memory_space<vmem>>
    %dma_start3A_18 = tpu.memref_squeeze %dma_start3A_17 : memref<1x8x208x224xf32, #tpu.memory_space<vmem>> -> memref<8x208x224xf32, #tpu.memory_space<vmem>>
    %dma_start3A_19 = arith.constant 0 : i32
    %dma_start3A_20 = arith.constant 0 : i32
    %dma_start3A_21 = arith.constant 0 : i32
    %dma_start3A_22 = tpu.memref_slice %arg1[%dma_start3A_19, %get3A_12, %dma_start3A_20, %dma_start3A_21] : memref<8x150x224x224xf32, #tpu.memory_space<any>> -> memref<8x1x208x224xf32, #tpu.memory_space<any>>
    %dma_start3A_23 = tpu.memref_squeeze %dma_start3A_22 : memref<8x1x208x224xf32, #tpu.memory_space<any>> -> memref<8x208x224xf32, #tpu.memory_space<any>>
    tpu.enqueue_dma source(%dma_start3A_23 : memref<8x208x224xf32, #tpu.memory_space<any>>) target(%dma_start3A_18 : memref<8x208x224xf32, #tpu.memory_space<vmem>>) target_semaphore(%arg5 : memref<!tpu.dma_semaphore, #tpu.memory_space<semaphore_mem>>)
    %get3A_24 = arith.constant 2 : index
    %get3A_25 = memref.load %arg0[%get3A_24] : memref<12xi32, #tpu.memory_space<smem>>
    %dma_start3A_26 = arith.constant 2 : i32
    %dma_start3A_27 = arith.constant 0 : i32
    %dma_start3A_28 = arith.constant 0 : i32
    %dma_start3A_29 = arith.constant 0 : i32
    %dma_start3A_30 = tpu.memref_slice %arg3[%dma_start3A_26, %dma_start3A_27, %dma_start3A_28, %dma_start3A_29] : memref<4x8x208x224xf32, #tpu.memory_space<vmem>> -> memref<1x8x208x224xf32, #tpu.memory_space<vmem>>
    %dma_start3A_31 = tpu.memref_squeeze %dma_start3A_30 : memref<1x8x208x224xf32, #tpu.memory_space<vmem>> -> memref<8x208x224xf32, #tpu.memory_space<vmem>>
    %dma_start3A_32 = arith.constant 0 : i32
    %dma_start3A_33 = arith.constant 0 : i32
    %dma_start3A_34 = arith.constant 0 : i32
    %dma_start3A_35 = tpu.memref_slice %arg1[%dma_start3A_32, %get3A_25, %dma_start3A_33, %dma_start3A_34] : memref<8x150x224x224xf32, #tpu.memory_space<any>> -> memref<8x1x208x224xf32, #tpu.memory_space<any>>
    %dma_start3A_36 = tpu.memref_squeeze %dma_start3A_35 : memref<8x1x208x224xf32, #tpu.memory_space<any>> -> memref<8x208x224xf32, #tpu.memory_space<any>>
    tpu.enqueue_dma source(%dma_start3A_36 : memref<8x208x224xf32, #tpu.memory_space<any>>) target(%dma_start3A_31 : memref<8x208x224xf32, #tpu.memory_space<vmem>>) target_semaphore(%arg5 : memref<!tpu.dma_semaphore, #tpu.memory_space<semaphore_mem>>)
    %get3A_37 = arith.constant 3 : index
    %get3A_38 = memref.load %arg0[%get3A_37] : memref<12xi32, #tpu.memory_space<smem>>
    %dma_start3A_39 = arith.constant 3 : i32
    %dma_start3A_40 = arith.constant 0 : i32
    %dma_start3A_41 = arith.constant 0 : i32
    %dma_start3A_42 = arith.constant 0 : i32
    %dma_start3A_43 = tpu.memref_slice %arg3[%dma_start3A_39, %dma_start3A_40, %dma_start3A_41, %dma_start3A_42] : memref<4x8x208x224xf32, #tpu.memory_space<vmem>> -> memref<1x8x208x224xf32, #tpu.memory_space<vmem>>
    %dma_start3A_44 = tpu.memref_squeeze %dma_start3A_43 : memref<1x8x208x224xf32, #tpu.memory_space<vmem>> -> memref<8x208x224xf32, #tpu.memory_space<vmem>>
    %dma_start3A_45 = arith.constant 0 : i32
    %dma_start3A_46 = arith.constant 0 : i32
    %dma_start3A_47 = arith.constant 0 : i32
    %dma_start3A_48 = tpu.memref_slice %arg1[%dma_start3A_45, %get3A_38, %dma_start3A_46, %dma_start3A_47] : memref<8x150x224x224xf32, #tpu.memory_space<any>> -> memref<8x1x208x224xf32, #tpu.memory_space<any>>
    %dma_start3A_49 = tpu.memref_squeeze %dma_start3A_48 : memref<8x1x208x224xf32, #tpu.memory_space<any>> -> memref<8x208x224xf32, #tpu.memory_space<any>>
    tpu.enqueue_dma source(%dma_start3A_49 : memref<8x208x224xf32, #tpu.memory_space<any>>) target(%dma_start3A_44 : memref<8x208x224xf32, #tpu.memory_space<vmem>>) target_semaphore(%arg5 : memref<!tpu.dma_semaphore, #tpu.memory_space<semaphore_mem>>)
    %get3A_50 = arith.constant 0 : index
    %get3A_51 = memref.load %arg0[%get3A_50] : memref<12xi32, #tpu.memory_space<smem>>
    %dma_wait3A = arith.constant 0 : i32
    %dma_wait3A_52 = arith.constant 0 : i32
    %dma_wait3A_53 = arith.constant 0 : i32
    %dma_wait3A_54 = arith.constant 0 : i32
    %dma_wait3A_55 = tpu.memref_slice %arg3[%dma_wait3A, %dma_wait3A_52, %dma_wait3A_53, %dma_wait3A_54] : memref<4x8x208x224xf32, #tpu.memory_space<vmem>> -> memref<1x8x208x224xf32, #tpu.memory_space<vmem>>
    %dma_wait3A_56 = tpu.memref_squeeze %dma_wait3A_55 : memref<1x8x208x224xf32, #tpu.memory_space<vmem>> -> memref<8x208x224xf32, #tpu.memory_space<vmem>>
    %dma_wait3A_57 = arith.constant 0 : i32
    %dma_wait3A_58 = arith.constant 0 : i32
    %dma_wait3A_59 = arith.constant 0 : i32
    %dma_wait3A_60 = tpu.memref_slice %arg1[%dma_wait3A_57, %get3A_51, %dma_wait3A_58, %dma_wait3A_59] : memref<8x150x224x224xf32, #tpu.memory_space<any>> -> memref<8x1x208x224xf32, #tpu.memory_space<any>>
    %dma_wait3A_61 = tpu.memref_squeeze %dma_wait3A_60 : memref<8x1x208x224xf32, #tpu.memory_space<any>> -> memref<8x208x224xf32, #tpu.memory_space<any>>
    tpu.wait_dma2 semaphore(%arg5 : memref<!tpu.dma_semaphore, #tpu.memory_space<semaphore_mem>>) src(%dma_wait3A_61 : memref<8x208x224xf32, #tpu.memory_space<any>>) dst(%dma_wait3A_56 : memref<8x208x224xf32, #tpu.memory_space<vmem>>)
    %get3A_62 = arith.constant 0 : index
    %get3A_63 = arith.constant 0 : index
    %get3A_64 = arith.constant 0 : index
    %get3A_65 = arith.constant 0 : index
    %get3A_66 = vector.load %arg3[%get3A_62, %get3A_63, %get3A_64, %get3A_65] : memref<4x8x208x224xf32, #tpu.memory_space<vmem>>, vector<1x8x208x224xf32>
    %get3A_67 = vector.shape_cast %get3A_66 : vector<1x8x208x224xf32> to vector<8x208x224xf32>
    %swap3A = arith.constant 0 : index
    %swap3A_68 = arith.constant 0 : index
    %swap3A_69 = arith.constant 0 : index
    %swap3A_70 = vector.load %arg4[%swap3A, %swap3A_68, %swap3A_69] : memref<8x208x224xf32, #tpu.memory_space<vmem>>, vector<8x208x224xf32>
    tpu.vector_store %arg4[%swap3A, %swap3A_68, %swap3A_69], %get3A_67 {strides = array<i32>} : memref<8x208x224xf32, #tpu.memory_space<vmem>>, vector<8x208x224xf32>,
    %get3A_71 = arith.constant 4 : index
    %get3A_72 = memref.load %arg0[%get3A_71] : memref<12xi32, #tpu.memory_space<smem>>
    %dma_start3A_73 = arith.constant 0 : i32
    %dma_start3A_74 = arith.constant 0 : i32
    %dma_start3A_75 = arith.constant 0 : i32
    %dma_start3A_76 = arith.constant 0 : i32
    %dma_start3A_77 = tpu.memref_slice %arg3[%dma_start3A_73, %dma_start3A_74, %dma_start3A_75, %dma_start3A_76] : memref<4x8x208x224xf32, #tpu.memory_space<vmem>> -> memref<1x8x208x224xf32, #tpu.memory_space<vmem>>
    %dma_start3A_78 = tpu.memref_squeeze %dma_start3A_77 : memref<1x8x208x224xf32, #tpu.memory_space<vmem>> -> memref<8x208x224xf32, #tpu.memory_space<vmem>>
    %dma_start3A_79 = arith.constant 0 : i32
    %dma_start3A_80 = arith.constant 0 : i32
    %dma_start3A_81 = arith.constant 0 : i32
    %dma_start3A_82 = tpu.memref_slice %arg1[%dma_start3A_79, %get3A_72, %dma_start3A_80, %dma_start3A_81] : memref<8x150x224x224xf32, #tpu.memory_space<any>> -> memref<8x1x208x224xf32, #tpu.memory_space<any>>
    %dma_start3A_83 = tpu.memref_squeeze %dma_start3A_82 : memref<8x1x208x224xf32, #tpu.memory_space<any>> -> memref<8x208x224xf32, #tpu.memory_space<any>>
    tpu.enqueue_dma source(%dma_start3A_83 : memref<8x208x224xf32, #tpu.memory_space<any>>) target(%dma_start3A_78 : memref<8x208x224xf32, #tpu.memory_space<vmem>>) target_semaphore(%arg5 : memref<!tpu.dma_semaphore, #tpu.memory_space<semaphore_mem>>)
    %get3A_84 = arith.constant 1 : index
    %get3A_85 = memref.load %arg0[%get3A_84] : memref<12xi32, #tpu.memory_space<smem>>
    %dma_wait3A_86 = arith.constant 1 : i32
    %dma_wait3A_87 = arith.constant 0 : i32
    %dma_wait3A_88 = arith.constant 0 : i32
    %dma_wait3A_89 = arith.constant 0 : i32
    %dma_wait3A_90 = tpu.memref_slice %arg3[%dma_wait3A_86, %dma_wait3A_87, %dma_wait3A_88, %dma_wait3A_89] : memref<4x8x208x224xf32, #tpu.memory_space<vmem>> -> memref<1x8x208x224xf32, #tpu.memory_space<vmem>>
    %dma_wait3A_91 = tpu.memref_squeeze %dma_wait3A_90 : memref<1x8x208x224xf32, #tpu.memory_space<vmem>> -> memref<8x208x224xf32, #tpu.memory_space<vmem>>
    %dma_wait3A_92 = arith.constant 0 : i32
    %dma_wait3A_93 = arith.constant 0 : i32
    %dma_wait3A_94 = arith.constant 0 : i32
    %dma_wait3A_95 = tpu.memref_slice %arg1[%dma_wait3A_92, %get3A_85, %dma_wait3A_93, %dma_wait3A_94] : memref<8x150x224x224xf32, #tpu.memory_space<any>> -> memref<8x1x208x224xf32, #tpu.memory_space<any>>
    %dma_wait3A_96 = tpu.memref_squeeze %dma_wait3A_95 : memref<8x1x208x224xf32, #tpu.memory_space<any>> -> memref<8x208x224xf32, #tpu.memory_space<any>>
    tpu.wait_dma2 semaphore(%arg5 : memref<!tpu.dma_semaphore, #tpu.memory_space<semaphore_mem>>) src(%dma_wait3A_96 : memref<8x208x224xf32, #tpu.memory_space<any>>) dst(%dma_wait3A_91 : memref<8x208x224xf32, #tpu.memory_space<vmem>>)
    %get3A_97 = arith.constant 0 : index
    %get3A_98 = arith.constant 0 : index
    %get3A_99 = arith.constant 0 : index
    %get3A_100 = vector.load %arg4[%get3A_97, %get3A_98, %get3A_99] : memref<8x208x224xf32, #tpu.memory_space<vmem>>, vector<8x208x224xf32>
    %get3A_101 = arith.constant 1 : index
    %get3A_102 = arith.constant 0 : index
    %get3A_103 = arith.constant 0 : index
    %get3A_104 = arith.constant 0 : index
    %get3A_105 = vector.load %arg3[%get3A_101, %get3A_102, %get3A_103, %get3A_104] : memref<4x8x208x224xf32, #tpu.memory_space<vmem>>, vector<1x8x208x224xf32>
    %get3A_106 = vector.shape_cast %get3A_105 : vector<1x8x208x224xf32> to vector<8x208x224xf32>
    %max3A = arith.maximumf %get3A_100, %get3A_106 : vector<8x208x224xf32>
    %swap3A_107 = arith.constant 0 : index
    %swap3A_108 = arith.constant 0 : index
    %swap3A_109 = arith.constant 0 : index
    %swap3A_110 = vector.load %arg4[%swap3A_107, %swap3A_108, %swap3A_109] : memref<8x208x224xf32, #tpu.memory_space<vmem>>, vector<8x208x224xf32>
    tpu.vector_store %arg4[%swap3A_107, %swap3A_108, %swap3A_109], %max3A {strides = array<i32>} : memref<8x208x224xf32, #tpu.memory_space<vmem>>, vector<8x208x224xf32>,
    %get3A_111 = arith.constant 5 : index
    %get3A_112 = memref.load %arg0[%get3A_111] : memref<12xi32, #tpu.memory_space<smem>>
    %dma_start3A_113 = arith.constant 1 : i32
    %dma_start3A_114 = arith.constant 0 : i32
    %dma_start3A_115 = arith.constant 0 : i32
    %dma_start3A_116 = arith.constant 0 : i32
    %dma_start3A_117 = tpu.memref_slice %arg3[%dma_start3A_113, %dma_start3A_114, %dma_start3A_115, %dma_start3A_116] : memref<4x8x208x224xf32, #tpu.memory_space<vmem>> -> memref<1x8x208x224xf32, #tpu.memory_space<vmem>>
    %dma_start3A_118 = tpu.memref_squeeze %dma_start3A_117 : memref<1x8x208x224xf32, #tpu.memory_space<vmem>> -> memref<8x208x224xf32, #tpu.memory_space<vmem>>
    %dma_start3A_119 = arith.constant 0 : i32
    %dma_start3A_120 = arith.constant 0 : i32
    %dma_start3A_121 = arith.constant 0 : i32
    %dma_start3A_122 = tpu.memref_slice %arg1[%dma_start3A_119, %get3A_112, %dma_start3A_120, %dma_start3A_121] : memref<8x150x224x224xf32, #tpu.memory_space<any>> -> memref<8x1x208x224xf32, #tpu.memory_space<any>>
    %dma_start3A_123 = tpu.memref_squeeze %dma_start3A_122 : memref<8x1x208x224xf32, #tpu.memory_space<any>> -> memref<8x208x224xf32, #tpu.memory_space<any>>
    tpu.enqueue_dma source(%dma_start3A_123 : memref<8x208x224xf32, #tpu.memory_space<any>>) target(%dma_start3A_118 : memref<8x208x224xf32, #tpu.memory_space<vmem>>) target_semaphore(%arg5 : memref<!tpu.dma_semaphore, #tpu.memory_space<semaphore_mem>>)
    %get3A_124 = arith.constant 2 : index
    %get3A_125 = memref.load %arg0[%get3A_124] : memref<12xi32, #tpu.memory_space<smem>>
    %dma_wait3A_126 = arith.constant 2 : i32
    %dma_wait3A_127 = arith.constant 0 : i32
    %dma_wait3A_128 = arith.constant 0 : i32
    %dma_wait3A_129 = arith.constant 0 : i32
    %dma_wait3A_130 = tpu.memref_slice %arg3[%dma_wait3A_126, %dma_wait3A_127, %dma_wait3A_128, %dma_wait3A_129] : memref<4x8x208x224xf32, #tpu.memory_space<vmem>> -> memref<1x8x208x224xf32, #tpu.memory_space<vmem>>
    %dma_wait3A_131 = tpu.memref_squeeze %dma_wait3A_130 : memref<1x8x208x224xf32, #tpu.memory_space<vmem>> -> memref<8x208x224xf32, #tpu.memory_space<vmem>>
    %dma_wait3A_132 = arith.constant 0 : i32
    %dma_wait3A_133 = arith.constant 0 : i32
    %dma_wait3A_134 = arith.constant 0 : i32
    %dma_wait3A_135 = tpu.memref_slice %arg1[%dma_wait3A_132, %get3A_125, %dma_wait3A_133, %dma_wait3A_134] : memref<8x150x224x224xf32, #tpu.memory_space<any>> -> memref<8x1x208x224xf32, #tpu.memory_space<any>>
    %dma_wait3A_136 = tpu.memref_squeeze %dma_wait3A_135 : memref<8x1x208x224xf32, #tpu.memory_space<any>> -> memref<8x208x224xf32, #tpu.memory_space<any>>
    tpu.wait_dma2 semaphore(%arg5 : memref<!tpu.dma_semaphore, #tpu.memory_space<semaphore_mem>>) src(%dma_wait3A_136 : memref<8x208x224xf32, #tpu.memory_space<any>>) dst(%dma_wait3A_131 : memref<8x208x224xf32, #tpu.memory_space<vmem>>)
    %get3A_137 = arith.constant 0 : index
    %get3A_138 = arith.constant 0 : index
    %get3A_139 = arith.constant 0 : index
    %get3A_140 = vector.load %arg4[%get3A_137, %get3A_138, %get3A_139] : memref<8x208x224xf32, #tpu.memory_space<vmem>>, vector<8x208x224xf32>
    %get3A_141 = arith.constant 2 : index
    %get3A_142 = arith.constant 0 : index
    %get3A_143 = arith.constant 0 : index
    %get3A_144 = arith.constant 0 : index
    %get3A_145 = vector.load %arg3[%get3A_141, %get3A_142, %get3A_143, %get3A_144] : memref<4x8x208x224xf32, #tpu.memory_space<vmem>>, vector<1x8x208x224xf32>
    %get3A_146 = vector.shape_cast %get3A_145 : vector<1x8x208x224xf32> to vector<8x208x224xf32>
    %max3A_147 = arith.maximumf %get3A_140, %get3A_146 : vector<8x208x224xf32>
    %swap3A_148 = arith.constant 0 : index
    %swap3A_149 = arith.constant 0 : index
    %swap3A_150 = arith.constant 0 : index
    %swap3A_151 = vector.load %arg4[%swap3A_148, %swap3A_149, %swap3A_150] : memref<8x208x224xf32, #tpu.memory_space<vmem>>, vector<8x208x224xf32>
    tpu.vector_store %arg4[%swap3A_148, %swap3A_149, %swap3A_150], %max3A_147 {strides = array<i32>} : memref<8x208x224xf32, #tpu.memory_space<vmem>>, vector<8x208x224xf32>,
    %get3A_152 = arith.constant 6 : index
    %get3A_153 = memref.load %arg0[%get3A_152] : memref<12xi32, #tpu.memory_space<smem>>
    %dma_start3A_154 = arith.constant 2 : i32
    %dma_start3A_155 = arith.constant 0 : i32
    %dma_start3A_156 = arith.constant 0 : i32
    %dma_start3A_157 = arith.constant 0 : i32
    %dma_start3A_158 = tpu.memref_slice %arg3[%dma_start3A_154, %dma_start3A_155, %dma_start3A_156, %dma_start3A_157] : memref<4x8x208x224xf32, #tpu.memory_space<vmem>> -> memref<1x8x208x224xf32, #tpu.memory_space<vmem>>
    %dma_start3A_159 = tpu.memref_squeeze %dma_start3A_158 : memref<1x8x208x224xf32, #tpu.memory_space<vmem>> -> memref<8x208x224xf32, #tpu.memory_space<vmem>>
    %dma_start3A_160 = arith.constant 0 : i32
    %dma_start3A_161 = arith.constant 0 : i32
    %dma_start3A_162 = arith.constant 0 : i32
    %dma_start3A_163 = tpu.memref_slice %arg1[%dma_start3A_160, %get3A_153, %dma_start3A_161, %dma_start3A_162] : memref<8x150x224x224xf32, #tpu.memory_space<any>> -> memref<8x1x208x224xf32, #tpu.memory_space<any>>
    %dma_start3A_164 = tpu.memref_squeeze %dma_start3A_163 : memref<8x1x208x224xf32, #tpu.memory_space<any>> -> memref<8x208x224xf32, #tpu.memory_space<any>>
    tpu.enqueue_dma source(%dma_start3A_164 : memref<8x208x224xf32, #tpu.memory_space<any>>) target(%dma_start3A_159 : memref<8x208x224xf32, #tpu.memory_space<vmem>>) target_semaphore(%arg5 : memref<!tpu.dma_semaphore, #tpu.memory_space<semaphore_mem>>)
    %get3A_165 = arith.constant 3 : index
    %get3A_166 = memref.load %arg0[%get3A_165] : memref<12xi32, #tpu.memory_space<smem>>
    %dma_wait3A_167 = arith.constant 3 : i32
    %dma_wait3A_168 = arith.constant 0 : i32
    %dma_wait3A_169 = arith.constant 0 : i32
    %dma_wait3A_170 = arith.constant 0 : i32
    %dma_wait3A_171 = tpu.memref_slice %arg3[%dma_wait3A_167, %dma_wait3A_168, %dma_wait3A_169, %dma_wait3A_170] : memref<4x8x208x224xf32, #tpu.memory_space<vmem>> -> memref<1x8x208x224xf32, #tpu.memory_space<vmem>>
    %dma_wait3A_172 = tpu.memref_squeeze %dma_wait3A_171 : memref<1x8x208x224xf32, #tpu.memory_space<vmem>> -> memref<8x208x224xf32, #tpu.memory_space<vmem>>
    %dma_wait3A_173 = arith.constant 0 : i32
    %dma_wait3A_174 = arith.constant 0 : i32
    %dma_wait3A_175 = arith.constant 0 : i32
    %dma_wait3A_176 = tpu.memref_slice %arg1[%dma_wait3A_173, %get3A_166, %dma_wait3A_174, %dma_wait3A_175] : memref<8x150x224x224xf32, #tpu.memory_space<any>> -> memref<8x1x208x224xf32, #tpu.memory_space<any>>
    %dma_wait3A_177 = tpu.memref_squeeze %dma_wait3A_176 : memref<8x1x208x224xf32, #tpu.memory_space<any>> -> memref<8x208x224xf32, #tpu.memory_space<any>>
    tpu.wait_dma2 semaphore(%arg5 : memref<!tpu.dma_semaphore, #tpu.memory_space<semaphore_mem>>) src(%dma_wait3A_177 : memref<8x208x224xf32, #tpu.memory_space<any>>) dst(%dma_wait3A_172 : memref<8x208x224xf32, #tpu.memory_space<vmem>>)
    %get3A_178 = arith.constant 0 : index
    %get3A_179 = arith.constant 0 : index
    %get3A_180 = arith.constant 0 : index
    %get3A_181 = vector.load %arg4[%get3A_178, %get3A_179, %get3A_180] : memref<8x208x224xf32, #tpu.memory_space<vmem>>, vector<8x208x224xf32>
    %get3A_182 = arith.constant 3 : index
    %get3A_183 = arith.constant 0 : index
    %get3A_184 = arith.constant 0 : index
    %get3A_185 = arith.constant 0 : index
    %get3A_186 = vector.load %arg3[%get3A_182, %get3A_183, %get3A_184, %get3A_185] : memref<4x8x208x224xf32, #tpu.memory_space<vmem>>, vector<1x8x208x224xf32>
    %get3A_187 = vector.shape_cast %get3A_186 : vector<1x8x208x224xf32> to vector<8x208x224xf32>
    %max3A_188 = arith.maximumf %get3A_181, %get3A_187 : vector<8x208x224xf32>
    %swap3A_189 = arith.constant 0 : index
    %swap3A_190 = arith.constant 0 : index
    %swap3A_191 = arith.constant 0 : index
    %swap3A_192 = vector.load %arg4[%swap3A_189, %swap3A_190, %swap3A_191] : memref<8x208x224xf32, #tpu.memory_space<vmem>>, vector<8x208x224xf32>
    tpu.vector_store %arg4[%swap3A_189, %swap3A_190, %swap3A_191], %max3A_188 {strides = array<i32>} : memref<8x208x224xf32, #tpu.memory_space<vmem>>, vector<8x208x224xf32>,
    %get3A_193 = arith.constant 7 : index
    %get3A_194 = memref.load %arg0[%get3A_193] : memref<12xi32, #tpu.memory_space<smem>>
    %dma_start3A_195 = arith.constant 3 : i32
    %dma_start3A_196 = arith.constant 0 : i32
    %dma_start3A_197 = arith.constant 0 : i32
    %dma_start3A_198 = arith.constant 0 : i32
    %dma_start3A_199 = tpu.memref_slice %arg3[%dma_start3A_195, %dma_start3A_196, %dma_start3A_197, %dma_start3A_198] : memref<4x8x208x224xf32, #tpu.memory_space<vmem>> -> memref<1x8x208x224xf32, #tpu.memory_space<vmem>>
    %dma_start3A_200 = tpu.memref_squeeze %dma_start3A_199 : memref<1x8x208x224xf32, #tpu.memory_space<vmem>> -> memref<8x208x224xf32, #tpu.memory_space<vmem>>
    %dma_start3A_201 = arith.constant 0 : i32
    %dma_start3A_202 = arith.constant 0 : i32
    %dma_start3A_203 = arith.constant 0 : i32
    %dma_start3A_204 = tpu.memref_slice %arg1[%dma_start3A_201, %get3A_194, %dma_start3A_202, %dma_start3A_203] : memref<8x150x224x224xf32, #tpu.memory_space<any>> -> memref<8x1x208x224xf32, #tpu.memory_space<any>>
    %dma_start3A_205 = tpu.memref_squeeze %dma_start3A_204 : memref<8x1x208x224xf32, #tpu.memory_space<any>> -> memref<8x208x224xf32, #tpu.memory_space<any>>
    tpu.enqueue_dma source(%dma_start3A_205 : memref<8x208x224xf32, #tpu.memory_space<any>>) target(%dma_start3A_200 : memref<8x208x224xf32, #tpu.memory_space<vmem>>) target_semaphore(%arg5 : memref<!tpu.dma_semaphore, #tpu.memory_space<semaphore_mem>>)
    %get3A_206 = arith.constant 4 : index
    %get3A_207 = memref.load %arg0[%get3A_206] : memref<12xi32, #tpu.memory_space<smem>>
    %dma_wait3A_208 = arith.constant 0 : i32
    %dma_wait3A_209 = arith.constant 0 : i32
    %dma_wait3A_210 = arith.constant 0 : i32
    %dma_wait3A_211 = arith.constant 0 : i32
    %dma_wait3A_212 = tpu.memref_slice %arg3[%dma_wait3A_208, %dma_wait3A_209, %dma_wait3A_210, %dma_wait3A_211] : memref<4x8x208x224xf32, #tpu.memory_space<vmem>> -> memref<1x8x208x224xf32, #tpu.memory_space<vmem>>
    %dma_wait3A_213 = tpu.memref_squeeze %dma_wait3A_212 : memref<1x8x208x224xf32, #tpu.memory_space<vmem>> -> memref<8x208x224xf32, #tpu.memory_space<vmem>>
    %dma_wait3A_214 = arith.constant 0 : i32
    %dma_wait3A_215 = arith.constant 0 : i32
    %dma_wait3A_216 = arith.constant 0 : i32
    %dma_wait3A_217 = tpu.memref_slice %arg1[%dma_wait3A_214, %get3A_207, %dma_wait3A_215, %dma_wait3A_216] : memref<8x150x224x224xf32, #tpu.memory_space<any>> -> memref<8x1x208x224xf32, #tpu.memory_space<any>>
    %dma_wait3A_218 = tpu.memref_squeeze %dma_wait3A_217 : memref<8x1x208x224xf32, #tpu.memory_space<any>> -> memref<8x208x224xf32, #tpu.memory_space<any>>
    tpu.wait_dma2 semaphore(%arg5 : memref<!tpu.dma_semaphore, #tpu.memory_space<semaphore_mem>>) src(%dma_wait3A_218 : memref<8x208x224xf32, #tpu.memory_space<any>>) dst(%dma_wait3A_213 : memref<8x208x224xf32, #tpu.memory_space<vmem>>)
    %get3A_219 = arith.constant 0 : index
    %get3A_220 = arith.constant 0 : index
    %get3A_221 = arith.constant 0 : index
    %get3A_222 = vector.load %arg4[%get3A_219, %get3A_220, %get3A_221] : memref<8x208x224xf32, #tpu.memory_space<vmem>>, vector<8x208x224xf32>
    %get3A_223 = arith.constant 0 : index
    %get3A_224 = arith.constant 0 : index
    %get3A_225 = arith.constant 0 : index
    %get3A_226 = arith.constant 0 : index
    %get3A_227 = vector.load %arg3[%get3A_223, %get3A_224, %get3A_225, %get3A_226] : memref<4x8x208x224xf32, #tpu.memory_space<vmem>>, vector<1x8x208x224xf32>
    %get3A_228 = vector.shape_cast %get3A_227 : vector<1x8x208x224xf32> to vector<8x208x224xf32>
    %max3A_229 = arith.maximumf %get3A_222, %get3A_228 : vector<8x208x224xf32>
    %swap3A_230 = arith.constant 0 : index
    %swap3A_231 = arith.constant 0 : index
    %swap3A_232 = arith.constant 0 : index
    %swap3A_233 = vector.load %arg4[%swap3A_230, %swap3A_231, %swap3A_232] : memref<8x208x224xf32, #tpu.memory_space<vmem>>, vector<8x208x224xf32>
    tpu.vector_store %arg4[%swap3A_230, %swap3A_231, %swap3A_232], %max3A_229 {strides = array<i32>} : memref<8x208x224xf32, #tpu.memory_space<vmem>>, vector<8x208x224xf32>,
    %get3A_234 = arith.constant 8 : index
    %get3A_235 = memref.load %arg0[%get3A_234] : memref<12xi32, #tpu.memory_space<smem>>
    %dma_start3A_236 = arith.constant 0 : i32
    %dma_start3A_237 = arith.constant 0 : i32
    %dma_start3A_238 = arith.constant 0 : i32
    %dma_start3A_239 = arith.constant 0 : i32
    %dma_start3A_240 = tpu.memref_slice %arg3[%dma_start3A_236, %dma_start3A_237, %dma_start3A_238, %dma_start3A_239] : memref<4x8x208x224xf32, #tpu.memory_space<vmem>> -> memref<1x8x208x224xf32, #tpu.memory_space<vmem>>
    %dma_start3A_241 = tpu.memref_squeeze %dma_start3A_240 : memref<1x8x208x224xf32, #tpu.memory_space<vmem>> -> memref<8x208x224xf32, #tpu.memory_space<vmem>>
    %dma_start3A_242 = arith.constant 0 : i32
    %dma_start3A_243 = arith.constant 0 : i32
    %dma_start3A_244 = arith.constant 0 : i32
    %dma_start3A_245 = tpu.memref_slice %arg1[%dma_start3A_242, %get3A_235, %dma_start3A_243, %dma_start3A_244] : memref<8x150x224x224xf32, #tpu.memory_space<any>> -> memref<8x1x208x224xf32, #tpu.memory_space<any>>
    %dma_start3A_246 = tpu.memref_squeeze %dma_start3A_245 : memref<8x1x208x224xf32, #tpu.memory_space<any>> -> memref<8x208x224xf32, #tpu.memory_space<any>>
    tpu.enqueue_dma source(%dma_start3A_246 : memref<8x208x224xf32, #tpu.memory_space<any>>) target(%dma_start3A_241 : memref<8x208x224xf32, #tpu.memory_space<vmem>>) target_semaphore(%arg5 : memref<!tpu.dma_semaphore, #tpu.memory_space<semaphore_mem>>)
    %get3A_247 = arith.constant 5 : index
    %get3A_248 = memref.load %arg0[%get3A_247] : memref<12xi32, #tpu.memory_space<smem>>
    %dma_wait3A_249 = arith.constant 1 : i32
    %dma_wait3A_250 = arith.constant 0 : i32
    %dma_wait3A_251 = arith.constant 0 : i32
    %dma_wait3A_252 = arith.constant 0 : i32
    %dma_wait3A_253 = tpu.memref_slice %arg3[%dma_wait3A_249, %dma_wait3A_250, %dma_wait3A_251, %dma_wait3A_252] : memref<4x8x208x224xf32, #tpu.memory_space<vmem>> -> memref<1x8x208x224xf32, #tpu.memory_space<vmem>>
    %dma_wait3A_254 = tpu.memref_squeeze %dma_wait3A_253 : memref<1x8x208x224xf32, #tpu.memory_space<vmem>> -> memref<8x208x224xf32, #tpu.memory_space<vmem>>
    %dma_wait3A_255 = arith.constant 0 : i32
    %dma_wait3A_256 = arith.constant 0 : i32
    %dma_wait3A_257 = arith.constant 0 : i32
    %dma_wait3A_258 = tpu.memref_slice %arg1[%dma_wait3A_255, %get3A_248, %dma_wait3A_256, %dma_wait3A_257] : memref<8x150x224x224xf32, #tpu.memory_space<any>> -> memref<8x1x208x224xf32, #tpu.memory_space<any>>
    %dma_wait3A_259 = tpu.memref_squeeze %dma_wait3A_258 : memref<8x1x208x224xf32, #tpu.memory_space<any>> -> memref<8x208x224xf32, #tpu.memory_space<any>>
    tpu.wait_dma2 semaphore(%arg5 : memref<!tpu.dma_semaphore, #tpu.memory_space<semaphore_mem>>) src(%dma_wait3A_259 : memref<8x208x224xf32, #tpu.memory_space<any>>) dst(%dma_wait3A_254 : memref<8x208x224xf32, #tpu.memory_space<vmem>>)
    %get3A_260 = arith.constant 0 : index
    %get3A_261 = arith.constant 0 : index
    %get3A_262 = arith.constant 0 : index
    %get3A_263 = vector.load %arg4[%get3A_260, %get3A_261, %get3A_262] : memref<8x208x224xf32, #tpu.memory_space<vmem>>, vector<8x208x224xf32>
    %get3A_264 = arith.constant 1 : index
    %get3A_265 = arith.constant 0 : index
    %get3A_266 = arith.constant 0 : index
    %get3A_267 = arith.constant 0 : index
    %get3A_268 = vector.load %arg3[%get3A_264, %get3A_265, %get3A_266, %get3A_267] : memref<4x8x208x224xf32, #tpu.memory_space<vmem>>, vector<1x8x208x224xf32>
    %get3A_269 = vector.shape_cast %get3A_268 : vector<1x8x208x224xf32> to vector<8x208x224xf32>
    %max3A_270 = arith.maximumf %get3A_263, %get3A_269 : vector<8x208x224xf32>
    %swap3A_271 = arith.constant 0 : index
    %swap3A_272 = arith.constant 0 : index
    %swap3A_273 = arith.constant 0 : index
    %swap3A_274 = vector.load %arg4[%swap3A_271, %swap3A_272, %swap3A_273] : memref<8x208x224xf32, #tpu.memory_space<vmem>>, vector<8x208x224xf32>
    tpu.vector_store %arg4[%swap3A_271, %swap3A_272, %swap3A_273], %max3A_270 {strides = array<i32>} : memref<8x208x224xf32, #tpu.memory_space<vmem>>, vector<8x208x224xf32>,
    %get3A_275 = arith.constant 9 : index
    %get3A_276 = memref.load %arg0[%get3A_275] : memref<12xi32, #tpu.memory_space<smem>>
    %dma_start3A_277 = arith.constant 1 : i32
    %dma_start3A_278 = arith.constant 0 : i32
    %dma_start3A_279 = arith.constant 0 : i32
    %dma_start3A_280 = arith.constant 0 : i32
    %dma_start3A_281 = tpu.memref_slice %arg3[%dma_start3A_277, %dma_start3A_278, %dma_start3A_279, %dma_start3A_280] : memref<4x8x208x224xf32, #tpu.memory_space<vmem>> -> memref<1x8x208x224xf32, #tpu.memory_space<vmem>>
    %dma_start3A_282 = tpu.memref_squeeze %dma_start3A_281 : memref<1x8x208x224xf32, #tpu.memory_space<vmem>> -> memref<8x208x224xf32, #tpu.memory_space<vmem>>
    %dma_start3A_283 = arith.constant 0 : i32
    %dma_start3A_284 = arith.constant 0 : i32
    %dma_start3A_285 = arith.constant 0 : i32
    %dma_start3A_286 = tpu.memref_slice %arg1[%dma_start3A_283, %get3A_276, %dma_start3A_284, %dma_start3A_285] : memref<8x150x224x224xf32, #tpu.memory_space<any>> -> memref<8x1x208x224xf32, #tpu.memory_space<any>>
    %dma_start3A_287 = tpu.memref_squeeze %dma_start3A_286 : memref<8x1x208x224xf32, #tpu.memory_space<any>> -> memref<8x208x224xf32, #tpu.memory_space<any>>
    tpu.enqueue_dma source(%dma_start3A_287 : memref<8x208x224xf32, #tpu.memory_space<any>>) target(%dma_start3A_282 : memref<8x208x224xf32, #tpu.memory_space<vmem>>) target_semaphore(%arg5 : memref<!tpu.dma_semaphore, #tpu.memory_space<semaphore_mem>>)
    %get3A_288 = arith.constant 6 : index
    %get3A_289 = memref.load %arg0[%get3A_288] : memref<12xi32, #tpu.memory_space<smem>>
    %dma_wait3A_290 = arith.constant 2 : i32
    %dma_wait3A_291 = arith.constant 0 : i32
    %dma_wait3A_292 = arith.constant 0 : i32
    %dma_wait3A_293 = arith.constant 0 : i32
    %dma_wait3A_294 = tpu.memref_slice %arg3[%dma_wait3A_290, %dma_wait3A_291, %dma_wait3A_292, %dma_wait3A_293] : memref<4x8x208x224xf32, #tpu.memory_space<vmem>> -> memref<1x8x208x224xf32, #tpu.memory_space<vmem>>
    %dma_wait3A_295 = tpu.memref_squeeze %dma_wait3A_294 : memref<1x8x208x224xf32, #tpu.memory_space<vmem>> -> memref<8x208x224xf32, #tpu.memory_space<vmem>>
    %dma_wait3A_296 = arith.constant 0 : i32
    %dma_wait3A_297 = arith.constant 0 : i32
    %dma_wait3A_298 = arith.constant 0 : i32
    %dma_wait3A_299 = tpu.memref_slice %arg1[%dma_wait3A_296, %get3A_289, %dma_wait3A_297, %dma_wait3A_298] : memref<8x150x224x224xf32, #tpu.memory_space<any>> -> memref<8x1x208x224xf32, #tpu.memory_space<any>>
    %dma_wait3A_300 = tpu.memref_squeeze %dma_wait3A_299 : memref<8x1x208x224xf32, #tpu.memory_space<any>> -> memref<8x208x224xf32, #tpu.memory_space<any>>
    tpu.wait_dma2 semaphore(%arg5 : memref<!tpu.dma_semaphore, #tpu.memory_space<semaphore_mem>>) src(%dma_wait3A_300 : memref<8x208x224xf32, #tpu.memory_space<any>>) dst(%dma_wait3A_295 : memref<8x208x224xf32, #tpu.memory_space<vmem>>)
    %get3A_301 = arith.constant 0 : index
    %get3A_302 = arith.constant 0 : index
    %get3A_303 = arith.constant 0 : index
    %get3A_304 = vector.load %arg4[%get3A_301, %get3A_302, %get3A_303] : memref<8x208x224xf32, #tpu.memory_space<vmem>>, vector<8x208x224xf32>
    %get3A_305 = arith.constant 2 : index
    %get3A_306 = arith.constant 0 : index
    %get3A_307 = arith.constant 0 : index
    %get3A_308 = arith.constant 0 : index
    %get3A_309 = vector.load %arg3[%get3A_305, %get3A_306, %get3A_307, %get3A_308] : memref<4x8x208x224xf32, #tpu.memory_space<vmem>>, vector<1x8x208x224xf32>
    %get3A_310 = vector.shape_cast %get3A_309 : vector<1x8x208x224xf32> to vector<8x208x224xf32>
    %max3A_311 = arith.maximumf %get3A_304, %get3A_310 : vector<8x208x224xf32>
    %swap3A_312 = arith.constant 0 : index
    %swap3A_313 = arith.constant 0 : index
    %swap3A_314 = arith.constant 0 : index
    %swap3A_315 = vector.load %arg4[%swap3A_312, %swap3A_313, %swap3A_314] : memref<8x208x224xf32, #tpu.memory_space<vmem>>, vector<8x208x224xf32>
    tpu.vector_store %arg4[%swap3A_312, %swap3A_313, %swap3A_314], %max3A_311 {strides = array<i32>} : memref<8x208x224xf32, #tpu.memory_space<vmem>>, vector<8x208x224xf32>,
    %get3A_316 = arith.constant 10 : index
    %get3A_317 = memref.load %arg0[%get3A_316] : memref<12xi32, #tpu.memory_space<smem>>
    %dma_start3A_318 = arith.constant 2 : i32
    %dma_start3A_319 = arith.constant 0 : i32
    %dma_start3A_320 = arith.constant 0 : i32
    %dma_start3A_321 = arith.constant 0 : i32
    %dma_start3A_322 = tpu.memref_slice %arg3[%dma_start3A_318, %dma_start3A_319, %dma_start3A_320, %dma_start3A_321] : memref<4x8x208x224xf32, #tpu.memory_space<vmem>> -> memref<1x8x208x224xf32, #tpu.memory_space<vmem>>
    %dma_start3A_323 = tpu.memref_squeeze %dma_start3A_322 : memref<1x8x208x224xf32, #tpu.memory_space<vmem>> -> memref<8x208x224xf32, #tpu.memory_space<vmem>>
    %dma_start3A_324 = arith.constant 0 : i32
    %dma_start3A_325 = arith.constant 0 : i32
    %dma_start3A_326 = arith.constant 0 : i32
    %dma_start3A_327 = tpu.memref_slice %arg1[%dma_start3A_324, %get3A_317, %dma_start3A_325, %dma_start3A_326] : memref<8x150x224x224xf32, #tpu.memory_space<any>> -> memref<8x1x208x224xf32, #tpu.memory_space<any>>
    %dma_start3A_328 = tpu.memref_squeeze %dma_start3A_327 : memref<8x1x208x224xf32, #tpu.memory_space<any>> -> memref<8x208x224xf32, #tpu.memory_space<any>>
    tpu.enqueue_dma source(%dma_start3A_328 : memref<8x208x224xf32, #tpu.memory_space<any>>) target(%dma_start3A_323 : memref<8x208x224xf32, #tpu.memory_space<vmem>>) target_semaphore(%arg5 : memref<!tpu.dma_semaphore, #tpu.memory_space<semaphore_mem>>)
    %get3A_329 = arith.constant 7 : index
    %get3A_330 = memref.load %arg0[%get3A_329] : memref<12xi32, #tpu.memory_space<smem>>
    %dma_wait3A_331 = arith.constant 3 : i32
    %dma_wait3A_332 = arith.constant 0 : i32
    %dma_wait3A_333 = arith.constant 0 : i32
    %dma_wait3A_334 = arith.constant 0 : i32
    %dma_wait3A_335 = tpu.memref_slice %arg3[%dma_wait3A_331, %dma_wait3A_332, %dma_wait3A_333, %dma_wait3A_334] : memref<4x8x208x224xf32, #tpu.memory_space<vmem>> -> memref<1x8x208x224xf32, #tpu.memory_space<vmem>>
    %dma_wait3A_336 = tpu.memref_squeeze %dma_wait3A_335 : memref<1x8x208x224xf32, #tpu.memory_space<vmem>> -> memref<8x208x224xf32, #tpu.memory_space<vmem>>
    %dma_wait3A_337 = arith.constant 0 : i32
    %dma_wait3A_338 = arith.constant 0 : i32
    %dma_wait3A_339 = arith.constant 0 : i32
    %dma_wait3A_340 = tpu.memref_slice %arg1[%dma_wait3A_337, %get3A_330, %dma_wait3A_338, %dma_wait3A_339] : memref<8x150x224x224xf32, #tpu.memory_space<any>> -> memref<8x1x208x224xf32, #tpu.memory_space<any>>
    %dma_wait3A_341 = tpu.memref_squeeze %dma_wait3A_340 : memref<8x1x208x224xf32, #tpu.memory_space<any>> -> memref<8x208x224xf32, #tpu.memory_space<any>>
    tpu.wait_dma2 semaphore(%arg5 : memref<!tpu.dma_semaphore, #tpu.memory_space<semaphore_mem>>) src(%dma_wait3A_341 : memref<8x208x224xf32, #tpu.memory_space<any>>) dst(%dma_wait3A_336 : memref<8x208x224xf32, #tpu.memory_space<vmem>>)
    %get3A_342 = arith.constant 0 : index
    %get3A_343 = arith.constant 0 : index
    %get3A_344 = arith.constant 0 : index
    %get3A_345 = vector.load %arg4[%get3A_342, %get3A_343, %get3A_344] : memref<8x208x224xf32, #tpu.memory_space<vmem>>, vector<8x208x224xf32>
    %get3A_346 = arith.constant 3 : index
    %get3A_347 = arith.constant 0 : index
    %get3A_348 = arith.constant 0 : index
    %get3A_349 = arith.constant 0 : index
    %get3A_350 = vector.load %arg3[%get3A_346, %get3A_347, %get3A_348, %get3A_349] : memref<4x8x208x224xf32, #tpu.memory_space<vmem>>, vector<1x8x208x224xf32>
    %get3A_351 = vector.shape_cast %get3A_350 : vector<1x8x208x224xf32> to vector<8x208x224xf32>
    %max3A_352 = arith.maximumf %get3A_345, %get3A_351 : vector<8x208x224xf32>
    %swap3A_353 = arith.constant 0 : index
    %swap3A_354 = arith.constant 0 : index
    %swap3A_355 = arith.constant 0 : index
    %swap3A_356 = vector.load %arg4[%swap3A_353, %swap3A_354, %swap3A_355] : memref<8x208x224xf32, #tpu.memory_space<vmem>>, vector<8x208x224xf32>
    tpu.vector_store %arg4[%swap3A_353, %swap3A_354, %swap3A_355], %max3A_352 {strides = array<i32>} : memref<8x208x224xf32, #tpu.memory_space<vmem>>, vector<8x208x224xf32>,
    %get3A_357 = arith.constant 11 : index
    %get3A_358 = memref.load %arg0[%get3A_357] : memref<12xi32, #tpu.memory_space<smem>>
    %dma_start3A_359 = arith.constant 3 : i32
    %dma_start3A_360 = arith.constant 0 : i32
    %dma_start3A_361 = arith.constant 0 : i32
    %dma_start3A_362 = arith.constant 0 : i32
    %dma_start3A_363 = tpu.memref_slice %arg3[%dma_start3A_359, %dma_start3A_360, %dma_start3A_361, %dma_start3A_362] : memref<4x8x208x224xf32, #tpu.memory_space<vmem>> -> memref<1x8x208x224xf32, #tpu.memory_space<vmem>>
    %dma_start3A_364 = tpu.memref_squeeze %dma_start3A_363 : memref<1x8x208x224xf32, #tpu.memory_space<vmem>> -> memref<8x208x224xf32, #tpu.memory_space<vmem>>
    %dma_start3A_365 = arith.constant 0 : i32
    %dma_start3A_366 = arith.constant 0 : i32
    %dma_start3A_367 = arith.constant 0 : i32
    %dma_start3A_368 = tpu.memref_slice %arg1[%dma_start3A_365, %get3A_358, %dma_start3A_366, %dma_start3A_367] : memref<8x150x224x224xf32, #tpu.memory_space<any>> -> memref<8x1x208x224xf32, #tpu.memory_space<any>>
    %dma_start3A_369 = tpu.memref_squeeze %dma_start3A_368 : memref<8x1x208x224xf32, #tpu.memory_space<any>> -> memref<8x208x224xf32, #tpu.memory_space<any>>
    tpu.enqueue_dma source(%dma_start3A_369 : memref<8x208x224xf32, #tpu.memory_space<any>>) target(%dma_start3A_364 : memref<8x208x224xf32, #tpu.memory_space<vmem>>) target_semaphore(%arg5 : memref<!tpu.dma_semaphore, #tpu.memory_space<semaphore_mem>>)
    %get3A_370 = arith.constant 8 : index
    %get3A_371 = memref.load %arg0[%get3A_370] : memref<12xi32, #tpu.memory_space<smem>>
    %dma_wait3A_372 = arith.constant 0 : i32
    %dma_wait3A_373 = arith.constant 0 : i32
    %dma_wait3A_374 = arith.constant 0 : i32
    %dma_wait3A_375 = arith.constant 0 : i32
    %dma_wait3A_376 = tpu.memref_slice %arg3[%dma_wait3A_372, %dma_wait3A_373, %dma_wait3A_374, %dma_wait3A_375] : memref<4x8x208x224xf32, #tpu.memory_space<vmem>> -> memref<1x8x208x224xf32, #tpu.memory_space<vmem>>
    %dma_wait3A_377 = tpu.memref_squeeze %dma_wait3A_376 : memref<1x8x208x224xf32, #tpu.memory_space<vmem>> -> memref<8x208x224xf32, #tpu.memory_space<vmem>>
    %dma_wait3A_378 = arith.constant 0 : i32
    %dma_wait3A_379 = arith.constant 0 : i32
    %dma_wait3A_380 = arith.constant 0 : i32
    %dma_wait3A_381 = tpu.memref_slice %arg1[%dma_wait3A_378, %get3A_371, %dma_wait3A_379, %dma_wait3A_380] : memref<8x150x224x224xf32, #tpu.memory_space<any>> -> memref<8x1x208x224xf32, #tpu.memory_space<any>>
    %dma_wait3A_382 = tpu.memref_squeeze %dma_wait3A_381 : memref<8x1x208x224xf32, #tpu.memory_space<any>> -> memref<8x208x224xf32, #tpu.memory_space<any>>
    tpu.wait_dma2 semaphore(%arg5 : memref<!tpu.dma_semaphore, #tpu.memory_space<semaphore_mem>>) src(%dma_wait3A_382 : memref<8x208x224xf32, #tpu.memory_space<any>>) dst(%dma_wait3A_377 : memref<8x208x224xf32, #tpu.memory_space<vmem>>)
    %get3A_383 = arith.constant 0 : index
    %get3A_384 = arith.constant 0 : index
    %get3A_385 = arith.constant 0 : index
    %get3A_386 = vector.load %arg4[%get3A_383, %get3A_384, %get3A_385] : memref<8x208x224xf32, #tpu.memory_space<vmem>>, vector<8x208x224xf32>
    %get3A_387 = arith.constant 0 : index
    %get3A_388 = arith.constant 0 : index
    %get3A_389 = arith.constant 0 : index
    %get3A_390 = arith.constant 0 : index
    %get3A_391 = vector.load %arg3[%get3A_387, %get3A_388, %get3A_389, %get3A_390] : memref<4x8x208x224xf32, #tpu.memory_space<vmem>>, vector<1x8x208x224xf32>
    %get3A_392 = vector.shape_cast %get3A_391 : vector<1x8x208x224xf32> to vector<8x208x224xf32>
    %max3A_393 = arith.maximumf %get3A_386, %get3A_392 : vector<8x208x224xf32>
    %swap3A_394 = arith.constant 0 : index
    %swap3A_395 = arith.constant 0 : index
    %swap3A_396 = arith.constant 0 : index
    %swap3A_397 = vector.load %arg4[%swap3A_394, %swap3A_395, %swap3A_396] : memref<8x208x224xf32, #tpu.memory_space<vmem>>, vector<8x208x224xf32>
    tpu.vector_store %arg4[%swap3A_394, %swap3A_395, %swap3A_396], %max3A_393 {strides = array<i32>} : memref<8x208x224xf32, #tpu.memory_space<vmem>>, vector<8x208x224xf32>,
    %get3A_398 = arith.constant 9 : index
    %get3A_399 = memref.load %arg0[%get3A_398] : memref<12xi32, #tpu.memory_space<smem>>
    %dma_wait3A_400 = arith.constant 1 : i32
    %dma_wait3A_401 = arith.constant 0 : i32
    %dma_wait3A_402 = arith.constant 0 : i32
    %dma_wait3A_403 = arith.constant 0 : i32
    %dma_wait3A_404 = tpu.memref_slice %arg3[%dma_wait3A_400, %dma_wait3A_401, %dma_wait3A_402, %dma_wait3A_403] : memref<4x8x208x224xf32, #tpu.memory_space<vmem>> -> memref<1x8x208x224xf32, #tpu.memory_space<vmem>>
    %dma_wait3A_405 = tpu.memref_squeeze %dma_wait3A_404 : memref<1x8x208x224xf32, #tpu.memory_space<vmem>> -> memref<8x208x224xf32, #tpu.memory_space<vmem>>
    %dma_wait3A_406 = arith.constant 0 : i32
    %dma_wait3A_407 = arith.constant 0 : i32
    %dma_wait3A_408 = arith.constant 0 : i32
    %dma_wait3A_409 = tpu.memref_slice %arg1[%dma_wait3A_406, %get3A_399, %dma_wait3A_407, %dma_wait3A_408] : memref<8x150x224x224xf32, #tpu.memory_space<any>> -> memref<8x1x208x224xf32, #tpu.memory_space<any>>
    %dma_wait3A_410 = tpu.memref_squeeze %dma_wait3A_409 : memref<8x1x208x224xf32, #tpu.memory_space<any>> -> memref<8x208x224xf32, #tpu.memory_space<any>>
    tpu.wait_dma2 semaphore(%arg5 : memref<!tpu.dma_semaphore, #tpu.memory_space<semaphore_mem>>) src(%dma_wait3A_410 : memref<8x208x224xf32, #tpu.memory_space<any>>) dst(%dma_wait3A_405 : memref<8x208x224xf32, #tpu.memory_space<vmem>>)
    %get3A_411 = arith.constant 0 : index
    %get3A_412 = arith.constant 0 : index
    %get3A_413 = arith.constant 0 : index
    %get3A_414 = vector.load %arg4[%get3A_411, %get3A_412, %get3A_413] : memref<8x208x224xf32, #tpu.memory_space<vmem>>, vector<8x208x224xf32>
    %get3A_415 = arith.constant 1 : index
    %get3A_416 = arith.constant 0 : index
    %get3A_417 = arith.constant 0 : index
    %get3A_418 = arith.constant 0 : index
    %get3A_419 = vector.load %arg3[%get3A_415, %get3A_416, %get3A_417, %get3A_418] : memref<4x8x208x224xf32, #tpu.memory_space<vmem>>, vector<1x8x208x224xf32>
    %get3A_420 = vector.shape_cast %get3A_419 : vector<1x8x208x224xf32> to vector<8x208x224xf32>
    %max3A_421 = arith.maximumf %get3A_414, %get3A_420 : vector<8x208x224xf32>
    %swap3A_422 = arith.constant 0 : index
    %swap3A_423 = arith.constant 0 : index
    %swap3A_424 = arith.constant 0 : index
    %swap3A_425 = vector.load %arg4[%swap3A_422, %swap3A_423, %swap3A_424] : memref<8x208x224xf32, #tpu.memory_space<vmem>>, vector<8x208x224xf32>
    tpu.vector_store %arg4[%swap3A_422, %swap3A_423, %swap3A_424], %max3A_421 {strides = array<i32>} : memref<8x208x224xf32, #tpu.memory_space<vmem>>, vector<8x208x224xf32>,
    %get3A_426 = arith.constant 10 : index
    %get3A_427 = memref.load %arg0[%get3A_426] : memref<12xi32, #tpu.memory_space<smem>>
    %dma_wait3A_428 = arith.constant 2 : i32
    %dma_wait3A_429 = arith.constant 0 : i32
    %dma_wait3A_430 = arith.constant 0 : i32
    %dma_wait3A_431 = arith.constant 0 : i32
    %dma_wait3A_432 = tpu.memref_slice %arg3[%dma_wait3A_428, %dma_wait3A_429, %dma_wait3A_430, %dma_wait3A_431] : memref<4x8x208x224xf32, #tpu.memory_space<vmem>> -> memref<1x8x208x224xf32, #tpu.memory_space<vmem>>
    %dma_wait3A_433 = tpu.memref_squeeze %dma_wait3A_432 : memref<1x8x208x224xf32, #tpu.memory_space<vmem>> -> memref<8x208x224xf32, #tpu.memory_space<vmem>>
    %dma_wait3A_434 = arith.constant 0 : i32
    %dma_wait3A_435 = arith.constant 0 : i32
    %dma_wait3A_436 = arith.constant 0 : i32
    %dma_wait3A_437 = tpu.memref_slice %arg1[%dma_wait3A_434, %get3A_427, %dma_wait3A_435, %dma_wait3A_436] : memref<8x150x224x224xf32, #tpu.memory_space<any>> -> memref<8x1x208x224xf32, #tpu.memory_space<any>>
    %dma_wait3A_438 = tpu.memref_squeeze %dma_wait3A_437 : memref<8x1x208x224xf32, #tpu.memory_space<any>> -> memref<8x208x224xf32, #tpu.memory_space<any>>
    tpu.wait_dma2 semaphore(%arg5 : memref<!tpu.dma_semaphore, #tpu.memory_space<semaphore_mem>>) src(%dma_wait3A_438 : memref<8x208x224xf32, #tpu.memory_space<any>>) dst(%dma_wait3A_433 : memref<8x208x224xf32, #tpu.memory_space<vmem>>)
    %get3A_439 = arith.constant 0 : index
    %get3A_440 = arith.constant 0 : index
    %get3A_441 = arith.constant 0 : index
    %get3A_442 = vector.load %arg4[%get3A_439, %get3A_440, %get3A_441] : memref<8x208x224xf32, #tpu.memory_space<vmem>>, vector<8x208x224xf32>
    %get3A_443 = arith.constant 2 : index
    %get3A_444 = arith.constant 0 : index
    %get3A_445 = arith.constant 0 : index
    %get3A_446 = arith.constant 0 : index
    %get3A_447 = vector.load %arg3[%get3A_443, %get3A_444, %get3A_445, %get3A_446] : memref<4x8x208x224xf32, #tpu.memory_space<vmem>>, vector<1x8x208x224xf32>
    %get3A_448 = vector.shape_cast %get3A_447 : vector<1x8x208x224xf32> to vector<8x208x224xf32>
    %max3A_449 = arith.maximumf %get3A_442, %get3A_448 : vector<8x208x224xf32>
    %swap3A_450 = arith.constant 0 : index
    %swap3A_451 = arith.constant 0 : index
    %swap3A_452 = arith.constant 0 : index
    %swap3A_453 = vector.load %arg4[%swap3A_450, %swap3A_451, %swap3A_452] : memref<8x208x224xf32, #tpu.memory_space<vmem>>, vector<8x208x224xf32>
    tpu.vector_store %arg4[%swap3A_450, %swap3A_451, %swap3A_452], %max3A_449 {strides = array<i32>} : memref<8x208x224xf32, #tpu.memory_space<vmem>>, vector<8x208x224xf32>,
    %get3A_454 = arith.constant 11 : index
    %get3A_455 = memref.load %arg0[%get3A_454] : memref<12xi32, #tpu.memory_space<smem>>
    %dma_wait3A_456 = arith.constant 3 : i32
    %dma_wait3A_457 = arith.constant 0 : i32
    %dma_wait3A_458 = arith.constant 0 : i32
    %dma_wait3A_459 = arith.constant 0 : i32
    %dma_wait3A_460 = tpu.memref_slice %arg3[%dma_wait3A_456, %dma_wait3A_457, %dma_wait3A_458, %dma_wait3A_459] : memref<4x8x208x224xf32, #tpu.memory_space<vmem>> -> memref<1x8x208x224xf32, #tpu.memory_space<vmem>>
    %dma_wait3A_461 = tpu.memref_squeeze %dma_wait3A_460 : memref<1x8x208x224xf32, #tpu.memory_space<vmem>> -> memref<8x208x224xf32, #tpu.memory_space<vmem>>
    %dma_wait3A_462 = arith.constant 0 : i32
    %dma_wait3A_463 = arith.constant 0 : i32
    %dma_wait3A_464 = arith.constant 0 : i32
    %dma_wait3A_465 = tpu.memref_slice %arg1[%dma_wait3A_462, %get3A_455, %dma_wait3A_463, %dma_wait3A_464] : memref<8x150x224x224xf32, #tpu.memory_space<any>> -> memref<8x1x208x224xf32, #tpu.memory_space<any>>
    %dma_wait3A_466 = tpu.memref_squeeze %dma_wait3A_465 : memref<8x1x208x224xf32, #tpu.memory_space<any>> -> memref<8x208x224xf32, #tpu.memory_space<any>>
    tpu.wait_dma2 semaphore(%arg5 : memref<!tpu.dma_semaphore, #tpu.memory_space<semaphore_mem>>) src(%dma_wait3A_466 : memref<8x208x224xf32, #tpu.memory_space<any>>) dst(%dma_wait3A_461 : memref<8x208x224xf32, #tpu.memory_space<vmem>>)
    %get3A_467 = arith.constant 0 : index
    %get3A_468 = arith.constant 0 : index
    %get3A_469 = arith.constant 0 : index
    %get3A_470 = vector.load %arg4[%get3A_467, %get3A_468, %get3A_469] : memref<8x208x224xf32, #tpu.memory_space<vmem>>, vector<8x208x224xf32>
    %get3A_471 = arith.constant 3 : index
    %get3A_472 = arith.constant 0 : index
    %get3A_473 = arith.constant 0 : index
    %get3A_474 = arith.constant 0 : index
    %get3A_475 = vector.load %arg3[%get3A_471, %get3A_472, %get3A_473, %get3A_474] : memref<4x8x208x224xf32, #tpu.memory_space<vmem>>, vector<1x8x208x224xf32>
    %get3A_476 = vector.shape_cast %get3A_475 : vector<1x8x208x224xf32> to vector<8x208x224xf32>
    %max3A_477 = arith.maximumf %get3A_470, %get3A_476 : vector<8x208x224xf32>
    %mul3A = arith.constant 5.000000e+00 : f32
    %mul3A_478 = vector.broadcast %mul3A : f32 to vector<8x208x224xf32>
    %mul3A_479 = arith.mulf %max3A_477, %mul3A_478 : vector<8x208x224xf32>
    %swap3A_480 = arith.constant 0 : index
    %swap3A_481 = arith.constant 0 : index
    %swap3A_482 = arith.constant 0 : index
    %swap3A_483 = vector.load %arg4[%swap3A_480, %swap3A_481, %swap3A_482] : memref<8x208x224xf32, #tpu.memory_space<vmem>>, vector<8x208x224xf32>
    tpu.vector_store %arg4[%swap3A_480, %swap3A_481, %swap3A_482], %mul3A_479 {strides = array<i32>} : memref<8x208x224xf32, #tpu.memory_space<vmem>>, vector<8x208x224xf32>,
    %dma_start3A_484 = arith.constant 0 : i32
    %dma_start3A_485 = arith.constant 0 : i32
    %dma_start3A_486 = arith.constant 0 : i32
    %dma_start3A_487 = tpu.memref_slice %arg2[%dma_start3A_484, %dma_start3A_485, %dma_start3A_486] : memref<8x224x224xf32, #tpu.memory_space<any>> -> memref<8x208x224xf32, #tpu.memory_space<any>>
    tpu.enqueue_dma source(%arg4 : memref<8x208x224xf32, #tpu.memory_space<vmem>>) target(%dma_start3A_487 : memref<8x208x224xf32, #tpu.memory_space<any>>) target_semaphore(%arg6 : memref<!tpu.dma_semaphore, #tpu.memory_space<semaphore_mem>>)
    %dma_wait3A_488 = arith.constant 0 : i32
    %dma_wait3A_489 = arith.constant 0 : i32
    %dma_wait3A_490 = arith.constant 0 : i32
    %dma_wait3A_491 = tpu.memref_slice %arg2[%dma_wait3A_488, %dma_wait3A_489, %dma_wait3A_490] : memref<8x224x224xf32, #tpu.memory_space<any>> -> memref<8x208x224xf32, #tpu.memory_space<any>>
    tpu.wait_dma2 semaphore(%arg6 : memref<!tpu.dma_semaphore, #tpu.memory_space<semaphore_mem>>) src(%arg4 : memref<8x208x224xf32, #tpu.memory_space<vmem>>) dst(%dma_wait3A_491 : memref<8x208x224xf32, #tpu.memory_space<any>>)
    return
  }
}

</mosaic_0001>

<sc_bundles>
// kernel: kernel.4.cloned.1.call-start
scs
__scs_entry_jumppad:
0x0: {  	(pc) =	sbr.rel $0x88, $3  }
0x1: {  	(tag) =	ssettag $0x0;
	lr =	simm.s32 $0x1  }
0x2: {  	[smem:$0x3F9F] =	sst lr;
	_ =	strace $0xD0000000  }
0x3: {  	_ = 	snop  }
0x4: {  	_ = 	snop  }
0x5: {  	_ = 	snop  }
0x6: {  	_ = 	snop  }
0x7: {  	_ = 	snop  }
__scs_overlays_trampoline_lowered:
0x8: {  	[smem:$0x3FAE] =	sst s0  }
0x9: {  	[smem:$0x3FAF] =	sst s1  }
0xa: {  	[smem:$0x3FB0] =	sst s2  }
0xb: {  	[smem:$0x3FB1] =	sst s3  }
0xc: {  	[smem:$0x3FB2] =	sst s4  }
0xd: {  	[smem:$0x3FB3] =	sst s5  }
0xe: {  	[smem:$0x3FB4] =	sst s6  }
0xf: {  	[smem:$0x3FB5] =	sst s7  }
0x10: {  	[smem:$0x3FB6] =	sst s8  }
0x11: {  	[smem:$0x3FB7] =	sst s9;
	s0 =	simm.s32 @!p0 $0x0  }
0x12: {  	s1 =	sld [smem:$0x3F9D];
	s0 =	simm.s32 @p0 $0x1  }
0x13: {  	[smem:$0x3FB8] =	sst s0;
	s0 =	simm.s32 @!p1 $0x0  }
0x14: {  	s2 =	sld [smem:$0x3F9C];
	s0 =	simm.s32 @p1 $0x1  }
0x15: {  	[smem:$0x3FB9] =	sst s0;
	s0 =	simm.s32 @!p2 $0x0  }
0x16: {  	s3 =	sld [smem:$0x3FDB];
	s0 =	simm.s32 @p2 $0x1  }
0x17: {  	s4 =	simm.s32 $0x1BF5;
	[smem:$0x3FBB] =	sst s0  }
0x18: {  	s0 =	sld [smem:$0x3F9E];
	_ =	swait.ge [sflag:s4], $0x0  }
0x19: {  	s7 =	sld [smem:$0x3F9F]  }
0x1a: {  	s8 =	sadd.s32 $0xFFFFE003, lr  }
0x1b: {  	s9 =	sadd.s32 $0xFFFFFEF7, lr;
	s5 =	simm.s32 $0xFFFFFFFF;
	p2 =	slt.u32 s8, $0xFFFFF086  }
0x1c: {  	p1 =	slt.u32 s9, $0xF7A;
	s5 =	simm.s32 @!p2 $0x0  }
0x1d: {  	s5 =	simm.s32 @p1 $0x1;
	p0 =	seq.s32 s7, s2  }
0x1e: {  	s7 =	smul.u32 @!p0 $0xF7A, s2;
	p2 =	seq.s32 @!p0 s5, $0x0  }
0x1f: {  	s9 =	smul.u32 $0xF7A, s1;
	s8 =	simm.s32 @!p0 $0x1BF5;
	p2 =	por !p2, p0  }
0x20: {  	[sflag:s8] =	ssyncset.s32 @!p0 $0xFFFFF086;
	s6 =	sadd.s32 @!p0 s3, s7;
	s7 =	simm.s32 @!p0 $0x108  }
0x21: {  	s3 =	sadd.s32 s3, s9;
	s6 =	sadd.s32 @!p0 $0x88, s6;
	s7 =	simm.s32 @p2 $0x1082  }
0x22: {  	[simem:s7], [sflag:s8] =	dma.local @!p0 [hbm:s6], $0xF7A  }
0x23: {  	s9 =	sor.u32 $0xD0000000, s2;
	s6 =	simm.s32 $0x108;
	_ =	swait.ge @!p0 [sflag:s8], $0x0  }
0x24: {  	s3 =	sadd.s32 $0x88, s3;
	s6 =	simm.s32 @!p1 $0x1082;
	[sflag:s4] =	ssyncset.s32 $0xFFFFF086  }
0x25: {  	[simem:s6], [sflag:s4] =	dma.local [hbm:s3], $0xF7A  }
0x26: {  	[smem:$0x3F9F] =	sst s1;
	(tag) =	ssettag s2;
	_ =	strace s9  }
0x27: {  	s1 =	sld [smem:$0x3FAF]  }
0x28: {  	s2 =	sld [smem:$0x3FB0]  }
0x29: {  	s4 =	sld [smem:$0x3FB2]  }
0x2a: {  	p0 =	seq.s32 s5, $0x0;
	s5 =	sld [smem:$0x3FB3]  }
0x2b: {  	s6 =	sld [smem:$0x3FB4]  }
0x2c: {  	s7 =	sld [smem:$0x3FB5]  }
0x2d: {  	s3 =	simm.s32 $0x108;
	s8 =	sld [smem:$0x3FB6]  }
0x2e: {  	s3 =	simm.s32 @!p0 $0x1082;
	s9 =	sld [smem:$0x3FB7]  }
0x2f: {  	lr =	sadd.s32 s0, s3;
	s0 =	sld [smem:$0x3FAE]  }
0x30: {  	s3 =	sld [smem:$0x3FB1]  }
0x31: {  	[smem:$0x3FBA] =	sst s10  }
0x32: {  	s10 =	sld [smem:$0x3FB8];
	_ =	sdelay $0x3  }
0x33: {  	p0 =	seq.s32 s10, $0x1;
	s10 =	sld [smem:$0x3FBA];
	_ =	sdelay $0x3  }
0x34: {  	[smem:$0x3FBA] =	sst s10  }
0x35: {  	s10 =	sld [smem:$0x3FB9];
	_ =	sdelay $0x3  }
0x36: {  	p1 =	seq.s32 s10, $0x1;
	s10 =	sld [smem:$0x3FBA];
	_ =	sdelay $0x3  }
0x37: {  	[smem:$0x3FBA] =	sst s10  }
0x38: {  	s10 =	sld [smem:$0x3FBB]  }
0x39: {  	_ = 	snop;
	(pc) =	sbr.ind lr, $3  }
0x3a: {  	_ = 	snop  }
0x3b: {  	_ = 	snop  }
0x3c: {  	p2 =	seq.s32 s10, $0x1;
	s10 =	sld [smem:$0x3FBA]  }
0x3d: {  	_ =	shalt  }
0x3e: {  	_ =	shalt  }
0x3f: {  	_ =	shalt  }
0x40: {  	_ =	shalt  }
0x41: {  	_ =	shalt  }
0x42: {  	_ =	shalt  }
0x43: {  	_ =	shalt  }
0x44: {  	_ =	shalt  }
0x45: {  	_ =	shalt  }
0x46: {  	_ =	shalt  }
0x47: {  	_ =	shalt  }
0x48: {  	_ =	shalt  }
0x49: {  	_ =	shalt  }
0x4a: {  	_ =	shalt  }
0x4b: {  	_ =	shalt  }
0x4c: {  	_ =	shalt  }
0x4d: {  	_ =	shalt  }
0x4e: {  	_ =	shalt  }
0x4f: {  	_ =	shalt  }
0x50: {  	_ =	shalt  }
0x51: {  	_ =	shalt  }
0x52: {  	_ =	shalt  }
0x53: {  	_ =	shalt  }
0x54: {  	_ =	shalt  }
0x55: {  	_ =	shalt  }
0x56: {  	_ =	shalt  }
0x57: {  	_ =	shalt  }
0x58: {  	_ =	shalt  }
0x59: {  	_ =	shalt  }
0x5a: {  	_ =	shalt  }
0x5b: {  	_ =	shalt  }
0x5c: {  	_ =	shalt  }
0x5d: {  	_ =	shalt  }
0x5e: {  	_ =	shalt  }
0x5f: {  	_ =	shalt  }
0x60: {  	_ =	shalt  }
0x61: {  	_ =	shalt  }
0x62: {  	_ =	shalt  }
0x63: {  	_ =	shalt  }
0x64: {  	_ =	shalt  }
0x65: {  	_ =	shalt  }
0x66: {  	_ =	shalt  }
0x67: {  	_ =	shalt  }
0x68: {  	_ =	shalt  }
0x69: {  	_ =	shalt  }
0x6a: {  	_ =	shalt  }
0x6b: {  	_ =	shalt  }
0x6c: {  	_ =	shalt  }
0x6d: {  	_ =	shalt  }
0x6e: {  	_ =	shalt  }
0x6f: {  	_ =	shalt  }
0x70: {  	_ =	shalt  }
0x71: {  	_ =	shalt  }
0x72: {  	_ =	shalt  }
0x73: {  	_ =	shalt  }
0x74: {  	_ =	shalt  }
0x75: {  	_ =	shalt  }
0x76: {  	_ =	shalt  }
0x77: {  	_ =	shalt  }
0x78: {  	_ =	shalt  }
0x79: {  	_ =	shalt  }
0x7a: {  	_ =	shalt  }
0x7b: {  	_ =	shalt  }
0x7c: {  	_ =	shalt  }
0x7d: {  	_ =	shalt  }
0x7e: {  	_ =	shalt  }
0x7f: {  	_ =	shalt  }
0x80: {  	_ =	shalt  }
0x81: {  	_ =	shalt  }
0x82: {  	_ =	shalt  }
0x83: {  	_ =	shalt  }
0x84: {  	_ =	shalt  }
0x85: {  	_ =	shalt  }
0x86: {  	_ =	shalt  }
0x87: {  	_ =	shalt  }
.Lfunc_end0:
.L_simem_size_0:
called_computation_lowered:
.L_overlay_start_0:
0x88: {  	s2 =	sld [smem:$0x3FD9]  }
0x89: {  	s3 =	sld [smem:$0x3FFE];
	_ =	sdelay $0x1  }
0x8a: {  	s1 =	srdreg.scid  }
0x8b: {  	s0 =	sand.u32 $0x1, s1  }
0x8c: {  	s17 =	sshll.u32 s0, $0xA;
	s2 =	sadd.s32 s3, s2  }
0x8d: {  	s2 =	sadd.s32 s2, s17  }
0x8e: {  	[smem:$0x3FC6] =	sst s2  }
0x8f: {  	_ = 	snop  }
0x90: {  	s2 =	sld [smem:$0x3FC9]  }
0x91: {  	s18 =	sld [smem:$0x3FC8];
	(tm) =	ssettm $0x1  }
0x92: {  	s4 =	sld [smem:$0x3FFB];
	_ =	sdelay $0x3  }
0x93: {  	_ =	strace s4  }
0x94: {  	s4 =	sld [smem:$0x3FFC];
	_ =	sdelay $0x3  }
0x95: {  	_ =	strace s4  }
0x96: {  	s4 =	sld [smem:$0x3FFD];
	_ =	sdelay $0x3  }
0x97: {  	_ =	strace s4  }
0x98: {  	_ =	strace $0x8FFFFFFF  }
0x99: {  	s19 =	sld [smem:$0x3FDB];
	_ =	sdelay $0x1  }
0x9a: {  	s5 =	simm.s32 $_scs_section_size  }
0x9b: {  	s6 =	simm.s32 $_size__tile_overlayer_lowered;
	s7 =	simm.s32 $_tile_overlayer_lowered  }
0x9c: {  	s22 =	simm.s32 $0x1BFF;
	s21 =	sshll.u32 s7, $0x1;
	s4 =	sadd.s32 s5, s19  }
0x9d: {  	s8 =	simm.s32 $0x0;
	s20 =	sshll.u32 s6, $0x1;
	s6 =	sadd.s32 s21, s4  }
0x9e: {  	[timem:s8], [sflag:s22] =	dma.local [hbm:s6], s20  }
0x9f: {  	_ =	swait.ge [sflag:s22], s20  }
0xa0: {  	s5 =	ssub.s32 $0x0, s20;
	[sflag:s22] =	ssyncset.done $0x0  }
0xa1: {  	[sflag:s22] =	ssyncadd.s32 s5;
	_ =	sdelay $0x1  }
0xa2: {  	s23 =	simm.s32 $0x1B8B  }
0xa3: {  	_ =	swait.ge [sflag:s23], $0x1  }
0xa4: {  	[sflag:s23] =	ssyncset.done $0x0  }
0xa5: {  	s25 =	simm.s32 $0x1B8E;
	s24 =	sld [smem:$0x3FFE];
	[sflag:s23] =	ssyncadd.s32 $0xFFFFFFFF  }
0xa6: {  	s26 =	simm.s32 $execute0_lowered;
	[smem:$0x3FD2] =	sst s25  }
0xa7: {  	s6 =	sshll.u32 s26, $0x1;
	_ =	strace $0x80000046;
	[dreg:$0x1] =	wrdreg $0xFFFFFFFF  }
0xa8: {  	s28 =	simm.s32 $_size_execute0_lowered;
	s4 =	sadd.s32 s4, s6;
	[dreg:$0x0] =	wrdreg $0x0  }
0xa9: {  	s6 =	sshll.u32 s28, $0x1;
	[dreg:$0x2] =	wrdreg s4  }
0xaa: {  	[dreg:$0x3] =	wrdreg s6  }
0xab: {  	[dreg:$0x4] =	wrdreg $0xC0  }
0xac: {  	_ =	task [dreg:s8], $0x5FFFF  }
0xad: {  	[dreg:$0x1] =	wrdreg $0xFFFFFFFF  }
0xae: {  	[dreg:$0x0] =	wrdreg $0x60  }
0xaf: {  	[dreg:$0x2] =	wrdreg s2  }
0xb0: {  	[dreg:$0x3] =	wrdreg s18  }
0xb1: {  	[dreg:$0x4] =	wrdreg s24  }
0xb2: {  	[dreg:$0x5] =	wrdreg $0x9  }
0xb3: {  	_ =	task.clear_ibuf [dreg:s8], $0x6FFFF;
	_ =	strace $0x90000046  }
0xb4: {  	s29 =	simm.s32 $0x9;
	_ =	strace $0x80000048  }
0xb5: {  	_ =	swait.ge [sflag:s29], $0x1  }
0xb6: {  	[sflag:s29] =	ssyncadd.s32 $0xFFFFFFFF  }
0xb7: {  	_ =	strace $0x90000048  }
0xb8: {  	_ =	sfence  }
0xb9: {  	s30 =	sld [smem:$0x0];
	_ =	sdelay $0x2  }
0xba: {  	s31 =	sshll.u32 s1, $0xD;
	s1 =	sshrl.u32 s1, $0x2  }
0xbb: {  	s3 =	sand.u32 $0x4000, s31;
	s1 =	sadd.s32 s1, s30  }
0xbc: {  	s0 =	sor.u32 s3, s0;
	s1 =	sshll.u32 s1, $0x11  }
0xbd: {  	s0 =	sor.u32 s1, s0  }
0xbe: {  	s0 =	sadd.s32 $0x8F2B, s0  }
0xbf: {  	[sflag:s0] =	ssyncadd.remote.s32 $0x1  }
0xc0: {  	_ =	sfence.sel $0xFFFF  }
0xc1: {  	[dreg:$0x0] =	wrdreg $0xFFFFFFFF;
	(pc) =	sbr.abs _section_cstart, $3  }
0xc2: {  	[dreg:$0x1] =	wrdreg $0xFFFFFFFF  }
0xc3: {  	_ =	task.clear_ibuf [dreg:s8], $0x2FFFF;
	_ =	strace $0x9FFFFFFF  }
0xc4: {  	(tm) =	ssettm $0x7FFFFFFF  }
0xc5: {  	_ =	shalt  }
tec
execute0_lowered:
.L_overlay_start_1:
0x0: {  	(tag) =	ssettag $0x1  }
0x1: {  	s2 =	stileid.u32  }
0x2: {  	p0 =	sgt.u32 s2, $0x7  }
.Ltmp0:
0x3: {  	s1 =	rddreg [dreg:$0x0];
	(pc) =	sbr.rel @p0 .LBB2_5-.Ltmp0, $4  }
0x4: {  	s3 =	rddreg [dreg:$0x1]  }
0x5: {  	s6 =	rddreg [dreg:$0x2];
	s4 =	simm.s32 $0x0  }
0x6: {  	[smem:$0x7FF] =	sst s4  }
0x7: {  	s0 =	rddreg [dreg:$0x3];
	_ =	strace $0x80000047  }
0x8: {  	s5 =	srdreg.scid;
	s12 =	simm.s32 $0x880;
	s13 =	simm.s32 $0x1080  }
0x9: {  	s14 =	simm.s32 $0x1880;
	s15 =	simm.s32 $0x2080;
	s5 =	sand.u32 $0x1, s5  }
0xa: {  	s16 =	simm.s32 $0x2880;
	s17 =	simm.s32 $0x3080;
	s7 =	sor.u32 s5, s2  }
0xb: {  	s18 =	simm.s32 $0x3880;
	p1 =	seq.s32 s5, $0x1;
	p0 =	seq.s32 s7, $0x0  }
0xc: {  	s19 =	simm.s32 $0x4080;
	s20 =	simm.s32 $0x4880;
	p0 =	por !p0, !p1  }
0xd: {  	s21 =	simm.s32 $0x5080;
	s7 =	simm.s32 $0x1;
	p0 =	por !p0, !p0  }
0xe: {  	s22 =	simm.s32 $0x5880;
	s23 =	simm.s32 $0x6080;
	s7 =	simm.s32 @!p0 $0x0  }
0xf: {  	s24 =	simm.s32 $0x2;
	s25 =	simm.s32 $0x0;
	s7 =	ssub.s32 s2, s7  }
0x10: {  	s8 =	sshll.u32 s5, $0xB;
	s10 =	ssub.s32 $0x2, s5;
	s9 =	sshll.u32 s7, $0xC  }
0x11: {  	s5 =	simm.s32 $0x1;
	s11 =	sshrl.u32 s10, $0x1;
	s9 =	sor.u32 s8, s9  }
0x12: {  	s10 =	ssub.s32 s10, s11;
	s11 =	simm.s32 $0x80;
	s9 =	sshrl.u32 s9, $0x3  }
0x13: {  	s9 =	sadd.s32 s9, s6;
	s6 =	smul.u32 $0x96, s7;
	s7 =	sor.u32 $0xD000, s8  }
0x14: {  	s8 =	sadd.s32 $0x600, s9;
	s9 =	smax.u32 s10, $0x1;
	s10 =	simm.s32 $0x3  }
.LBB2_2:
0x15: {  	s26 =	simm.s32 $0x0  }
0x16: {  	[tilespmem:s26], [sflag:$0x3] =	stream.linear.gather [hbm4b:s3+s26], $0xC, $0x38;
	[tilespmem:$0x6880] =	vst v63  }
0x17: {  	_ =	swait.ge [sflag:s10], $0xC  }
0x18: {  	[sflag:s10] =	ssyncset.done $0x0  }
0x19: {  	[sflag:s10] =	ssyncadd.s32 $0xFFFFFFF4  }
0x1a: {  	v0 =	vld [tilespmem:$0x0];
	_ =	sdelay $0x4  }
0x1b: {  	v0 =	vadd.s32 s6, v0  }
0x1c: {  	v0 =	vmul.u32 $0xE000, v0;
	_ =	sdelay $0x1  }
0x1d: {  	v0 =	vadd.s32 s7, v0  }
0x1e: {  	v0 =	vshrl.u32 v0, $0x3  }
0x1f: {  	v0 =	vadd.s32 s1, v0  }
0x20: {  	(v2sf) =	vpush v0, $0x0;
	_ =	sdelay $0x1  }
0x21: {  	(v2sf) =	vpush v0, $0x1;
	_ =	sdelay $0x1  }
0x22: {  	(v2sf) =	vpush v0, $0x2;
	_ =	sdelay $0x1  }
0x23: {  	(v2sf) =	vpush v0, $0x3;
	_ =	sdelay $0x1  }
0x24: {  	(v2sf) =	vpush v0, $0x4;
	_ =	sdelay $0x1  }
0x25: {  	(v2sf) =	vpush v0, $0x5;
	_ =	sdelay $0x1  }
0x26: {  	(v2sf) =	vpush v0, $0x6;
	_ =	sdelay $0x1  }
0x27: {  	(v2sf) =	vpush v0, $0x7  }
0x28: {  	s28 =	spop (v2sf)  }
0x29: {  	(v2sf) =	vpush v0, $0x8;
	[tilespmem:s11], [sflag:$0x1] =	stream.linear.gather [hbm4b:s28+s26], $0x800, $0x38;
	[tilespmem:$0x6880] =	vst v63  }
0x2a: {  	s28 =	spop (v2sf)  }
0x2b: {  	(v2sf) =	vpush v0, $0x9;
	[tilespmem:s12], [sflag:$0x1] =	stream.linear.gather [hbm4b:s28+s26], $0x800, $0x38;
	[tilespmem:$0x6880] =	vst v63  }
0x2c: {  	s28 =	spop (v2sf)  }
0x2d: {  	(v2sf) =	vpush v0, $0xA;
	[tilespmem:s13], [sflag:$0x1] =	stream.linear.gather [hbm4b:s28+s26], $0x800, $0x38;
	[tilespmem:$0x6880] =	vst v63  }
0x2e: {  	s28 =	spop (v2sf)  }
0x2f: {  	(v2sf) =	vpush v0, $0xB;
	[tilespmem:s14], [sflag:$0x1] =	stream.linear.gather [hbm4b:s28+s26], $0x800, $0x38;
	[tilespmem:$0x6880] =	vst v63  }
0x30: {  	s28 =	spop (v2sf)  }
0x31: {  	[tilespmem:s15], [sflag:$0x1] =	stream.linear.gather [hbm4b:s28+s26], $0x800, $0x38;
	[tilespmem:$0x6880] =	vst v63  }
0x32: {  	s28 =	spop (v2sf)  }
0x33: {  	[tilespmem:s16], [sflag:$0x1] =	stream.linear.gather [hbm4b:s28+s26], $0x800, $0x38;
	[tilespmem:$0x6880] =	vst v63  }
0x34: {  	s28 =	spop (v2sf)  }
0x35: {  	[tilespmem:s17], [sflag:$0x1] =	stream.linear.gather [hbm4b:s28+s26], $0x800, $0x38;
	[tilespmem:$0x6880] =	vst v63  }
0x36: {  	s28 =	spop (v2sf)  }
0x37: {  	[tilespmem:s18], [sflag:$0x1] =	stream.linear.gather [hbm4b:s28+s26], $0x800, $0x38;
	[tilespmem:$0x6880] =	vst v63  }
0x38: {  	s28 =	spop (v2sf)  }
0x39: {  	[tilespmem:s19], [sflag:$0x1] =	stream.linear.gather [hbm4b:s28+s26], $0x800, $0x38;
	[tilespmem:$0x6880] =	vst v63  }
0x3a: {  	s28 =	spop (v2sf)  }
0x3b: {  	[tilespmem:s20], [sflag:$0x1] =	stream.linear.gather [hbm4b:s28+s26], $0x800, $0x38;
	[tilespmem:$0x6880] =	vst v63  }
0x3c: {  	s28 =	spop (v2sf)  }
0x3d: {  	[tilespmem:s21], [sflag:$0x1] =	stream.linear.gather [hbm4b:s28+s26], $0x800, $0x38;
	[tilespmem:$0x6880] =	vst v63  }
0x3e: {  	s28 =	spop (v2sf)  }
0x3f: {  	[tilespmem:s22], [sflag:$0x1] =	stream.linear.gather [hbm4b:s28+s26], $0x800, $0x38;
	[tilespmem:$0x6880] =	vst v63  }
0x40: {  	_ =	swait.ge [sflag:s5], $0x6000  }
0x41: {  	[sflag:s5] =	ssyncset.done $0x0  }
0x42: {  	s26 =	simm.s32 $0x0;
	[sflag:s5] =	ssyncadd.s32 $0xFFFFA000  }
0x43: {  	v1 =	vld [tilespmem:s26+$0x44D0]  }
0x44: {  	v2 =	vld [tilespmem:s26+$0x4CD0]  }
0x45: {  	v0 =	vld [tilespmem:s26+$0x54D0]  }
0x46: {  	v3 =	vld [tilespmem:s26+$0x4D0]  }
0x47: {  	v5 =	vld [tilespmem:s26+$0xCD0]  }
0x48: {  	v4 =	vld [tilespmem:s26+$0x14D0]  }
0x49: {  	v6 =	vld [tilespmem:s26+$0x1CD0]  }
0x4a: {  	v7 =	vld [tilespmem:s26+$0x24D0]  }
0x4b: {  	v8 =	vld [tilespmem:s26+$0x2CD0]  }
0x4c: {  	s28 =	simm.s32 $0x200;
	v9 =	vld [tilespmem:s26+$0x34D0]  }
.LBB2_3:
0x4d: {  	p0 =	sne.s32 s28, $0xE00;
	v10 =	vld [tilespmem:s26+$0x3CD0]  }
0x4e: {  	v11 =	vld [tilespmem:s26+$0x5CD0]  }
0x4f: {  	v12 =	vld [tilespmem:s26+$0x80]  }
0x50: {  	v13 =	vld [tilespmem:s26+$0x880]  }
0x51: {  	v3 =	vmax.f32 v3, v5;
	v1 =	vmax.f32 v1, v2;
	v14 =	vld [tilespmem:s26+$0x1080]  }
0x52: {  	v4 =	vmax.f32 v4, v6;
	v5 =	vmax.f32 v7, v8;
	v2 =	vld [tilespmem:s26+$0x1880];
	v6 =	vmax.f32 v9, v10  }
0x53: {  	v3 =	vmax.f32 v3, v4;
	v7 =	vld [tilespmem:s26+$0x2080];
	v0 =	vmax.f32 v0, v11;
	v4 =	vmax.f32 v5, v6  }
0x54: {  	v5 =	vld [tilespmem:s26+$0x2880];
	v0 =	vmax.f32 v1, v0;
	v1 =	vmax.f32 v3, v4  }
0x55: {  	v3 =	vld [tilespmem:s26+$0x3080];
	v4 =	vmax.f32 v12, v13;
	v0 =	vmax.f32 v1, v0  }
0x56: {  	v1 =	vld [tilespmem:s26+$0x3880];
	v0 =	vmul.f32 $5.000000000e+00, v0  }
0x57: {  	v2 =	vmax.f32 v14, v2;
	v6 =	vld [tilespmem:s26+$0x90]  }
0x58: {  	v2 =	vmax.f32 v4, v2;
	v4 =	vld [tilespmem:s26+$0x890];
	[tilespmem:s26+$0x64D0] =	vst v0  }
0x59: {  	v0 =	vmax.f32 v7, v5;
	v5 =	vld [tilespmem:s26+$0x1090]  }
0x5a: {  	v7 =	vld [tilespmem:s26+$0x1890]  }
0x5b: {  	v1 =	vmax.f32 v3, v1;
	v3 =	vld [tilespmem:s26+$0x2090]  }
0x5c: {  	v0 =	vmax.f32 v0, v1;
	v1 =	vld [tilespmem:s26+$0x2890]  }
0x5d: {  	v0 =	vmax.f32 v2, v0;
	v2 =	vld [tilespmem:s26+$0x3090];
	v4 =	vmax.f32 v6, v4  }
0x5e: {  	v6 =	vld [tilespmem:s26+$0x3890]  }
0x5f: {  	v5 =	vmax.f32 v5, v7;
	v7 =	vld [tilespmem:s26+$0xA0]  }
0x60: {  	v4 =	vmax.f32 v4, v5;
	v5 =	vld [tilespmem:s26+$0x8A0]  }
0x61: {  	v1 =	vmax.f32 v3, v1;
	v3 =	vld [tilespmem:s26+$0x10A0]  }
0x62: {  	v8 =	vld [tilespmem:s26+$0x18A0]  }
0x63: {  	v2 =	vmax.f32 v2, v6;
	v6 =	vld [tilespmem:s26+$0x20A0]  }
0x64: {  	v1 =	vmax.f32 v1, v2;
	v2 =	vld [tilespmem:s26+$0x28A0]  }
0x65: {  	v1 =	vmax.f32 v4, v1;
	v4 =	vld [tilespmem:s26+$0x30A0];
	v5 =	vmax.f32 v7, v5  }
0x66: {  	v7 =	vld [tilespmem:s26+$0x38A0]  }
0x67: {  	v3 =	vmax.f32 v3, v8;
	v8 =	vld [tilespmem:s26+$0xB0]  }
0x68: {  	v3 =	vmax.f32 v5, v3;
	v5 =	vld [tilespmem:s26+$0x8B0]  }
0x69: {  	v2 =	vmax.f32 v6, v2;
	v6 =	vld [tilespmem:s26+$0x10B0]  }
0x6a: {  	v9 =	vld [tilespmem:s26+$0x18B0]  }
0x6b: {  	v4 =	vmax.f32 v4, v7;
	v7 =	vld [tilespmem:s26+$0x20B0]  }
0x6c: {  	v2 =	vmax.f32 v2, v4;
	v4 =	vld [tilespmem:s26+$0x28B0]  }
0x6d: {  	v2 =	vmax.f32 v3, v2;
	v3 =	vld [tilespmem:s26+$0x30B0];
	v5 =	vmax.f32 v8, v5  }
0x6e: {  	v8 =	vld [tilespmem:s26+$0x38B0]  }
0x6f: {  	v6 =	vmax.f32 v6, v9;
	v9 =	vld [tilespmem:s26+$0xC0]  }
0x70: {  	v5 =	vmax.f32 v5, v6;
	v6 =	vld [tilespmem:s26+$0x8C0]  }
0x71: {  	v4 =	vmax.f32 v7, v4;
	v7 =	vld [tilespmem:s26+$0x10C0]  }
0x72: {  	v10 =	vld [tilespmem:s26+$0x18C0]  }
0x73: {  	v3 =	vmax.f32 v3, v8;
	v8 =	vld [tilespmem:s26+$0x20C0]  }
0x74: {  	v3 =	vmax.f32 v4, v3;
	v4 =	vld [tilespmem:s26+$0x28C0]  }
0x75: {  	v3 =	vmax.f32 v5, v3;
	v5 =	vld [tilespmem:s26+$0x30C0];
	v6 =	vmax.f32 v9, v6  }
0x76: {  	v9 =	vld [tilespmem:s26+$0x38C0]  }
0x77: {  	v7 =	vmax.f32 v7, v10;
	v10 =	vld [tilespmem:s26+$0xD0]  }
0x78: {  	v6 =	vmax.f32 v6, v7;
	v7 =	vld [tilespmem:s26+$0x8D0]  }
0x79: {  	v4 =	vmax.f32 v8, v4;
	v8 =	vld [tilespmem:s26+$0x10D0]  }
0x7a: {  	v11 =	vld [tilespmem:s26+$0x18D0]  }
0x7b: {  	v5 =	vmax.f32 v5, v9;
	v9 =	vld [tilespmem:s26+$0x20D0]  }
0x7c: {  	v4 =	vmax.f32 v4, v5;
	v5 =	vld [tilespmem:s26+$0x28D0]  }
0x7d: {  	v4 =	vmax.f32 v6, v4;
	v6 =	vld [tilespmem:s26+$0x30D0];
	v7 =	vmax.f32 v10, v7  }
0x7e: {  	v10 =	vld [tilespmem:s26+$0x38D0]  }
0x7f: {  	v8 =	vmax.f32 v8, v11;
	v11 =	vld [tilespmem:s26+$0xE0]  }
0x80: {  	v7 =	vmax.f32 v7, v8;
	v8 =	vld [tilespmem:s26+$0x8E0]  }
0x81: {  	v5 =	vmax.f32 v9, v5;
	v9 =	vld [tilespmem:s26+$0x10E0]  }
0x82: {  	v12 =	vld [tilespmem:s26+$0x18E0]  }
0x83: {  	v6 =	vmax.f32 v6, v10;
	v10 =	vld [tilespmem:s26+$0x20E0]  }
0x84: {  	v5 =	vmax.f32 v5, v6;
	v6 =	vld [tilespmem:s26+$0x28E0]  }
0x85: {  	v5 =	vmax.f32 v7, v5;
	v7 =	vld [tilespmem:s26+$0x30E0];
	v8 =	vmax.f32 v11, v8  }
0x86: {  	v11 =	vld [tilespmem:s26+$0x38E0]  }
0x87: {  	v9 =	vmax.f32 v9, v12;
	v12 =	vld [tilespmem:s26+$0xF0]  }
0x88: {  	v8 =	vmax.f32 v8, v9;
	v9 =	vld [tilespmem:s26+$0x8F0]  }
0x89: {  	v6 =	vmax.f32 v10, v6;
	v10 =	vld [tilespmem:s26+$0x10F0]  }
0x8a: {  	v13 =	vld [tilespmem:s26+$0x18F0]  }
0x8b: {  	v7 =	vmax.f32 v7, v11;
	v11 =	vld [tilespmem:s26+$0x20F0]  }
0x8c: {  	v6 =	vmax.f32 v6, v7;
	v7 =	vld [tilespmem:s26+$0x28F0]  }
0x8d: {  	v6 =	vmax.f32 v8, v6;
	v8 =	vld [tilespmem:s26+$0x30F0];
	v9 =	vmax.f32 v12, v9  }
0x8e: {  	v12 =	vld [tilespmem:s26+$0x38F0]  }
0x8f: {  	v10 =	vmax.f32 v10, v13;
	v13 =	vld [tilespmem:s26+$0x480]  }
0x90: {  	v9 =	vmax.f32 v9, v10;
	v10 =	vld [tilespmem:s26+$0xC80]  }
0x91: {  	v7 =	vmax.f32 v11, v7;
	v11 =	vld [tilespmem:s26+$0x1480]  }
0x92: {  	v14 =	vld [tilespmem:s26+$0x1C80]  }
0x93: {  	v8 =	vmax.f32 v8, v12;
	v12 =	vld [tilespmem:s26+$0x2480]  }
0x94: {  	v7 =	vmax.f32 v7, v8;
	v8 =	vld [tilespmem:s26+$0x2C80]  }
0x95: {  	v7 =	vmax.f32 v9, v7;
	v9 =	vld [tilespmem:s26+$0x3480];
	v10 =	vmax.f32 v13, v10  }
0x96: {  	v13 =	vld [tilespmem:s26+$0x3C80]  }
0x97: {  	v11 =	vmax.f32 v11, v14;
	v14 =	vld [tilespmem:s26+$0x490]  }
0x98: {  	v10 =	vmax.f32 v10, v11;
	v11 =	vld [tilespmem:s26+$0xC90]  }
0x99: {  	v8 =	vmax.f32 v12, v8;
	v12 =	vld [tilespmem:s26+$0x1490]  }
0x9a: {  	v15 =	vld [tilespmem:s26+$0x1C90]  }
0x9b: {  	v9 =	vmax.f32 v9, v13;
	v13 =	vld [tilespmem:s26+$0x2490]  }
0x9c: {  	v8 =	vmax.f32 v8, v9;
	v9 =	vld [tilespmem:s26+$0x2C90]  }
0x9d: {  	v8 =	vmax.f32 v10, v8;
	v10 =	vld [tilespmem:s26+$0x3490];
	v11 =	vmax.f32 v14, v11  }
0x9e: {  	v14 =	vld [tilespmem:s26+$0x3C90]  }
0x9f: {  	v12 =	vmax.f32 v12, v15;
	v15 =	vld [tilespmem:s26+$0x4A0]  }
0xa0: {  	v11 =	vmax.f32 v11, v12;
	v12 =	vld [tilespmem:s26+$0xCA0]  }
0xa1: {  	v9 =	vmax.f32 v13, v9;
	v13 =	vld [tilespmem:s26+$0x14A0]  }
0xa2: {  	v16 =	vld [tilespmem:s26+$0x1CA0]  }
0xa3: {  	v10 =	vmax.f32 v10, v14;
	v14 =	vld [tilespmem:s26+$0x24A0]  }
0xa4: {  	v9 =	vmax.f32 v9, v10;
	v10 =	vld [tilespmem:s26+$0x2CA0]  }
0xa5: {  	v9 =	vmax.f32 v11, v9;
	v11 =	vld [tilespmem:s26+$0x34A0];
	v12 =	vmax.f32 v15, v12  }
0xa6: {  	v15 =	vld [tilespmem:s26+$0x3CA0]  }
0xa7: {  	v13 =	vmax.f32 v13, v16;
	v16 =	vld [tilespmem:s26+$0x4B0]  }
0xa8: {  	v12 =	vmax.f32 v12, v13;
	v13 =	vld [tilespmem:s26+$0xCB0]  }
0xa9: {  	v10 =	vmax.f32 v14, v10;
	v14 =	vld [tilespmem:s26+$0x14B0]  }
0xaa: {  	v17 =	vld [tilespmem:s26+$0x1CB0]  }
0xab: {  	v11 =	vmax.f32 v11, v15;
	v15 =	vld [tilespmem:s26+$0x24B0]  }
0xac: {  	v10 =	vmax.f32 v10, v11;
	v11 =	vld [tilespmem:s26+$0x2CB0]  }
0xad: {  	v10 =	vmax.f32 v12, v10;
	v12 =	vld [tilespmem:s26+$0x34B0];
	v13 =	vmax.f32 v16, v13  }
0xae: {  	v16 =	vld [tilespmem:s26+$0x3CB0]  }
0xaf: {  	v14 =	vmax.f32 v14, v17;
	v17 =	vld [tilespmem:s26+$0x4C0]  }
0xb0: {  	v13 =	vmax.f32 v13, v14;
	v14 =	vld [tilespmem:s26+$0xCC0]  }
0xb1: {  	v11 =	vmax.f32 v15, v11;
	v15 =	vld [tilespmem:s26+$0x14C0]  }
0xb2: {  	v18 =	vld [tilespmem:s26+$0x1CC0]  }
0xb3: {  	v12 =	vmax.f32 v12, v16;
	v16 =	vld [tilespmem:s26+$0x24C0]  }
0xb4: {  	v11 =	vmax.f32 v11, v12;
	v12 =	vld [tilespmem:s26+$0x2CC0]  }
0xb5: {  	v11 =	vmax.f32 v13, v11;
	v13 =	vld [tilespmem:s26+$0x34C0];
	v14 =	vmax.f32 v17, v14  }
0xb6: {  	v17 =	vld [tilespmem:s26+$0x3CC0]  }
0xb7: {  	v19 =	vld [tilespmem:s26+$0x4080];
	v15 =	vmax.f32 v15, v18  }
0xb8: {  	v18 =	vld [tilespmem:s26+$0x4880];
	v14 =	vmax.f32 v14, v15  }
0xb9: {  	v15 =	vld [tilespmem:s26+$0x5080];
	v12 =	vmax.f32 v16, v12  }
0xba: {  	v16 =	vld [tilespmem:s26+$0x5880]  }
0xbb: {  	v20 =	vld [tilespmem:s26+$0x4090];
	v13 =	vmax.f32 v13, v17  }
0xbc: {  	v17 =	vld [tilespmem:s26+$0x4890];
	v12 =	vmax.f32 v12, v13  }
0xbd: {  	v13 =	vmax.f32 v19, v18;
	v18 =	vld [tilespmem:s26+$0x5090];
	v12 =	vmax.f32 v14, v12  }
0xbe: {  	v14 =	vld [tilespmem:s26+$0x5890]  }
0xbf: {  	v15 =	vmax.f32 v15, v16;
	v16 =	vld [tilespmem:s26+$0x40A0]  }
0xc0: {  	v13 =	vmax.f32 v13, v15;
	v15 =	vld [tilespmem:s26+$0x48A0]  }
0xc1: {  	v0 =	vmax.f32 v0, v13;
	v13 =	vmax.f32 v20, v17;
	v17 =	vld [tilespmem:s26+$0x50A0]  }
0xc2: {  	v0 =	vmul.f32 $5.000000000e+00, v0;
	v19 =	vld [tilespmem:s26+$0x58A0]  }
0xc3: {  	v14 =	vmax.f32 v18, v14;
	v18 =	vld [tilespmem:s26+$0x40B0]  }
0xc4: {  	[tilespmem:s26+$0x6080] =	vst v0;
	v0 =	vmax.f32 v13, v14;
	v13 =	vld [tilespmem:s26+$0x48B0]  }
0xc5: {  	v0 =	vmax.f32 v1, v0;
	v1 =	vmax.f32 v16, v15;
	v14 =	vld [tilespmem:s26+$0x50B0]  }
0xc6: {  	v0 =	vmul.f32 $5.000000000e+00, v0;
	v15 =	vld [tilespmem:s26+$0x58B0]  }
0xc7: {  	v16 =	vmax.f32 v17, v19;
	v17 =	vld [tilespmem:s26+$0x40C0]  }
0xc8: {  	[tilespmem:s26+$0x6090] =	vst v0;
	v0 =	vmax.f32 v1, v16;
	v1 =	vld [tilespmem:s26+$0x48C0]  }
0xc9: {  	v0 =	vmax.f32 v2, v0;
	v2 =	vmax.f32 v18, v13;
	v13 =	vld [tilespmem:s26+$0x50C0]  }
0xca: {  	v0 =	vmul.f32 $5.000000000e+00, v0;
	v16 =	vld [tilespmem:s26+$0x58C0]  }
0xcb: {  	v14 =	vmax.f32 v14, v15;
	v15 =	vld [tilespmem:s26+$0x40D0]  }
0xcc: {  	[tilespmem:s26+$0x60A0] =	vst v0;
	v0 =	vmax.f32 v2, v14;
	v2 =	vld [tilespmem:s26+$0x48D0]  }
0xcd: {  	v0 =	vmax.f32 v3, v0;
	v1 =	vmax.f32 v17, v1;
	v3 =	vld [tilespmem:s26+$0x50D0]  }
0xce: {  	v0 =	vmul.f32 $5.000000000e+00, v0;
	v14 =	vld [tilespmem:s26+$0x58D0]  }
0xcf: {  	v13 =	vmax.f32 v13, v16;
	v16 =	vld [tilespmem:s26+$0x40E0]  }
0xd0: {  	[tilespmem:s26+$0x60B0] =	vst v0;
	v0 =	vmax.f32 v1, v13;
	v1 =	vld [tilespmem:s26+$0x48E0]  }
0xd1: {  	v0 =	vmax.f32 v4, v0;
	v2 =	vmax.f32 v15, v2;
	v4 =	vld [tilespmem:s26+$0x50E0]  }
0xd2: {  	v0 =	vmul.f32 $5.000000000e+00, v0;
	v13 =	vld [tilespmem:s26+$0x58E0]  }
0xd3: {  	v3 =	vmax.f32 v3, v14;
	v14 =	vld [tilespmem:s26+$0x40F0]  }
0xd4: {  	[tilespmem:s26+$0x60C0] =	vst v0;
	v0 =	vmax.f32 v2, v3;
	v2 =	vld [tilespmem:s26+$0x48F0]  }
0xd5: {  	v0 =	vmax.f32 v5, v0;
	v1 =	vmax.f32 v16, v1;
	v3 =	vld [tilespmem:s26+$0x50F0]  }
0xd6: {  	v0 =	vmul.f32 $5.000000000e+00, v0;
	v5 =	vld [tilespmem:s26+$0x58F0]  }
0xd7: {  	v4 =	vmax.f32 v4, v13;
	v13 =	vld [tilespmem:s26+$0x4480]  }
0xd8: {  	[tilespmem:s26+$0x60D0] =	vst v0;
	v0 =	vmax.f32 v1, v4;
	v1 =	vld [tilespmem:s26+$0x4C80]  }
0xd9: {  	v0 =	vmax.f32 v6, v0;
	v2 =	vmax.f32 v14, v2;
	v4 =	vld [tilespmem:s26+$0x5480]  }
0xda: {  	v0 =	vmul.f32 $5.000000000e+00, v0;
	v6 =	vld [tilespmem:s26+$0x5C80]  }
0xdb: {  	v3 =	vmax.f32 v3, v5;
	v5 =	vld [tilespmem:s26+$0x4490]  }
0xdc: {  	[tilespmem:s26+$0x60E0] =	vst v0;
	v0 =	vmax.f32 v2, v3;
	v2 =	vld [tilespmem:s26+$0x4C90]  }
0xdd: {  	v0 =	vmax.f32 v7, v0;
	v1 =	vmax.f32 v13, v1;
	v3 =	vld [tilespmem:s26+$0x5490]  }
0xde: {  	v0 =	vmul.f32 $5.000000000e+00, v0;
	v7 =	vld [tilespmem:s26+$0x5C90]  }
0xdf: {  	v4 =	vmax.f32 v4, v6;
	v6 =	vld [tilespmem:s26+$0x44A0]  }
0xe0: {  	[tilespmem:s26+$0x60F0] =	vst v0;
	v0 =	vmax.f32 v1, v4;
	v1 =	vld [tilespmem:s26+$0x4CA0]  }
0xe1: {  	v0 =	vmax.f32 v8, v0;
	v2 =	vmax.f32 v5, v2;
	v4 =	vld [tilespmem:s26+$0x54A0]  }
0xe2: {  	v0 =	vmul.f32 $5.000000000e+00, v0;
	v5 =	vld [tilespmem:s26+$0x5CA0]  }
0xe3: {  	v3 =	vmax.f32 v3, v7;
	v7 =	vld [tilespmem:s26+$0x44B0]  }
0xe4: {  	[tilespmem:s26+$0x6480] =	vst v0;
	v0 =	vmax.f32 v2, v3;
	v2 =	vld [tilespmem:s26+$0x4CB0]  }
0xe5: {  	v0 =	vmax.f32 v9, v0;
	v1 =	vmax.f32 v6, v1;
	v3 =	vld [tilespmem:s26+$0x54B0]  }
0xe6: {  	v0 =	vmul.f32 $5.000000000e+00, v0;
	v6 =	vld [tilespmem:s26+$0x5CB0]  }
0xe7: {  	v4 =	vmax.f32 v4, v5;
	v5 =	vld [tilespmem:s26+$0x44C0]  }
0xe8: {  	[tilespmem:s26+$0x6490] =	vst v0;
	v0 =	vmax.f32 v1, v4;
	v4 =	vld [tilespmem:s26+$0x4CC0]  }
0xe9: {  	v0 =	vmax.f32 v10, v0;
	v7 =	vmax.f32 v7, v2;
	v8 =	vld [tilespmem:s26+$0x54C0]  }
0xea: {  	s29 =	sshra.s32 s28, $0x2;
	v0 =	vmul.f32 $5.000000000e+00, v0;
	v9 =	vld [tilespmem:s26+$0x5CC0]  }
0xeb: {  	v1 =	vld [tilespmem:s29+$0x44D0];
	v3 =	vmax.f32 v3, v6  }
0xec: {  	v2 =	vld [tilespmem:s29+$0x4CD0];
	[tilespmem:s26+$0x64A0] =	vst v0;
	v3 =	vmax.f32 v7, v3  }
0xed: {  	v0 =	vld [tilespmem:s29+$0x54D0];
	v6 =	vmax.f32 v11, v3;
	v7 =	vmax.f32 v5, v4  }
0xee: {  	v3 =	vld [tilespmem:s29+$0x4D0];
	v6 =	vmul.f32 $5.000000000e+00, v6  }
0xef: {  	v5 =	vld [tilespmem:s29+$0xCD0];
	v8 =	vmax.f32 v8, v9  }
.Ltmp1:
0xf0: {  	v4 =	vld [tilespmem:s29+$0x14D0];
	[tilespmem:s26+$0x64B0] =	vst v6;
	v7 =	vmax.f32 v7, v8;
	(pc) =	sbr.rel @p0 .LBB2_3-.Ltmp1, $4  }
0xf1: {  	v6 =	vld [tilespmem:s29+$0x1CD0];
	v8 =	vmax.f32 v12, v7  }
0xf2: {  	v7 =	vld [tilespmem:s29+$0x24D0];
	v10 =	vmul.f32 $5.000000000e+00, v8  }
0xf3: {  	v8 =	vld [tilespmem:s29+$0x2CD0]  }
0xf4: {  	s28 =	sadd.s32 $0x200, s28;
	v9 =	vld [tilespmem:s29+$0x34D0];
	[tilespmem:s26+$0x64C0] =	vst v10;
	s26 =	smov.u32 s29  }
0xf5: {  	v10 =	vld [tilespmem:s26+$0x3CD0]  }
0xf6: {  	v11 =	vld [tilespmem:s26+$0x5CD0]  }
0xf7: {  	v21 =	vld [tilespmem:s26+$0x80]  }
0xf8: {  	v20 =	vld [tilespmem:s26+$0x880]  }
0xf9: {  	v19 =	vld [tilespmem:s26+$0x1080]  }
0xfa: {  	v17 =	vld [tilespmem:s26+$0x1880]  }
0xfb: {  	v12 =	vld [tilespmem:s26+$0x2080]  }
0xfc: {  	v18 =	vld [tilespmem:s26+$0x90]  }
0xfd: {  	v13 =	vld [tilespmem:s26+$0x890]  }
0xfe: {  	v16 =	vld [tilespmem:s26+$0x2090]  }
0xff: {  	v14 =	vld [tilespmem:s26+$0x2890]  }
0x100: {  	v15 =	vld [tilespmem:s26+$0x3090]  }
0x101: {  	v28 =	vld [tilespmem:s26+$0xA0]  }
0x102: {  	v24 =	vld [tilespmem:s26+$0x8A0]  }
0x103: {  	v23 =	vld [tilespmem:s26+$0x10A0]  }
0x104: {  	v22 =	vld [tilespmem:s26+$0x18A0]  }
0x105: {  	v29 =	vld [tilespmem:s26+$0x20A0]  }
0x106: {  	v26 =	vld [tilespmem:s26+$0x28A0]  }
0x107: {  	v27 =	vld [tilespmem:s26+$0x30A0]  }
0x108: {  	v25 =	vld [tilespmem:s26+$0x38A0]  }
0x109: {  	v35 =	vld [tilespmem:s26+$0xB0]  }
0x10a: {  	v33 =	vld [tilespmem:s26+$0x8B0]  }
0x10b: {  	v32 =	vld [tilespmem:s26+$0x10B0]  }
0x10c: {  	v30 =	vld [tilespmem:s26+$0x18B0]  }
0x10d: {  	v37 =	vld [tilespmem:s26+$0x20B0]  }
0x10e: {  	v36 =	vld [tilespmem:s26+$0x28B0]  }
0x10f: {  	v34 =	vld [tilespmem:s26+$0x30B0]  }
0x110: {  	v31 =	vld [tilespmem:s26+$0x38B0]  }
0x111: {  	v42 =	vld [tilespmem:s26+$0xC0]  }
0x112: {  	v40 =	vld [tilespmem:s26+$0x8C0]  }
0x113: {  	v41 =	vld [tilespmem:s26+$0x10C0]  }
0x114: {  	v38 =	vld [tilespmem:s26+$0x18C0]  }
0x115: {  	v45 =	vld [tilespmem:s26+$0x20C0]  }
0x116: {  	v43 =	vld [tilespmem:s26+$0x28C0]  }
0x117: {  	v44 =	vld [tilespmem:s26+$0x30C0]  }
0x118: {  	v39 =	vld [tilespmem:s26+$0x38C0]  }
0x119: {  	v57 =	vld [tilespmem:s26+$0xD0]  }
0x11a: {  	v56 =	vld [tilespmem:s26+$0x20D0]  }
0x11b: {  	v3 =	vmax.f32 v3, v5;
	v5 =	vld [tilespmem:s26+$0xF0]  }
0x11c: {  	v58 =	vld [tilespmem:s26+$0x28D0]  }
0x11d: {  	v59 =	vld [tilespmem:s26+$0x30D0]  }
0x11e: {  	v49 =	vld [tilespmem:s26+$0xE0];
	v4 =	vmax.f32 v4, v6  }
0x11f: {  	v3 =	vmax.f32 v3, v4;
	v4 =	vld [tilespmem:s26+$0x20F0]  }
0x120: {  	[tilespmem:$0x1FD20] =	vst v5;
	v5 =	vld [tilespmem:s26+$0x28F0]  }
0x121: {  	v52 =	vld [tilespmem:s26+$0x8E0]  }
0x122: {  	v53 =	vld [tilespmem:s26+$0x10E0]  }
0x123: {  	v55 =	vld [tilespmem:s26+$0x18E0]  }
0x124: {  	[tilespmem:$0x1FD50] =	vst v4;
	v4 =	vld [tilespmem:s26+$0x480]  }
0x125: {  	[tilespmem:$0x1FD60] =	vst v5;
	v5 =	vld [tilespmem:s26+$0xC80]  }
0x126: {  	v48 =	vld [tilespmem:s26+$0x20E0]  }
0x127: {  	v50 =	vld [tilespmem:s26+$0x28E0]  }
0x128: {  	v51 =	vld [tilespmem:s26+$0x30E0]  }
0x129: {  	[tilespmem:$0x1FD80] =	vst v4;
	v4 =	vld [tilespmem:s26+$0x1480]  }
0x12a: {  	[tilespmem:$0x1FD90] =	vst v5;
	v5 =	vld [tilespmem:s26+$0x1C80]  }
0x12b: {  	v54 =	vld [tilespmem:s26+$0x38E0]  }
0x12c: {  	v46 =	vld [tilespmem:s26+$0x8F0]  }
0x12d: {  	v47 =	vld [tilespmem:s26+$0x10F0]  }
0x12e: {  	[tilespmem:$0x1FDA0] =	vst v4;
	v4 =	vld [tilespmem:s26+$0x2480]  }
0x12f: {  	[tilespmem:$0x1FDB0] =	vst v5;
	v5 =	vld [tilespmem:s26+$0x2C80]  }
0x130: {  	v1 =	vmax.f32 v1, v2;
	v2 =	vld [tilespmem:s26+$0x4880]  }
0x131: {  	v6 =	vld [tilespmem:s26+$0x3880]  }
0x132: {  	v60 =	vmax.f32 v7, v8;
	v8 =	vld [tilespmem:s26+$0x2880]  }
0x133: {  	[tilespmem:$0x1FDC0] =	vst v4;
	v4 =	vld [tilespmem:s26+$0x3480]  }
0x134: {  	[tilespmem:$0x1FDD0] =	vst v5;
	v5 =	vld [tilespmem:s26+$0x3C80]  }
0x135: {  	v7 =	vld [tilespmem:s26+$0x3080]  }
0x136: {  	v61 =	vmax.f32 v9, v10;
	v10 =	vld [tilespmem:s26+$0x1090]  }
0x137: {  	v9 =	vld [tilespmem:s26+$0x1890]  }
0x138: {  	[tilespmem:$0x1FDE0] =	vst v4;
	v4 =	vld [tilespmem:s26+$0x490]  }
0x139: {  	[tilespmem:$0x1FDF0] =	vst v5;
	v5 =	vld [tilespmem:s26+$0xC90]  }
0x13a: {  	v0 =	vmax.f32 v0, v11;
	v11 =	vld [tilespmem:s26+$0x3890]  }
0x13b: {  	[tilespmem:$0x1FD40] =	vst v47;
	v47 =	vld [tilespmem:s26+$0x18F0]  }
0x13c: {  	[tilespmem:$0x1FD30] =	vst v46;
	v46 =	vld [tilespmem:s26+$0x30F0]  }
0x13d: {  	[tilespmem:$0x1FE00] =	vst v4;
	v4 =	vld [tilespmem:s26+$0x1490]  }
0x13e: {  	[tilespmem:$0x1FE10] =	vst v5;
	v5 =	vld [tilespmem:s26+$0x1C90]  }
0x13f: {  	v17 =	vmax.f32 v19, v17;
	v19 =	vld [tilespmem:s26+$0x5090]  }
0x140: {  	v40 =	vmax.f32 v42, v40;
	v42 =	vld [tilespmem:s26+$0x58D0]  }
0x141: {  	v43 =	vmax.f32 v45, v43;
	v45 =	vld [tilespmem:s26+$0x40E0]  }
0x142: {  	[tilespmem:$0x1FE20] =	vst v4;
	v4 =	vld [tilespmem:s26+$0x2490]  }
0x143: {  	[tilespmem:$0x1FE30] =	vst v5;
	v5 =	vld [tilespmem:s26+$0x2C90]  }
0x144: {  	v62 =	vmax.f32 v60, v61;
	v60 =	vld [tilespmem:s26+$0x8D0]  }
0x145: {  	v61 =	vld [tilespmem:s26+$0x10D0]  }
0x146: {  	v0 =	vmax.f32 v1, v0;
	v1 =	vld [tilespmem:s26+$0x5080]  }
0x147: {  	[tilespmem:$0x1FE40] =	vst v4;
	v4 =	vld [tilespmem:s26+$0x3490]  }
0x148: {  	v20 =	vmax.f32 v21, v20;
	[tilespmem:$0x1FE50] =	vst v5;
	v5 =	vld [tilespmem:s26+$0x3C90]  }
0x149: {  	v17 =	vmax.f32 v20, v17;
	v20 =	vmax.f32 v18, v13;
	v18 =	vmax.f32 v23, v22;
	v22 =	vld [tilespmem:s26+$0x40C0]  }
0x14a: {  	v41 =	vmax.f32 v41, v38;
	v38 =	vld [tilespmem:$0x1FD30]  }
0x14b: {  	v44 =	vmax.f32 v44, v39;
	v39 =	vld [tilespmem:$0x1FD40]  }
0x14c: {  	[tilespmem:$0x1FE60] =	vst v4;
	v4 =	vld [tilespmem:s26+$0x4A0]  }
0x14d: {  	[tilespmem:$0x1FE70] =	vst v5;
	v5 =	vld [tilespmem:s26+$0xCA0]  }
0x14e: {  	v63 =	vmax.f32 v3, v62;
	v62 =	vld [tilespmem:s26+$0x38D0]  }
0x14f: {  	v3 =	vld [tilespmem:s26+$0x4080]  }
0x150: {  	v0 =	vmax.f32 v63, v0;
	v63 =	vld [tilespmem:s26+$0x18D0]  }
0x151: {  	[tilespmem:$0x1FE80] =	vst v4;
	v4 =	vld [tilespmem:s26+$0x14A0]  }
0x152: {  	[tilespmem:$0x1FE90] =	vst v5;
	v5 =	vld [tilespmem:s26+$0x1CA0]  }
0x153: {  	v6 =	vmax.f32 v7, v6;
	v7 =	vld [tilespmem:s26+$0x5890]  }
0x154: {  	v8 =	vmax.f32 v12, v8;
	v12 =	vmax.f32 v16, v14;
	v16 =	vld [tilespmem:s26+$0x50B0]  }
0x155: {  	[tilespmem:$0x1FD70] =	vst v46;
	v46 =	vld [tilespmem:s26+$0x38F0]  }
0x156: {  	[tilespmem:$0x1FEA0] =	vst v4;
	v4 =	vld [tilespmem:s26+$0x24A0]  }
0x157: {  	[tilespmem:$0x1FEB0] =	vst v5;
	v5 =	vld [tilespmem:s26+$0x2CA0]  }
0x158: {  	v0 =	vmul.f32 $5.000000000e+00, v0;
	v21 =	vmax.f32 v10, v9;
	v9 =	vld [tilespmem:s26+$0x58A0]  }
0x159: {  	v13 =	vmax.f32 v15, v11;
	v11 =	vld [tilespmem:s26+$0x40B0]  }
0x15a: {  	[tilespmem:s26+$0x64D0] =	vst v0;
	v0 =	vld [tilespmem:s26+$0x5880]  }
0x15b: {  	[tilespmem:$0x1FEC0] =	vst v4;
	v4 =	vld [tilespmem:s26+$0x34A0]  }
0x15c: {  	v6 =	vmax.f32 v8, v6;
	[tilespmem:$0x1FED0] =	vst v5;
	v5 =	vld [tilespmem:s26+$0x3CA0]  }
0x15d: {  	v17 =	vmax.f32 v17, v6;
	v6 =	vmax.f32 v20, v21;
	v21 =	vmax.f32 v27, v25;
	v25 =	vld [tilespmem:s26+$0x48C0]  }
0x15e: {  	v20 =	vmax.f32 v29, v26;
	v26 =	vld [tilespmem:s26+$0x50C0]  }
0x15f: {  	v29 =	vld [tilespmem:s26+$0x58C0]  }
0x160: {  	[tilespmem:$0x1FEE0] =	vst v4;
	v4 =	vld [tilespmem:s26+$0x4B0]  }
0x161: {  	[tilespmem:$0x1FEF0] =	vst v5;
	v5 =	vld [tilespmem:s26+$0xCB0]  }
0x162: {  	v27 =	vmax.f32 v35, v33;
	v33 =	vld [tilespmem:s26+$0x40D0]  }
0x163: {  	v2 =	vmax.f32 v3, v2;
	v3 =	vld [tilespmem:s26+$0x50A0]  }
0x164: {  	v8 =	vmax.f32 v12, v13;
	v12 =	vld [tilespmem:s26+$0x44A0]  }
0x165: {  	[tilespmem:$0x1FF00] =	vst v4;
	v4 =	vld [tilespmem:s26+$0x14B0]  }
0x166: {  	[tilespmem:$0x1FF10] =	vst v5;
	v5 =	vld [tilespmem:s26+$0x1CB0]  }
0x167: {  	v14 =	vmax.f32 v19, v7;
	v19 =	vld [tilespmem:s26+$0x58B0]  }
0x168: {  	v7 =	vmax.f32 v20, v21;
	v21 =	vld [tilespmem:s26+$0x58E0]  }
0x169: {  	v20 =	vmax.f32 v61, v63;
	v63 =	vld [tilespmem:s26+$0x5CA0]  }
0x16a: {  	[tilespmem:$0x1FF20] =	vst v4;
	v4 =	vld [tilespmem:s26+$0x24B0]  }
0x16b: {  	v0 =	vmax.f32 v1, v0;
	[tilespmem:$0x1FF30] =	vst v5;
	v5 =	vld [tilespmem:s26+$0x2CB0]  }
0x16c: {  	v1 =	vld [tilespmem:s26+$0x40A0];
	v0 =	vmax.f32 v2, v0  }
0x16d: {  	v2 =	vld [tilespmem:s26+$0x48A0];
	v0 =	vmax.f32 v17, v0  }
0x16e: {  	v17 =	vmax.f32 v28, v24;
	v28 =	vmax.f32 v32, v30;
	v30 =	vmax.f32 v37, v36;
	v36 =	vld [tilespmem:s26+$0x48D0]  }
0x16f: {  	[tilespmem:$0x1FF40] =	vst v4;
	v4 =	vld [tilespmem:s26+$0x34B0]  }
0x170: {  	[tilespmem:$0x1FF50] =	vst v5;
	v5 =	vld [tilespmem:s26+$0x3CB0]  }
0x171: {  	v37 =	vld [tilespmem:s26+$0x50D0]  }
0x172: {  	v32 =	vmax.f32 v34, v31;
	v31 =	vmax.f32 v48, v50;
	v48 =	vld [tilespmem:$0x1FD80]  }
0x173: {  	v50 =	vld [tilespmem:$0x1FDA0]  }
0x174: {  	[tilespmem:$0x1FF60] =	vst v4;
	v4 =	vld [tilespmem:s26+$0x4C0]  }
0x175: {  	[tilespmem:$0x1FF70] =	vst v5;
	v5 =	vld [tilespmem:s26+$0xCC0]  }
0x176: {  	v15 =	vmax.f32 v6, v8;
	v6 =	vmax.f32 v17, v18;
	v17 =	vld [tilespmem:s26+$0x48E0]  }
0x177: {  	v18 =	vld [tilespmem:s26+$0x50E0]  }
0x178: {  	v23 =	vmax.f32 v3, v9;
	v3 =	vmax.f32 v27, v28;
	v27 =	vld [tilespmem:s26+$0x50F0]  }
0x179: {  	[tilespmem:$0x1FF80] =	vst v4;
	v4 =	vld [tilespmem:s26+$0x14C0]  }
0x17a: {  	[tilespmem:$0x1FF90] =	vst v5;
	v5 =	vld [tilespmem:s26+$0x1CC0]  }
0x17b: {  	v28 =	vmax.f32 v49, v52;
	v49 =	vld [tilespmem:$0x1FD90]  }
0x17c: {  	v52 =	vld [tilespmem:s26+$0x5C90]  }
0x17d: {  	v24 =	vmax.f32 v6, v7;
	v6 =	vmax.f32 v30, v32;
	v30 =	vld [tilespmem:s26+$0x58F0]  }
0x17e: {  	[tilespmem:$0x1FFA0] =	vst v4;
	v4 =	vld [tilespmem:s26+$0x24C0]  }
0x17f: {  	[tilespmem:$0x1FFB0] =	vst v5;
	v5 =	vld [tilespmem:s26+$0x2CC0]  }
0x180: {  	v34 =	vmax.f32 v3, v6;
	v6 =	vmax.f32 v43, v44;
	v43 =	vld [tilespmem:$0x1FD70]  }
0x181: {  	v44 =	vld [tilespmem:s26+$0x4490]  }
0x182: {  	v32 =	vmax.f32 v51, v54;
	v51 =	vld [tilespmem:$0x1FDB0]  }
0x183: {  	[tilespmem:$0x1FFC0] =	vst v4;
	v4 =	vld [tilespmem:s26+$0x34C0]  }
0x184: {  	[tilespmem:$0x1FFD0] =	vst v5;
	v5 =	vld [tilespmem:s26+$0x3CC0]  }
0x185: {  	v1 =	vmax.f32 v1, v2;
	v2 =	vmax.f32 v22, v25;
	v22 =	vmax.f32 v56, v58;
	v58 =	vld [tilespmem:s26+$0x54A0]  }
0x186: {  	v3 =	vmax.f32 v37, v42;
	v37 =	vld [tilespmem:$0x1FD20]  }
0x187: {  	v42 =	vld [tilespmem:$0x1FD60]  }
0x188: {  	[tilespmem:$0x1FFE0] =	vst v4;
	v4 =	vld [tilespmem:s26+$0x4890]  }
0x189: {  	[tilespmem:$0x1FFF0] =	vst v5;
	v5 =	vld [tilespmem:s26+$0x4090]  }
0x18a: {  	v9 =	vmax.f32 v43, v46;
	v46 =	vld [tilespmem:s26+$0x4C90]  }
0x18b: {  	v54 =	vld [tilespmem:$0x1FDD0]  }
0x18c: {  	v43 =	vld [tilespmem:s26+$0x4CC0]  }
0x18d: {  	v0 =	vmul.f32 $5.000000000e+00, v0;
	v56 =	vld [tilespmem:$0x1FDF0]  }
0x18e: {  	v1 =	vmax.f32 v1, v23;
	v23 =	vmax.f32 v59, v62;
	v59 =	vld [tilespmem:$0x1FE00];
	v4 =	vmax.f32 v5, v4  }
0x18f: {  	v61 =	vld [tilespmem:$0x1FE20];
	v4 =	vmax.f32 v4, v14  }
0x190: {  	[tilespmem:s26+$0x6080] =	vst v0;
	v62 =	vld [tilespmem:$0x1FE30];
	v0 =	vmax.f32 v15, v4  }
0x191: {  	v5 =	vld [tilespmem:s26+$0x48B0];
	v0 =	vmul.f32 $5.000000000e+00, v0  }
0x192: {  	v4 =	vmax.f32 v16, v19;
	v19 =	vmax.f32 v57, v60;
	v60 =	vld [tilespmem:$0x1FE10]  }
0x193: {  	[tilespmem:s26+$0x6090] =	vst v0;
	v0 =	vmax.f32 v24, v1;
	v24 =	vld [tilespmem:s26+$0x40F0]  }
0x194: {  	v1 =	vmax.f32 v26, v29;
	v26 =	vld [tilespmem:s26+$0x48F0]  }
0x195: {  	v29 =	vmax.f32 v53, v55;
	v53 =	vld [tilespmem:$0x1FDC0]  }
0x196: {  	v5 =	vmax.f32 v11, v5;
	v55 =	vld [tilespmem:$0x1FDE0]  }
0x197: {  	v35 =	vmax.f32 v5, v4;
	v4 =	vmax.f32 v33, v36;
	v33 =	vld [tilespmem:s26+$0x4480]  }
0x198: {  	v36 =	vld [tilespmem:s26+$0x5480]  }
0x199: {  	v5 =	vmax.f32 v40, v41;
	v40 =	vld [tilespmem:s26+$0x5C80]  }
0x19a: {  	v41 =	vld [tilespmem:$0x1FD50]  }
0x19b: {  	v16 =	vmax.f32 v5, v6;
	v5 =	vmax.f32 v19, v20;
	v19 =	vld [tilespmem:$0x1FE40]  }
0x19c: {  	v20 =	vld [tilespmem:$0x1FE50]  }
0x19d: {  	v0 =	vmul.f32 $5.000000000e+00, v0;
	v6 =	vmax.f32 v22, v23;
	v22 =	vld [tilespmem:$0x1FE70]  }
0x19e: {  	v23 =	vld [tilespmem:s26+$0x44B0]  }
0x19f: {  	[tilespmem:s26+$0x60A0] =	vst v0;
	v0 =	vmax.f32 v34, v35;
	v35 =	vld [tilespmem:s26+$0x4C80]  }
0x1a0: {  	v25 =	vmax.f32 v5, v6;
	v5 =	vmax.f32 v28, v29;
	v28 =	vld [tilespmem:$0x1FE90]  }
0x1a1: {  	v29 =	vld [tilespmem:s26+$0x5CB0]  }
0x1a2: {  	v6 =	vmax.f32 v31, v32;
	v31 =	vld [tilespmem:$0x1FEB0]  }
0x1a3: {  	v32 =	vld [tilespmem:$0x1FEC0]  }
0x1a4: {  	v34 =	vmax.f32 v5, v6;
	v6 =	vmax.f32 v39, v47;
	v47 =	vld [tilespmem:s26+$0x5490]  }
0x1a5: {  	v0 =	vmul.f32 $5.000000000e+00, v0;
	v39 =	vld [tilespmem:$0x1FF00]  }
0x1a6: {  	v1 =	vmax.f32 v2, v1;
	v3 =	vmax.f32 v4, v3;
	v4 =	vmax.f32 v24, v26;
	v26 =	vld [tilespmem:s26+$0x54B0]  }
0x1a7: {  	v5 =	vmax.f32 v37, v38;
	[tilespmem:s26+$0x60B0] =	vst v0;
	v0 =	vmax.f32 v16, v1;
	v1 =	vmax.f32 v18, v21;
	v21 =	vld [tilespmem:$0x1FE60]  }
0x1a8: {  	v5 =	vmax.f32 v5, v6;
	v6 =	vmax.f32 v41, v42;
	v41 =	vld [tilespmem:$0x1FF20]  }
0x1a9: {  	v42 =	vld [tilespmem:$0x1FF30]  }
0x1aa: {  	v6 =	vmax.f32 v6, v9;
	v9 =	vmax.f32 v55, v56;
	v55 =	vld [tilespmem:$0x1FFD0]  }
0x1ab: {  	v2 =	vmax.f32 v45, v17;
	v56 =	vld [tilespmem:$0x1FFE0]  }
0x1ac: {  	v1 =	vmax.f32 v2, v1;
	v2 =	vmax.f32 v33, v35;
	v33 =	vld [tilespmem:$0x1FED0]  }
0x1ad: {  	v35 =	vld [tilespmem:$0x1FEF0]  }
0x1ae: {  	v45 =	vmax.f32 v5, v6;
	v5 =	vmax.f32 v48, v49;
	v48 =	vld [tilespmem:s26+$0x54C0]  }
0x1af: {  	v0 =	vmul.f32 $5.000000000e+00, v0;
	v49 =	vld [tilespmem:$0x1FF80]  }
0x1b0: {  	v6 =	vmax.f32 v50, v51;
	v51 =	vld [tilespmem:$0x1FFA0]  }
0x1b1: {  	[tilespmem:s26+$0x60C0] =	vst v0;
	v0 =	vmax.f32 v25, v3;
	v25 =	vld [tilespmem:s26+$0x4CB0]  }
0x1b2: {  	v3 =	vmax.f32 v27, v30;
	v27 =	vld [tilespmem:$0x1FE80]  }
0x1b3: {  	v30 =	vld [tilespmem:$0x1FEA0]  }
0x1b4: {  	v5 =	vmax.f32 v5, v6;
	v6 =	vmax.f32 v53, v54;
	v53 =	vld [tilespmem:s26+$0x5CC0];
	v0 =	vmul.f32 $5.000000000e+00, v0  }
0x1b5: {  	v3 =	vmax.f32 v4, v3;
	v6 =	vmax.f32 v6, v9;
	v4 =	vmax.f32 v44, v46;
	v44 =	vld [tilespmem:$0x1FF40]  }
0x1b6: {  	v46 =	vld [tilespmem:$0x1FF60];
	v57 =	vmax.f32 v5, v6;
	v5 =	vmax.f32 v59, v60  }
0x1b7: {  	v6 =	vmax.f32 v61, v62;
	v9 =	vmax.f32 v21, v22;
	[tilespmem:s26+$0x60D0] =	vst v0;
	v0 =	vmax.f32 v34, v1;
	v34 =	vld [tilespmem:$0x1FEE0]  }
0x1b8: {  	v1 =	vmax.f32 v36, v40;
	v5 =	vmax.f32 v5, v6;
	v6 =	vmax.f32 v19, v20;
	v36 =	vld [tilespmem:s26+$0x44C0]  }
0x1b9: {  	v60 =	vmax.f32 v26, v29;
	v40 =	vld [tilespmem:$0x1FF10];
	v0 =	vmul.f32 $5.000000000e+00, v0;
	v6 =	vmax.f32 v6, v9  }
0x1ba: {  	v1 =	vmax.f32 v2, v1;
	v2 =	vld [tilespmem:s26+$0x4CA0];
	v9 =	vmax.f32 v32, v33;
	v24 =	vmax.f32 v5, v6  }
0x1bb: {  	v5 =	vmax.f32 v27, v28;
	v8 =	vmax.f32 v30, v31;
	[tilespmem:s26+$0x60E0] =	vst v0;
	v0 =	vmax.f32 v45, v3;
	v45 =	vld [tilespmem:$0x1FF50]  }
0x1bc: {  	v59 =	vmax.f32 v23, v25;
	v62 =	vmax.f32 v48, v53;
	v3 =	vmax.f32 v47, v52;
	v47 =	vld [tilespmem:$0x1FF70]  }
0x1bd: {  	v5 =	vmax.f32 v5, v8;
	v8 =	vmax.f32 v41, v42;
	v52 =	vld [tilespmem:$0x1FFB0];
	v0 =	vmul.f32 $5.000000000e+00, v0  }
0x1be: {  	v50 =	vld [tilespmem:$0x1FF90];
	v3 =	vmax.f32 v4, v3;
	v11 =	vmax.f32 v34, v35;
	v61 =	vmax.f32 v36, v43  }
0x1bf: {  	v54 =	vld [tilespmem:$0x1FFC0];
	[tilespmem:s26+$0x60F0] =	vst v0;
	v0 =	vmax.f32 v57, v1;
	v37 =	vmax.f32 v9, v11;
	v2 =	vmax.f32 v12, v2  }
0x1c0: {  	v57 =	vld [tilespmem:$0x1FFF0];
	v1 =	vmax.f32 v58, v63;
	v38 =	vmax.f32 v5, v37;
	v5 =	vmax.f32 v39, v40  }
0x1c1: {  	v0 =	vmul.f32 $5.000000000e+00, v0;
	v1 =	vmax.f32 v2, v1;
	v5 =	vmax.f32 v5, v8  }
0x1c2: {  	v8 =	vmax.f32 v44, v45;
	v11 =	vmax.f32 v46, v47;
	v15 =	vmax.f32 v51, v52  }
0x1c3: {  	[tilespmem:s26+$0x6480] =	vst v0;
	v0 =	vmax.f32 v24, v3;
	v8 =	vmax.f32 v8, v11;
	v11 =	vmax.f32 v49, v50  }
0x1c4: {  	v2 =	vmax.f32 v61, v62;
	v0 =	vmul.f32 $5.000000000e+00, v0;
	v11 =	vmax.f32 v11, v15  }
0x1c5: {  	v15 =	vmax.f32 v54, v55;
	v5 =	vmax.f32 v5, v8;
	v17 =	vmax.f32 v56, v57  }
0x1c6: {  	[tilespmem:s26+$0x6490] =	vst v0;
	v15 =	vmax.f32 v15, v17;
	v0 =	vmax.f32 v38, v1;
	v1 =	vmax.f32 v59, v60  }
0x1c7: {  	v58 =	vmax.f32 v11, v15;
	v0 =	vmul.f32 $5.000000000e+00, v0;
	v1 =	vmax.f32 v5, v1  }
0x1c8: {  	v1 =	vmul.f32 $5.000000000e+00, v1;
	v2 =	vmax.f32 v58, v2  }
0x1c9: {  	s25 =	sadd.s32 $0x1, s25;
	[tilespmem:s26+$0x64A0] =	vst v0;
	v63 =	vmul.f32 $5.000000000e+00, v2  }
0x1ca: {  	p0 =	sne.s32 s25, s9;
	[tilespmem:s26+$0x64B0] =	vst v1  }
.Ltmp2:
0x1cb: {  	[tilespmem:s26+$0x64C0] =	vst v63;
	(pc) =	sbr.rel @p0 .LBB2_2-.Ltmp2, $4  }
0x1cc: {  	[hbm4b:s8+s4] =	stream.linear.scatter [tilespmem:s23], [sflag:$0x2], $0x800, $0x38;
	[tilespmem:$0x6880] =	vst v63  }
0x1cd: {  	_ =	swait.ge [sflag:s24], $0x800  }
0x1ce: {  	[sflag:s24] =	ssyncset.done $0x0  }
0x1cf: {  	[sflag:s24] =	ssyncadd.s32 $0xFFFFF800  }
.LBB2_5:
0x1d0: {  	_ =	sfence.sel $0x180000  }
0x1d1: {  	[bflag:$0x0] =	sbarrier.arrive $0xFFFF  }
0x1d2: {  	p0 =	sne.s32 s2, $0x0;
	_ =	strace $0x90000047  }
0x1d3: {  	s0 =	sadd.s32 @!p0 $0x100000, s0;
	[bflag:$0x2] =	sbarrier.arrive $0xFFFF  }
0x1d4: {  	[sflag:s0] =	ssyncadd.tile.s32 @!p0 $0x1;
	_ =	shalt  }
.Lfunc_end2:
_tile_overlayer_lowered:
.L_overlay_start_2:
0x1d5: {  	(tag) =	ssettag $0x2  }
0x1d6: {  	s0 =	rddreg [dreg:$0x0];
	s2 =	stileid.u32  }
0x1d7: {  	s1 =	rddreg [dreg:$0x1];
	p0 =	sne.s32 s2, $0x0  }
0x1d8: {  	s3 =	rddreg [dreg:$0x2];
	[bflag:$0x3] =	sbarrier.arrive $0xFFFF;
	s2 =	simm.s32 @!p0 $0x1C03  }
0x1d9: {  	[timem:s3], [sflag:s2] =	dma.local @!p0 [hbm:s0], s1  }
0x1da: {  	s0 =	simm.s32 @!p0 $0x3  }
0x1db: {  	_ =	swait.ge @!p0 [sflag:s0], s1  }
0x1dc: {  	s1 =	ssub.s32 @!p0 $0x0, s1;
	[sflag:s0] =	ssyncset.done @!p0 $0x0  }
0x1dd: {  	[sflag:s0] =	ssyncadd.s32 @!p0 s1  }
0x1de: {  	[bflag:$0x3] =	sbarrier.arrive $0xFFFF  }
0x1df: {  	_ =	shalt  }

</sc_bundles>
